<compile_context>
chip_gen: v7x
topology: tpu7x:2x2x1
jax: 0.10.2.dev20260603
libtpu: 0.0.44.dev20260713+nightly
codegen_flags: <defaults>
</compile_context>

<pallas_src>
import jax
import jax.numpy as jnp
from jax import lax
from jax.experimental import pallas as pl
from jax.experimental.pallas import tpu as pltpu
from jax.experimental.pallas import tpu_sc as plsc

EMB = 64
SEQ = 200
BATCH = 4096
NW = 32
BLK = 128
NBUF = 4
NLANE = 16
SCALE = 8.0
KE = EMB // NLANE
OPAD = BLK + 1


def _body(ids_hbm, tok_hbm, pos_hbm, out_hbm, idx_v, pos_v, gbuf, obuf,
          gs0, gs1, gs2, gs3, os0, os1, os2, os3):
    gsems = [gs0, gs1, gs2, gs3]
    osems = [os0, os1, os2, os3]
    cid = lax.axis_index("c")
    sid = lax.axis_index("s")
    wid = cid * 16 + sid
    b0 = wid * BLK
    pltpu.sync_copy(ids_hbm.at[:, pl.ds(b0, BLK)], idx_v)
    pltpu.sync_copy(pos_hbm, pos_v)

    iot = lax.iota(jnp.int32, NLANE)
    eslot = [[iot + NLANE * k + EMB * slot for k in range(KE)]
             for slot in range(NBUF)]

    def gather_copy(slot):
        return pltpu.make_async_copy(
            tok_hbm.at[idx_v.at[0]], gbuf.at[slot], gsems[slot])

    def gather_start(s, slot):
        pltpu.make_async_copy(
            tok_hbm.at[idx_v.at[s]], gbuf.at[slot], gsems[slot]).start()

    def out_copies(s, slot):
        return [pltpu.make_async_copy(
            obuf.at[pl.ds(slot * EMB + 8 * r, 8), pl.ds(0, BLK)],
            out_hbm.at[s, r, wid], osems[slot])
            for r in range(8)]

    def out_wait(slot):
        pltpu.make_async_copy(
            tok_hbm.at[pl.ds(0, BLK)], gbuf.at[slot], osems[slot]).wait()

    def compute_chunk(s, slot):
        pvec = [pos_v[s, pl.ds(NLANE * k, NLANE)] for k in range(KE)]
        RB = 4

        def group(g, c):
            j0 = g * RB
            chains = [(jl, k) for jl in range(RB) for k in range(KE)]
            gvs = [gbuf[slot, j0 + jl, pl.ds(NLANE * k, NLANE)]
                   for jl, k in chains]
            jvec = [jnp.zeros((NLANE,), jnp.int32) + (j0 + jl)
                    for jl in range(RB)]
            vals = [SCALE * gv for gv in gvs]
            vals = [v + pvec[k] for v, (_, k) in zip(vals, chains)]
            for (jl, k), val in zip(chains, vals):
                plsc.store_scatter(obuf, [eslot[slot][k], jvec[jl]], val)
            return c

        lax.fori_loop(0, BLK // RB, group, 0)

    for b in range(NBUF):
        gather_start(b, b)

    def outer(i0, carry):
        for b in range(NBUF):
            s = i0 * NBUF + b
            gather_copy(b).wait()

            @pl.when(i0 >= 1)
            def _():
                out_wait(b)

            compute_chunk(s, b)
            for c in out_copies(s, b):
                c.start()

            @pl.when(s + NBUF < SEQ)
            def _():
                gather_start(s + NBUF, b)
        return carry

    lax.fori_loop(0, SEQ // NBUF, outer, 0)
    for t in range(SEQ - SEQ % NBUF, SEQ):
        b = t % NBUF
        gather_copy(b).wait()
        out_wait(b)
        compute_chunk(t, b)
        for c in out_copies(t, b):
            c.start()
    for t in range(SEQ - NBUF, SEQ):
        out_wait(t % NBUF)


def kernel(input_ids, tok_table, pos_table):
    ids_t = input_ids.astype(jnp.int32).T
    mesh = plsc.VectorSubcoreMesh(core_axis_name="c", subcore_axis_name="s")
    out = pl.kernel(
        _body,
        out_type=jax.ShapeDtypeStruct((SEQ, 8, NW, 8, BLK), jnp.float32),
        mesh=mesh,
        compiler_params=pltpu.CompilerParams(use_tc_tiling_on_sc=False,
                                             needs_layout_passes=False),
        scratch_types=[
            pltpu.VMEM((SEQ, BLK), jnp.int32),
            pltpu.VMEM((SEQ, EMB), jnp.float32),
            pltpu.VMEM((NBUF, BLK, EMB), jnp.float32),
            pltpu.VMEM((NBUF * EMB, OPAD), jnp.float32),
        ] + [pltpu.SemaphoreType.DMA] * (2 * NBUF),
    )(ids_t, tok_table, pos_table)
    out = out.transpose(2, 4, 0, 1, 3)
    return out.reshape(BATCH, SEQ, EMB)

# --- scband reference (transcript-rebuilt; emitter-appended) ---
"""Pipeline reference for scband-transformer-embedding-36610301231676 (READ-ONLY COPY).

The authoritative reference and input builder live on the scoring server;
editing this copy changes nothing except your own understanding.
"""

import jax, jax.numpy as jnp
import numpy as np

VOCAB = 1000000
EMB = 64
MAXLEN = 200
BATCH = 4096
SEQ = 200

def setup_inputs(seed: int = 0) -> dict:
    key = jax.random.key(seed)
    k1, k2, k3 = jax.random.split(key, 3)
    input_ids = jax.random.randint(k1, (BATCH, SEQ), 0, VOCAB, dtype=jnp.int64) if jax.config.jax_enable_x64 else jax.random.randint(k1, (BATCH, SEQ), 0, VOCAB, dtype=jnp.int32)
    tok_table = jax.random.normal(k2, (VOCAB, EMB), dtype=jnp.float32)
    pos_table = jax.random.normal(k3, (MAXLEN, EMB), dtype=jnp.float32)
    return {"input_ids": input_ids, "tok_table": tok_table, "pos_table": pos_table}

def reference(input_ids, tok_table, pos_table):
    # token embedding lookup (SparseCore gather)
    token_emb = jnp.take(tok_table, input_ids, axis=0)  # [B, S, E]
    # learned positional embedding: pos = arange(seq_len) broadcast over batch
    seq_len = input_ids.shape[1]
    pos = jnp.arange(seq_len)
    pos_emb = jnp.take(pos_table, pos, axis=0)  # [S, E]
    pos_emb = jnp.broadcast_to(pos_emb[None, :, :], token_emb.shape)
    scale = np.sqrt(EMB)
    # dropout p=0.0 -> identity
    comb_emb = scale * token_emb + pos_emb
    return comb_emb

if __name__ == "__main__":
    import jax
    _d = setup_inputs()
    print(jax.jit(kernel)(*tuple(_d.values())))

</pallas_src>

<mosaic_0001>
#map = affine_map<(d0, d1) -> (0, 0)>
#map1 = affine_map<(d0, d1) -> (0, 0, 0, 0, 0)>
module attributes {stable_mosaic.version = 14 : i64} {
  func.func @_body(%arg0: i32, %arg1: i32, %arg2: memref<200x4096xi32, #tpu.memory_space<hbm>>, %arg3: memref<1000000x64xf32, #tpu.memory_space<hbm>>, %arg4: memref<200x64xf32, #tpu.memory_space<hbm>>, %arg5: memref<200x8x32x8x128xf32, #tpu.memory_space<hbm>>, %arg6: memref<200x128xi32, #tpu.memory_space<vmem>>, %arg7: memref<200x64xf32, #tpu.memory_space<vmem>>, %arg8: memref<4x128x64xf32, #tpu.memory_space<vmem>>, %arg9: memref<256x129xf32, #tpu.memory_space<vmem>>, %arg10: memref<!tpu.dma_semaphore, #tpu.memory_space<semaphore_mem>>, %arg11: memref<!tpu.dma_semaphore, #tpu.memory_space<semaphore_mem>>, %arg12: memref<!tpu.dma_semaphore, #tpu.memory_space<semaphore_mem>>, %arg13: memref<!tpu.dma_semaphore, #tpu.memory_space<semaphore_mem>>, %arg14: memref<!tpu.dma_semaphore, #tpu.memory_space<semaphore_mem>>, %arg15: memref<!tpu.dma_semaphore, #tpu.memory_space<semaphore_mem>>, %arg16: memref<!tpu.dma_semaphore, #tpu.memory_space<semaphore_mem>>, %arg17: memref<!tpu.dma_semaphore, #tpu.memory_space<semaphore_mem>>) attributes {dimension_semantics = [#tpu.dimension_semantics<core_parallel>, #tpu.dimension_semantics<subcore_parallel>], iteration_bounds = array<i64: 2, 16>, scalar_prefetch = 0 : i64, scratch_operands = 12 : i64, tpu.core_type = #tpu.core_type<sc_vector_subcore>, window_params = [{transform_indices = #map}, {transform_indices = #map}, {transform_indices = #map}, {transform_indices = #map1}]} {
    %mul3A = arith.constant 16 : i32
    %mul3A_0 = arith.muli %arg0, %mul3A : i32
    %add3A = arith.addi %mul3A_0, %arg1 : i32
    %mul3A_1 = arith.constant 128 : i32
    %mul3A_2 = arith.muli %add3A, %mul3A_1 : i32
    "tpu.region"() ({
      %run_scoped3A = tpu.sem_alloc : memref<!tpu.dma_semaphore, #tpu.memory_space<semaphore_mem>>
      %dma_start3A_210 = arith.constant 0 : i32
      %dma_start3A_211 = tpu.memref_slice %arg2[%dma_start3A_210, %mul3A_2] : memref<200x4096xi32, #tpu.memory_space<hbm>> -> memref<200x128xi32, #tpu.memory_space<hbm>>
      %dma_start3A_212 = arith.constant 0 : i32
      %dma_start3A_213 = tpu.memref_slice %arg2[%dma_start3A_212, %mul3A_2] : memref<200x4096xi32, #tpu.memory_space<hbm>> -> memref<200x128xi32, #tpu.memory_space<hbm>>
      tpu.enqueue_dma source(%dma_start3A_213 : memref<200x128xi32, #tpu.memory_space<hbm>>) target(%arg6 : memref<200x128xi32, #tpu.memory_space<vmem>>) target_semaphore(%run_scoped3A : memref<!tpu.dma_semaphore, #tpu.memory_space<semaphore_mem>>)
      %dma_wait3A_214 = arith.constant 0 : i32
      %dma_wait3A_215 = tpu.memref_slice %arg2[%dma_wait3A_214, %mul3A_2] : memref<200x4096xi32, #tpu.memory_space<hbm>> -> memref<200x128xi32, #tpu.memory_space<hbm>>
      %dma_wait3A_216 = arith.constant 0 : i32
      %dma_wait3A_217 = tpu.memref_slice %arg2[%dma_wait3A_216, %mul3A_2] : memref<200x4096xi32, #tpu.memory_space<hbm>> -> memref<200x128xi32, #tpu.memory_space<hbm>>
      tpu.wait_dma2 semaphore(%run_scoped3A : memref<!tpu.dma_semaphore, #tpu.memory_space<semaphore_mem>>) src(%dma_wait3A_217 : memref<200x128xi32, #tpu.memory_space<hbm>>) dst(%arg6 : memref<200x128xi32, #tpu.memory_space<vmem>>)
      tpu.yield
    }) : () -> ()
    "tpu.region"() ({
      %run_scoped3A = tpu.sem_alloc : memref<!tpu.dma_semaphore, #tpu.memory_space<semaphore_mem>>
      tpu.enqueue_dma source(%arg4 : memref<200x64xf32, #tpu.memory_space<hbm>>) target(%arg7 : memref<200x64xf32, #tpu.memory_space<vmem>>) target_semaphore(%run_scoped3A : memref<!tpu.dma_semaphore, #tpu.memory_space<semaphore_mem>>)
      tpu.wait_dma2 semaphore(%run_scoped3A : memref<!tpu.dma_semaphore, #tpu.memory_space<semaphore_mem>>) src(%arg4 : memref<200x64xf32, #tpu.memory_space<hbm>>) dst(%arg7 : memref<200x64xf32, #tpu.memory_space<vmem>>)
      tpu.yield
    }) : () -> ()
    %iota3A = tpu.iota {dimensions = array<i32: 0>} : vector<16xi32>
    %add3A_3 = arith.constant 0 : i32
    %add3A_4 = vector.broadcast %add3A_3 : i32 to vector<16xi32>
    %add3A_5 = arith.addi %iota3A, %add3A_4 : vector<16xi32>
    %add3A_6 = arith.constant 0 : i32
    %add3A_7 = vector.broadcast %add3A_6 : i32 to vector<16xi32>
    %add3A_8 = arith.addi %add3A_5, %add3A_7 : vector<16xi32>
    %add3A_9 = arith.constant 16 : i32
    %add3A_10 = vector.broadcast %add3A_9 : i32 to vector<16xi32>
    %add3A_11 = arith.addi %iota3A, %add3A_10 : vector<16xi32>
    %add3A_12 = arith.constant 0 : i32
    %add3A_13 = vector.broadcast %add3A_12 : i32 to vector<16xi32>
    %add3A_14 = arith.addi %add3A_11, %add3A_13 : vector<16xi32>
    %add3A_15 = arith.constant 32 : i32
    %add3A_16 = vector.broadcast %add3A_15 : i32 to vector<16xi32>
    %add3A_17 = arith.addi %iota3A, %add3A_16 : vector<16xi32>
    %add3A_18 = arith.constant 0 : i32
    %add3A_19 = vector.broadcast %add3A_18 : i32 to vector<16xi32>
    %add3A_20 = arith.addi %add3A_17, %add3A_19 : vector<16xi32>
    %add3A_21 = arith.constant 48 : i32
    %add3A_22 = vector.broadcast %add3A_21 : i32 to vector<16xi32>
    %add3A_23 = arith.addi %iota3A, %add3A_22 : vector<16xi32>
    %add3A_24 = arith.constant 0 : i32
    %add3A_25 = vector.broadcast %add3A_24 : i32 to vector<16xi32>
    %add3A_26 = arith.addi %add3A_23, %add3A_25 : vector<16xi32>
    %add3A_27 = arith.constant 0 : i32
    %add3A_28 = vector.broadcast %add3A_27 : i32 to vector<16xi32>
    %add3A_29 = arith.addi %iota3A, %add3A_28 : vector<16xi32>
    %add3A_30 = arith.constant 64 : i32
    %add3A_31 = vector.broadcast %add3A_30 : i32 to vector<16xi32>
    %add3A_32 = arith.addi %add3A_29, %add3A_31 : vector<16xi32>
    %add3A_33 = arith.constant 16 : i32
    %add3A_34 = vector.broadcast %add3A_33 : i32 to vector<16xi32>
    %add3A_35 = arith.addi %iota3A, %add3A_34 : vector<16xi32>
    %add3A_36 = arith.constant 64 : i32
    %add3A_37 = vector.broadcast %add3A_36 : i32 to vector<16xi32>
    %add3A_38 = arith.addi %add3A_35, %add3A_37 : vector<16xi32>
    %add3A_39 = arith.constant 32 : i32
    %add3A_40 = vector.broadcast %add3A_39 : i32 to vector<16xi32>
    %add3A_41 = arith.addi %iota3A, %add3A_40 : vector<16xi32>
    %add3A_42 = arith.constant 64 : i32
    %add3A_43 = vector.broadcast %add3A_42 : i32 to vector<16xi32>
    %add3A_44 = arith.addi %add3A_41, %add3A_43 : vector<16xi32>
    %add3A_45 = arith.constant 48 : i32
    %add3A_46 = vector.broadcast %add3A_45 : i32 to vector<16xi32>
    %add3A_47 = arith.addi %iota3A, %add3A_46 : vector<16xi32>
    %add3A_48 = arith.constant 64 : i32
    %add3A_49 = vector.broadcast %add3A_48 : i32 to vector<16xi32>
    %add3A_50 = arith.addi %add3A_47, %add3A_49 : vector<16xi32>
    %add3A_51 = arith.constant 0 : i32
    %add3A_52 = vector.broadcast %add3A_51 : i32 to vector<16xi32>
    %add3A_53 = arith.addi %iota3A, %add3A_52 : vector<16xi32>
    %add3A_54 = arith.constant 128 : i32
    %add3A_55 = vector.broadcast %add3A_54 : i32 to vector<16xi32>
    %add3A_56 = arith.addi %add3A_53, %add3A_55 : vector<16xi32>
    %add3A_57 = arith.constant 16 : i32
    %add3A_58 = vector.broadcast %add3A_57 : i32 to vector<16xi32>
    %add3A_59 = arith.addi %iota3A, %add3A_58 : vector<16xi32>
    %add3A_60 = arith.constant 128 : i32
    %add3A_61 = vector.broadcast %add3A_60 : i32 to vector<16xi32>
    %add3A_62 = arith.addi %add3A_59, %add3A_61 : vector<16xi32>
    %add3A_63 = arith.constant 32 : i32
    %add3A_64 = vector.broadcast %add3A_63 : i32 to vector<16xi32>
    %add3A_65 = arith.addi %iota3A, %add3A_64 : vector<16xi32>
    %add3A_66 = arith.constant 128 : i32
    %add3A_67 = vector.broadcast %add3A_66 : i32 to vector<16xi32>
    %add3A_68 = arith.addi %add3A_65, %add3A_67 : vector<16xi32>
    %add3A_69 = arith.constant 48 : i32
    %add3A_70 = vector.broadcast %add3A_69 : i32 to vector<16xi32>
    %add3A_71 = arith.addi %iota3A, %add3A_70 : vector<16xi32>
    %add3A_72 = arith.constant 128 : i32
    %add3A_73 = vector.broadcast %add3A_72 : i32 to vector<16xi32>
    %add3A_74 = arith.addi %add3A_71, %add3A_73 : vector<16xi32>
    %add3A_75 = arith.constant 0 : i32
    %add3A_76 = vector.broadcast %add3A_75 : i32 to vector<16xi32>
    %add3A_77 = arith.addi %iota3A, %add3A_76 : vector<16xi32>
    %add3A_78 = arith.constant 192 : i32
    %add3A_79 = vector.broadcast %add3A_78 : i32 to vector<16xi32>
    %add3A_80 = arith.addi %add3A_77, %add3A_79 : vector<16xi32>
    %add3A_81 = arith.constant 16 : i32
    %add3A_82 = vector.broadcast %add3A_81 : i32 to vector<16xi32>
    %add3A_83 = arith.addi %iota3A, %add3A_82 : vector<16xi32>
    %add3A_84 = arith.constant 192 : i32
    %add3A_85 = vector.broadcast %add3A_84 : i32 to vector<16xi32>
    %add3A_86 = arith.addi %add3A_83, %add3A_85 : vector<16xi32>
    %add3A_87 = arith.constant 32 : i32
    %add3A_88 = vector.broadcast %add3A_87 : i32 to vector<16xi32>
    %add3A_89 = arith.addi %iota3A, %add3A_88 : vector<16xi32>
    %add3A_90 = arith.constant 192 : i32
    %add3A_91 = vector.broadcast %add3A_90 : i32 to vector<16xi32>
    %add3A_92 = arith.addi %add3A_89, %add3A_91 : vector<16xi32>
    %add3A_93 = arith.constant 48 : i32
    %add3A_94 = vector.broadcast %add3A_93 : i32 to vector<16xi32>
    %add3A_95 = arith.addi %iota3A, %add3A_94 : vector<16xi32>
    %add3A_96 = arith.constant 192 : i32
    %add3A_97 = vector.broadcast %add3A_96 : i32 to vector<16xi32>
    %add3A_98 = arith.addi %add3A_95, %add3A_97 : vector<16xi32>
    %dma_start3A = arith.constant 0 : i32
    %dma_start3A_99 = arith.constant 0 : i32
    %dma_start3A_100 = arith.constant 0 : i32
    %dma_start3A_101 = arith.constant 0 : i32
    %dma_start3A_102 = tpu.memref_slice %arg8[%dma_start3A_99, %dma_start3A_100, %dma_start3A_101] : memref<4x128x64xf32, #tpu.memory_space<vmem>> -> memref<1x128x64xf32, #tpu.memory_space<vmem>>
    %dma_start3A_103 = tpu.memref_squeeze %dma_start3A_102 : memref<1x128x64xf32, #tpu.memory_space<vmem>> -> memref<128x64xf32, #tpu.memory_space<vmem>>
    %dma_start3A_104 = arith.constant 0 : i32
    %dma_start3A_105 = tpu.memref_slice %arg6[%dma_start3A, %dma_start3A_104] : memref<200x128xi32, #tpu.memory_space<vmem>> -> memref<1x128xi32, #tpu.memory_space<vmem>>
    %dma_start3A_106 = tpu.memref_squeeze %dma_start3A_105 : memref<1x128xi32, #tpu.memory_space<vmem>> -> memref<128xi32, #tpu.memory_space<vmem>>
    %dma_start3A_107 = arith.constant 0 : i32
    %dma_start3A_108 = arith.constant 0 : i32
    %dma_start3A_109 = tpu.memref_slice %arg3[%dma_start3A_107, %dma_start3A_108] : memref<1000000x64xf32, #tpu.memory_space<hbm>> -> memref<1000000x64xf32, #tpu.memory_space<hbm>>
    tpu.enqueue_indirect_dma source(%dma_start3A_109 : memref<1000000x64xf32, #tpu.memory_space<hbm>>) target(%dma_start3A_103 : memref<128x64xf32, #tpu.memory_space<vmem>>) offsets(%dma_start3A_106 : memref<128xi32, #tpu.memory_space<vmem>>) semaphore(%arg10 : memref<!tpu.dma_semaphore, #tpu.memory_space<semaphore_mem>>)
    %dma_start3A_110 = arith.constant 1 : i32
    %dma_start3A_111 = arith.constant 1 : i32
    %dma_start3A_112 = arith.constant 0 : i32
    %dma_start3A_113 = arith.constant 0 : i32
    %dma_start3A_114 = tpu.memref_slice %arg8[%dma_start3A_111, %dma_start3A_112, %dma_start3A_113] : memref<4x128x64xf32, #tpu.memory_space<vmem>> -> memref<1x128x64xf32, #tpu.memory_space<vmem>>
    %dma_start3A_115 = tpu.memref_squeeze %dma_start3A_114 : memref<1x128x64xf32, #tpu.memory_space<vmem>> -> memref<128x64xf32, #tpu.memory_space<vmem>>
    %dma_start3A_116 = arith.constant 0 : i32
    %dma_start3A_117 = tpu.memref_slice %arg6[%dma_start3A_110, %dma_start3A_116] : memref<200x128xi32, #tpu.memory_space<vmem>> -> memref<1x128xi32, #tpu.memory_space<vmem>>
    %dma_start3A_118 = tpu.memref_squeeze %dma_start3A_117 : memref<1x128xi32, #tpu.memory_space<vmem>> -> memref<128xi32, #tpu.memory_space<vmem>>
    %dma_start3A_119 = arith.constant 0 : i32
    %dma_start3A_120 = arith.constant 0 : i32
    %dma_start3A_121 = tpu.memref_slice %arg3[%dma_start3A_119, %dma_start3A_120] : memref<1000000x64xf32, #tpu.memory_space<hbm>> -> memref<1000000x64xf32, #tpu.memory_space<hbm>>
    tpu.enqueue_indirect_dma source(%dma_start3A_121 : memref<1000000x64xf32, #tpu.memory_space<hbm>>) target(%dma_start3A_115 : memref<128x64xf32, #tpu.memory_space<vmem>>) offsets(%dma_start3A_118 : memref<128xi32, #tpu.memory_space<vmem>>) semaphore(%arg11 : memref<!tpu.dma_semaphore, #tpu.memory_space<semaphore_mem>>)
    %dma_start3A_122 = arith.constant 2 : i32
    %dma_start3A_123 = arith.constant 2 : i32
    %dma_start3A_124 = arith.constant 0 : i32
    %dma_start3A_125 = arith.constant 0 : i32
    %dma_start3A_126 = tpu.memref_slice %arg8[%dma_start3A_123, %dma_start3A_124, %dma_start3A_125] : memref<4x128x64xf32, #tpu.memory_space<vmem>> -> memref<1x128x64xf32, #tpu.memory_space<vmem>>
    %dma_start3A_127 = tpu.memref_squeeze %dma_start3A_126 : memref<1x128x64xf32, #tpu.memory_space<vmem>> -> memref<128x64xf32, #tpu.memory_space<vmem>>
    %dma_start3A_128 = arith.constant 0 : i32
    %dma_start3A_129 = tpu.memref_slice %arg6[%dma_start3A_122, %dma_start3A_128] : memref<200x128xi32, #tpu.memory_space<vmem>> -> memref<1x128xi32, #tpu.memory_space<vmem>>
    %dma_start3A_130 = tpu.memref_squeeze %dma_start3A_129 : memref<1x128xi32, #tpu.memory_space<vmem>> -> memref<128xi32, #tpu.memory_space<vmem>>
    %dma_start3A_131 = arith.constant 0 : i32
    %dma_start3A_132 = arith.constant 0 : i32
    %dma_start3A_133 = tpu.memref_slice %arg3[%dma_start3A_131, %dma_start3A_132] : memref<1000000x64xf32, #tpu.memory_space<hbm>> -> memref<1000000x64xf32, #tpu.memory_space<hbm>>
    tpu.enqueue_indirect_dma source(%dma_start3A_133 : memref<1000000x64xf32, #tpu.memory_space<hbm>>) target(%dma_start3A_127 : memref<128x64xf32, #tpu.memory_space<vmem>>) offsets(%dma_start3A_130 : memref<128xi32, #tpu.memory_space<vmem>>) semaphore(%arg12 : memref<!tpu.dma_semaphore, #tpu.memory_space<semaphore_mem>>)
    %dma_start3A_134 = arith.constant 3 : i32
    %dma_start3A_135 = arith.constant 3 : i32
    %dma_start3A_136 = arith.constant 0 : i32
    %dma_start3A_137 = arith.constant 0 : i32
    %dma_start3A_138 = tpu.memref_slice %arg8[%dma_start3A_135, %dma_start3A_136, %dma_start3A_137] : memref<4x128x64xf32, #tpu.memory_space<vmem>> -> memref<1x128x64xf32, #tpu.memory_space<vmem>>
    %dma_start3A_139 = tpu.memref_squeeze %dma_start3A_138 : memref<1x128x64xf32, #tpu.memory_space<vmem>> -> memref<128x64xf32, #tpu.memory_space<vmem>>
    %dma_start3A_140 = arith.constant 0 : i32
    %dma_start3A_141 = tpu.memref_slice %arg6[%dma_start3A_134, %dma_start3A_140] : memref<200x128xi32, #tpu.memory_space<vmem>> -> memref<1x128xi32, #tpu.memory_space<vmem>>
    %dma_start3A_142 = tpu.memref_squeeze %dma_start3A_141 : memref<1x128xi32, #tpu.memory_space<vmem>> -> memref<128xi32, #tpu.memory_space<vmem>>
    %dma_start3A_143 = arith.constant 0 : i32
    %dma_start3A_144 = arith.constant 0 : i32
    %dma_start3A_145 = tpu.memref_slice %arg3[%dma_start3A_143, %dma_start3A_144] : memref<1000000x64xf32, #tpu.memory_space<hbm>> -> memref<1000000x64xf32, #tpu.memory_space<hbm>>
    tpu.enqueue_indirect_dma source(%dma_start3A_145 : memref<1000000x64xf32, #tpu.memory_space<hbm>>) target(%dma_start3A_139 : memref<128x64xf32, #tpu.memory_space<vmem>>) offsets(%dma_start3A_142 : memref<128xi32, #tpu.memory_space<vmem>>) semaphore(%arg13 : memref<!tpu.dma_semaphore, #tpu.memory_space<semaphore_mem>>)
    %scan3A = arith.constant 0 : i32
    %scan3A_146 = arith.constant 0 : i32
    %scan3A_147 = arith.constant 50 : i32
    %scan3A_148 = arith.addi %scan3A_146, %scan3A_147 : i32
    %scan3A_149 = arith.constant 1 : i32
    scf.for %scan3A_210 = %scan3A_146 to %scan3A_148 step %scan3A_149  : i32 {
      %mul3A_211 = arith.constant 4 : i32
      %mul3A_212 = arith.muli %scan3A_210, %mul3A_211 : i32
      %add3A_213 = arith.constant 0 : i32
      %add3A_214 = arith.addi %mul3A_212, %add3A_213 : i32
      %dma_wait3A_215 = arith.constant 0 : i32
      %dma_wait3A_216 = arith.constant 0 : i32
      %dma_wait3A_217 = arith.constant 0 : i32
      %dma_wait3A_218 = arith.constant 0 : i32
      %dma_wait3A_219 = tpu.memref_slice %arg8[%dma_wait3A_216, %dma_wait3A_217, %dma_wait3A_218] : memref<4x128x64xf32, #tpu.memory_space<vmem>> -> memref<1x128x64xf32, #tpu.memory_space<vmem>>
      %dma_wait3A_220 = tpu.memref_squeeze %dma_wait3A_219 : memref<1x128x64xf32, #tpu.memory_space<vmem>> -> memref<128x64xf32, #tpu.memory_space<vmem>>
      %dma_wait3A_221 = arith.constant 0 : i32
      %dma_wait3A_222 = tpu.memref_slice %arg6[%dma_wait3A_215, %dma_wait3A_221] : memref<200x128xi32, #tpu.memory_space<vmem>> -> memref<1x128xi32, #tpu.memory_space<vmem>>
      %dma_wait3A_223 = tpu.memref_squeeze %dma_wait3A_222 : memref<1x128xi32, #tpu.memory_space<vmem>> -> memref<128xi32, #tpu.memory_space<vmem>>
      %dma_wait3A_224 = arith.constant 0 : i32
      %dma_wait3A_225 = arith.constant 0 : i32
      %dma_wait3A_226 = tpu.memref_slice %arg3[%dma_wait3A_224, %dma_wait3A_225] : memref<1000000x64xf32, #tpu.memory_space<hbm>> -> memref<1000000x64xf32, #tpu.memory_space<hbm>>
      tpu.wait_indirect_dma semaphore(%arg10 : memref<!tpu.dma_semaphore, #tpu.memory_space<semaphore_mem>>) src(%dma_wait3A_226 : memref<1000000x64xf32, #tpu.memory_space<hbm>>) dst(%dma_wait3A_220 : memref<128x64xf32, #tpu.memory_space<vmem>>)
      %ge3A = arith.constant 1 : i32
      %ge3A_227 = arith.cmpi sge, %scan3A_210, %ge3A : i32
      %convert_element_type3A = arith.extui %ge3A_227 : i1 to i32
      %cond3A = arith.constant 0 : i32
      %cond3A_228 = arith.cmpi ne, %convert_element_type3A, %cond3A : i32
      scf.if %cond3A_228 {
        %dma_wait3A_870 = arith.constant 0 : i32
        %dma_wait3A_871 = arith.constant 0 : i32
        %dma_wait3A_872 = arith.constant 0 : i32
        %dma_wait3A_873 = tpu.memref_slice %arg8[%dma_wait3A_870, %dma_wait3A_871, %dma_wait3A_872] : memref<4x128x64xf32, #tpu.memory_space<vmem>> -> memref<1x128x64xf32, #tpu.memory_space<vmem>>
        %dma_wait3A_874 = tpu.memref_squeeze %dma_wait3A_873 : memref<1x128x64xf32, #tpu.memory_space<vmem>> -> memref<128x64xf32, #tpu.memory_space<vmem>>
        %dma_wait3A_875 = arith.constant 0 : i32
        %dma_wait3A_876 = arith.constant 0 : i32
        %dma_wait3A_877 = tpu.memref_slice %arg3[%dma_wait3A_875, %dma_wait3A_876] : memref<1000000x64xf32, #tpu.memory_space<hbm>> -> memref<128x64xf32, #tpu.memory_space<hbm>>
        %dma_wait3A_878 = arith.constant 0 : i32
        %dma_wait3A_879 = arith.constant 0 : i32
        %dma_wait3A_880 = tpu.memref_slice %arg8[%dma_wait3A_870, %dma_wait3A_878, %dma_wait3A_879] : memref<4x128x64xf32, #tpu.memory_space<vmem>> -> memref<1x128x64xf32, #tpu.memory_space<vmem>>
        %dma_wait3A_881 = tpu.memref_squeeze %dma_wait3A_880 : memref<1x128x64xf32, #tpu.memory_space<vmem>> -> memref<128x64xf32, #tpu.memory_space<vmem>>
        %dma_wait3A_882 = arith.constant 0 : i32
        %dma_wait3A_883 = arith.constant 0 : i32
        %dma_wait3A_884 = tpu.memref_slice %arg3[%dma_wait3A_882, %dma_wait3A_883] : memref<1000000x64xf32, #tpu.memory_space<hbm>> -> memref<128x64xf32, #tpu.memory_space<hbm>>
        tpu.wait_dma2 semaphore(%arg14 : memref<!tpu.dma_semaphore, #tpu.memory_space<semaphore_mem>>) src(%dma_wait3A_884 : memref<128x64xf32, #tpu.memory_space<hbm>>) dst(%dma_wait3A_881 : memref<128x64xf32, #tpu.memory_space<vmem>>)
      } else {
      }
      %get3A = arith.index_cast %add3A_214 : i32 to index
      %get3A_229 = arith.constant 0 : index
      %get3A_230 = tpu.vector_load %arg7[%get3A, %get3A_229] {strides = array<i32>} : memref<200x64xf32, #tpu.memory_space<vmem>>, vector<16xf32>,
      %get3A_231 = arith.index_cast %add3A_214 : i32 to index
      %get3A_232 = arith.constant 16 : index
      %get3A_233 = tpu.vector_load %arg7[%get3A_231, %get3A_232] {strides = array<i32>} : memref<200x64xf32, #tpu.memory_space<vmem>>, vector<16xf32>,
      %get3A_234 = arith.index_cast %add3A_214 : i32 to index
      %get3A_235 = arith.constant 32 : index
      %get3A_236 = tpu.vector_load %arg7[%get3A_234, %get3A_235] {strides = array<i32>} : memref<200x64xf32, #tpu.memory_space<vmem>>, vector<16xf32>,
      %get3A_237 = arith.index_cast %add3A_214 : i32 to index
      %get3A_238 = arith.constant 48 : index
      %get3A_239 = tpu.vector_load %arg7[%get3A_237, %get3A_238] {strides = array<i32>} : memref<200x64xf32, #tpu.memory_space<vmem>>, vector<16xf32>,
      %scan3A_240 = arith.constant 0 : i32
      %scan3A_241 = arith.constant 0 : i32
      %scan3A_242 = arith.constant 32 : i32
      %scan3A_243 = arith.addi %scan3A_241, %scan3A_242 : i32
      %scan3A_244 = arith.constant 1 : i32
      scf.for %scan3A_870 = %scan3A_241 to %scan3A_243 step %scan3A_244  : i32 {
        %mul3A_871 = arith.constant 4 : i32
        %mul3A_872 = arith.muli %scan3A_870, %mul3A_871 : i32
        %add3A_873 = arith.constant 0 : i32
        %add3A_874 = arith.addi %mul3A_872, %add3A_873 : i32
        %get3A_875 = arith.constant 0 : i32
        %get3A_876 = arith.index_cast %get3A_875 : i32 to index
        %get3A_877 = arith.index_cast %add3A_874 : i32 to index
        %get3A_878 = arith.constant 0 : index
        %get3A_879 = tpu.vector_load %arg8[%get3A_876, %get3A_877, %get3A_878] {strides = array<i32>} : memref<4x128x64xf32, #tpu.memory_space<vmem>>, vector<16xf32>,
        %add3A_880 = arith.constant 0 : i32
        %add3A_881 = arith.addi %mul3A_872, %add3A_880 : i32
        %get3A_882 = arith.constant 0 : i32
        %get3A_883 = arith.index_cast %get3A_882 : i32 to index
        %get3A_884 = arith.index_cast %add3A_881 : i32 to index
        %get3A_885 = arith.constant 16 : index
        %get3A_886 = tpu.vector_load %arg8[%get3A_883, %get3A_884, %get3A_885] {strides = array<i32>} : memref<4x128x64xf32, #tpu.memory_space<vmem>>, vector<16xf32>,
        %add3A_887 = arith.constant 0 : i32
        %add3A_888 = arith.addi %mul3A_872, %add3A_887 : i32
        %get3A_889 = arith.constant 0 : i32
        %get3A_890 = arith.index_cast %get3A_889 : i32 to index
        %get3A_891 = arith.index_cast %add3A_888 : i32 to index
        %get3A_892 = arith.constant 32 : index
        %get3A_893 = tpu.vector_load %arg8[%get3A_890, %get3A_891, %get3A_892] {strides = array<i32>} : memref<4x128x64xf32, #tpu.memory_space<vmem>>, vector<16xf32>,
        %add3A_894 = arith.constant 0 : i32
        %add3A_895 = arith.addi %mul3A_872, %add3A_894 : i32
        %get3A_896 = arith.constant 0 : i32
        %get3A_897 = arith.index_cast %get3A_896 : i32 to index
        %get3A_898 = arith.index_cast %add3A_895 : i32 to index
        %get3A_899 = arith.constant 48 : index
        %get3A_900 = tpu.vector_load %arg8[%get3A_897, %get3A_898, %get3A_899] {strides = array<i32>} : memref<4x128x64xf32, #tpu.memory_space<vmem>>, vector<16xf32>,
        %add3A_901 = arith.constant 1 : i32
        %add3A_902 = arith.addi %mul3A_872, %add3A_901 : i32
        %get3A_903 = arith.constant 0 : i32
        %get3A_904 = arith.index_cast %get3A_903 : i32 to index
        %get3A_905 = arith.index_cast %add3A_902 : i32 to index
        %get3A_906 = arith.constant 0 : index
        %get3A_907 = tpu.vector_load %arg8[%get3A_904, %get3A_905, %get3A_906] {strides = array<i32>} : memref<4x128x64xf32, #tpu.memory_space<vmem>>, vector<16xf32>,
        %add3A_908 = arith.constant 1 : i32
        %add3A_909 = arith.addi %mul3A_872, %add3A_908 : i32
        %get3A_910 = arith.constant 0 : i32
        %get3A_911 = arith.index_cast %get3A_910 : i32 to index
        %get3A_912 = arith.index_cast %add3A_909 : i32 to index
        %get3A_913 = arith.constant 16 : index
        %get3A_914 = tpu.vector_load %arg8[%get3A_911, %get3A_912, %get3A_913] {strides = array<i32>} : memref<4x128x64xf32, #tpu.memory_space<vmem>>, vector<16xf32>,
        %add3A_915 = arith.constant 1 : i32
        %add3A_916 = arith.addi %mul3A_872, %add3A_915 : i32
        %get3A_917 = arith.constant 0 : i32
        %get3A_918 = arith.index_cast %get3A_917 : i32 to index
        %get3A_919 = arith.index_cast %add3A_916 : i32 to index
        %get3A_920 = arith.constant 32 : index
        %get3A_921 = tpu.vector_load %arg8[%get3A_918, %get3A_919, %get3A_920] {strides = array<i32>} : memref<4x128x64xf32, #tpu.memory_space<vmem>>, vector<16xf32>,
        %add3A_922 = arith.constant 1 : i32
        %add3A_923 = arith.addi %mul3A_872, %add3A_922 : i32
        %get3A_924 = arith.constant 0 : i32
        %get3A_925 = arith.index_cast %get3A_924 : i32 to index
        %get3A_926 = arith.index_cast %add3A_923 : i32 to index
        %get3A_927 = arith.constant 48 : index
        %get3A_928 = tpu.vector_load %arg8[%get3A_925, %get3A_926, %get3A_927] {strides = array<i32>} : memref<4x128x64xf32, #tpu.memory_space<vmem>>, vector<16xf32>,
        %add3A_929 = arith.constant 2 : i32
        %add3A_930 = arith.addi %mul3A_872, %add3A_929 : i32
        %get3A_931 = arith.constant 0 : i32
        %get3A_932 = arith.index_cast %get3A_931 : i32 to index
        %get3A_933 = arith.index_cast %add3A_930 : i32 to index
        %get3A_934 = arith.constant 0 : index
        %get3A_935 = tpu.vector_load %arg8[%get3A_932, %get3A_933, %get3A_934] {strides = array<i32>} : memref<4x128x64xf32, #tpu.memory_space<vmem>>, vector<16xf32>,
        %add3A_936 = arith.constant 2 : i32
        %add3A_937 = arith.addi %mul3A_872, %add3A_936 : i32
        %get3A_938 = arith.constant 0 : i32
        %get3A_939 = arith.index_cast %get3A_938 : i32 to index
        %get3A_940 = arith.index_cast %add3A_937 : i32 to index
        %get3A_941 = arith.constant 16 : index
        %get3A_942 = tpu.vector_load %arg8[%get3A_939, %get3A_940, %get3A_941] {strides = array<i32>} : memref<4x128x64xf32, #tpu.memory_space<vmem>>, vector<16xf32>,
        %add3A_943 = arith.constant 2 : i32
        %add3A_944 = arith.addi %mul3A_872, %add3A_943 : i32
        %get3A_945 = arith.constant 0 : i32
        %get3A_946 = arith.index_cast %get3A_945 : i32 to index
        %get3A_947 = arith.index_cast %add3A_944 : i32 to index
        %get3A_948 = arith.constant 32 : index
        %get3A_949 = tpu.vector_load %arg8[%get3A_946, %get3A_947, %get3A_948] {strides = array<i32>} : memref<4x128x64xf32, #tpu.memory_space<vmem>>, vector<16xf32>,
        %add3A_950 = arith.constant 2 : i32
        %add3A_951 = arith.addi %mul3A_872, %add3A_950 : i32
        %get3A_952 = arith.constant 0 : i32
        %get3A_953 = arith.index_cast %get3A_952 : i32 to index
        %get3A_954 = arith.index_cast %add3A_951 : i32 to index
        %get3A_955 = arith.constant 48 : index
        %get3A_956 = tpu.vector_load %arg8[%get3A_953, %get3A_954, %get3A_955] {strides = array<i32>} : memref<4x128x64xf32, #tpu.memory_space<vmem>>, vector<16xf32>,
        %add3A_957 = arith.constant 3 : i32
        %add3A_958 = arith.addi %mul3A_872, %add3A_957 : i32
        %get3A_959 = arith.constant 0 : i32
        %get3A_960 = arith.index_cast %get3A_959 : i32 to index
        %get3A_961 = arith.index_cast %add3A_958 : i32 to index
        %get3A_962 = arith.constant 0 : index
        %get3A_963 = tpu.vector_load %arg8[%get3A_960, %get3A_961, %get3A_962] {strides = array<i32>} : memref<4x128x64xf32, #tpu.memory_space<vmem>>, vector<16xf32>,
        %add3A_964 = arith.constant 3 : i32
        %add3A_965 = arith.addi %mul3A_872, %add3A_964 : i32
        %get3A_966 = arith.constant 0 : i32
        %get3A_967 = arith.index_cast %get3A_966 : i32 to index
        %get3A_968 = arith.index_cast %add3A_965 : i32 to index
        %get3A_969 = arith.constant 16 : index
        %get3A_970 = tpu.vector_load %arg8[%get3A_967, %get3A_968, %get3A_969] {strides = array<i32>} : memref<4x128x64xf32, #tpu.memory_space<vmem>>, vector<16xf32>,
        %add3A_971 = arith.constant 3 : i32
        %add3A_972 = arith.addi %mul3A_872, %add3A_971 : i32
        %get3A_973 = arith.constant 0 : i32
        %get3A_974 = arith.index_cast %get3A_973 : i32 to index
        %get3A_975 = arith.index_cast %add3A_972 : i32 to index
        %get3A_976 = arith.constant 32 : index
        %get3A_977 = tpu.vector_load %arg8[%get3A_974, %get3A_975, %get3A_976] {strides = array<i32>} : memref<4x128x64xf32, #tpu.memory_space<vmem>>, vector<16xf32>,
        %add3A_978 = arith.constant 3 : i32
        %add3A_979 = arith.addi %mul3A_872, %add3A_978 : i32
        %get3A_980 = arith.constant 0 : i32
        %get3A_981 = arith.index_cast %get3A_980 : i32 to index
        %get3A_982 = arith.index_cast %add3A_979 : i32 to index
        %get3A_983 = arith.constant 48 : index
        %get3A_984 = tpu.vector_load %arg8[%get3A_981, %get3A_982, %get3A_983] {strides = array<i32>} : memref<4x128x64xf32, #tpu.memory_space<vmem>>, vector<16xf32>,
        %broadcast_in_dim3A = arith.constant 0 : i32
        %broadcast_in_dim3A_985 = vector.broadcast %broadcast_in_dim3A : i32 to vector<16xi32>
        %add3A_986 = arith.constant 0 : i32
        %add3A_987 = arith.addi %mul3A_872, %add3A_986 : i32
        %add3A_988 = vector.broadcast %add3A_987 : i32 to vector<16xi32>
        %add3A_989 = arith.addi %broadcast_in_dim3A_985, %add3A_988 : vector<16xi32>
        %broadcast_in_dim3A_990 = arith.constant 0 : i32
        %broadcast_in_dim3A_991 = vector.broadcast %broadcast_in_dim3A_990 : i32 to vector<16xi32>
        %add3A_992 = arith.constant 1 : i32
        %add3A_993 = arith.addi %mul3A_872, %add3A_992 : i32
        %add3A_994 = vector.broadcast %add3A_993 : i32 to vector<16xi32>
        %add3A_995 = arith.addi %broadcast_in_dim3A_991, %add3A_994 : vector<16xi32>
        %broadcast_in_dim3A_996 = arith.constant 0 : i32
        %broadcast_in_dim3A_997 = vector.broadcast %broadcast_in_dim3A_996 : i32 to vector<16xi32>
        %add3A_998 = arith.constant 2 : i32
        %add3A_999 = arith.addi %mul3A_872, %add3A_998 : i32
        %add3A_1000 = vector.broadcast %add3A_999 : i32 to vector<16xi32>
        %add3A_1001 = arith.addi %broadcast_in_dim3A_997, %add3A_1000 : vector<16xi32>
        %broadcast_in_dim3A_1002 = arith.constant 0 : i32
        %broadcast_in_dim3A_1003 = vector.broadcast %broadcast_in_dim3A_1002 : i32 to vector<16xi32>
        %add3A_1004 = arith.constant 3 : i32
        %add3A_1005 = arith.addi %mul3A_872, %add3A_1004 : i32
        %add3A_1006 = vector.broadcast %add3A_1005 : i32 to vector<16xi32>
        %add3A_1007 = arith.addi %broadcast_in_dim3A_1003, %add3A_1006 : vector<16xi32>
        %mul3A_1008 = arith.constant 8.000000e+00 : f32
        %mul3A_1009 = vector.broadcast %mul3A_1008 : f32 to vector<16xf32>
        %mul3A_1010 = arith.mulf %mul3A_1009, %get3A_879 : vector<16xf32>
        %mul3A_1011 = arith.constant 8.000000e+00 : f32
        %mul3A_1012 = vector.broadcast %mul3A_1011 : f32 to vector<16xf32>
        %mul3A_1013 = arith.mulf %mul3A_1012, %get3A_886 : vector<16xf32>
        %mul3A_1014 = arith.constant 8.000000e+00 : f32
        %mul3A_1015 = vector.broadcast %mul3A_1014 : f32 to vector<16xf32>
        %mul3A_1016 = arith.mulf %mul3A_1015, %get3A_893 : vector<16xf32>
        %mul3A_1017 = arith.constant 8.000000e+00 : f32
        %mul3A_1018 = vector.broadcast %mul3A_1017 : f32 to vector<16xf32>
        %mul3A_1019 = arith.mulf %mul3A_1018, %get3A_900 : vector<16xf32>
        %mul3A_1020 = arith.constant 8.000000e+00 : f32
        %mul3A_1021 = vector.broadcast %mul3A_1020 : f32 to vector<16xf32>
        %mul3A_1022 = arith.mulf %mul3A_1021, %get3A_907 : vector<16xf32>
        %mul3A_1023 = arith.constant 8.000000e+00 : f32
        %mul3A_1024 = vector.broadcast %mul3A_1023 : f32 to vector<16xf32>
        %mul3A_1025 = arith.mulf %mul3A_1024, %get3A_914 : vector<16xf32>
        %mul3A_1026 = arith.constant 8.000000e+00 : f32
        %mul3A_1027 = vector.broadcast %mul3A_1026 : f32 to vector<16xf32>
        %mul3A_1028 = arith.mulf %mul3A_1027, %get3A_921 : vector<16xf32>
        %mul3A_1029 = arith.constant 8.000000e+00 : f32
        %mul3A_1030 = vector.broadcast %mul3A_1029 : f32 to vector<16xf32>
        %mul3A_1031 = arith.mulf %mul3A_1030, %get3A_928 : vector<16xf32>
        %mul3A_1032 = arith.constant 8.000000e+00 : f32
        %mul3A_1033 = vector.broadcast %mul3A_1032 : f32 to vector<16xf32>
        %mul3A_1034 = arith.mulf %mul3A_1033, %get3A_935 : vector<16xf32>
        %mul3A_1035 = arith.constant 8.000000e+00 : f32
        %mul3A_1036 = vector.broadcast %mul3A_1035 : f32 to vector<16xf32>
        %mul3A_1037 = arith.mulf %mul3A_1036, %get3A_942 : vector<16xf32>
        %mul3A_1038 = arith.constant 8.000000e+00 : f32
        %mul3A_1039 = vector.broadcast %mul3A_1038 : f32 to vector<16xf32>
        %mul3A_1040 = arith.mulf %mul3A_1039, %get3A_949 : vector<16xf32>
        %mul3A_1041 = arith.constant 8.000000e+00 : f32
        %mul3A_1042 = vector.broadcast %mul3A_1041 : f32 to vector<16xf32>
        %mul3A_1043 = arith.mulf %mul3A_1042, %get3A_956 : vector<16xf32>
        %mul3A_1044 = arith.constant 8.000000e+00 : f32
        %mul3A_1045 = vector.broadcast %mul3A_1044 : f32 to vector<16xf32>
        %mul3A_1046 = arith.mulf %mul3A_1045, %get3A_963 : vector<16xf32>
        %mul3A_1047 = arith.constant 8.000000e+00 : f32
        %mul3A_1048 = vector.broadcast %mul3A_1047 : f32 to vector<16xf32>
        %mul3A_1049 = arith.mulf %mul3A_1048, %get3A_970 : vector<16xf32>
        %mul3A_1050 = arith.constant 8.000000e+00 : f32
        %mul3A_1051 = vector.broadcast %mul3A_1050 : f32 to vector<16xf32>
        %mul3A_1052 = arith.mulf %mul3A_1051, %get3A_977 : vector<16xf32>
        %mul3A_1053 = arith.constant 8.000000e+00 : f32
        %mul3A_1054 = vector.broadcast %mul3A_1053 : f32 to vector<16xf32>
        %mul3A_1055 = arith.mulf %mul3A_1054, %get3A_984 : vector<16xf32>
        %add3A_1056 = arith.addf %mul3A_1010, %get3A_230 : vector<16xf32>
        %add3A_1057 = arith.addf %mul3A_1013, %get3A_233 : vector<16xf32>
        %add3A_1058 = arith.addf %mul3A_1016, %get3A_236 : vector<16xf32>
        %add3A_1059 = arith.addf %mul3A_1019, %get3A_239 : vector<16xf32>
        %add3A_1060 = arith.addf %mul3A_1022, %get3A_230 : vector<16xf32>
        %add3A_1061 = arith.addf %mul3A_1025, %get3A_233 : vector<16xf32>
        %add3A_1062 = arith.addf %mul3A_1028, %get3A_236 : vector<16xf32>
        %add3A_1063 = arith.addf %mul3A_1031, %get3A_239 : vector<16xf32>
        %add3A_1064 = arith.addf %mul3A_1034, %get3A_230 : vector<16xf32>
        %add3A_1065 = arith.addf %mul3A_1037, %get3A_233 : vector<16xf32>
        %add3A_1066 = arith.addf %mul3A_1040, %get3A_236 : vector<16xf32>
        %add3A_1067 = arith.addf %mul3A_1043, %get3A_239 : vector<16xf32>
        %add3A_1068 = arith.addf %mul3A_1046, %get3A_230 : vector<16xf32>
        %add3A_1069 = arith.addf %mul3A_1049, %get3A_233 : vector<16xf32>
        %add3A_1070 = arith.addf %mul3A_1052, %get3A_236 : vector<16xf32>
        %add3A_1071 = arith.addf %mul3A_1055, %get3A_239 : vector<16xf32>
        tpu.vector_store_idx %arg9[%add3A_8, %add3A_989], %add3A_1056 : memref<256x129xf32, #tpu.memory_space<vmem>>[vector<16xi32>, vector<16xi32>], vector<16xf32>,
        tpu.vector_store_idx %arg9[%add3A_14, %add3A_989], %add3A_1057 : memref<256x129xf32, #tpu.memory_space<vmem>>[vector<16xi32>, vector<16xi32>], vector<16xf32>,
        tpu.vector_store_idx %arg9[%add3A_20, %add3A_989], %add3A_1058 : memref<256x129xf32, #tpu.memory_space<vmem>>[vector<16xi32>, vector<16xi32>], vector<16xf32>,
        tpu.vector_store_idx %arg9[%add3A_26, %add3A_989], %add3A_1059 : memref<256x129xf32, #tpu.memory_space<vmem>>[vector<16xi32>, vector<16xi32>], vector<16xf32>,
        tpu.vector_store_idx %arg9[%add3A_8, %add3A_995], %add3A_1060 : memref<256x129xf32, #tpu.memory_space<vmem>>[vector<16xi32>, vector<16xi32>], vector<16xf32>,
        tpu.vector_store_idx %arg9[%add3A_14, %add3A_995], %add3A_1061 : memref<256x129xf32, #tpu.memory_space<vmem>>[vector<16xi32>, vector<16xi32>], vector<16xf32>,
        tpu.vector_store_idx %arg9[%add3A_20, %add3A_995], %add3A_1062 : memref<256x129xf32, #tpu.memory_space<vmem>>[vector<16xi32>, vector<16xi32>], vector<16xf32>,
        tpu.vector_store_idx %arg9[%add3A_26, %add3A_995], %add3A_1063 : memref<256x129xf32, #tpu.memory_space<vmem>>[vector<16xi32>, vector<16xi32>], vector<16xf32>,
        tpu.vector_store_idx %arg9[%add3A_8, %add3A_1001], %add3A_1064 : memref<256x129xf32, #tpu.memory_space<vmem>>[vector<16xi32>, vector<16xi32>], vector<16xf32>,
        tpu.vector_store_idx %arg9[%add3A_14, %add3A_1001], %add3A_1065 : memref<256x129xf32, #tpu.memory_space<vmem>>[vector<16xi32>, vector<16xi32>], vector<16xf32>,
        tpu.vector_store_idx %arg9[%add3A_20, %add3A_1001], %add3A_1066 : memref<256x129xf32, #tpu.memory_space<vmem>>[vector<16xi32>, vector<16xi32>], vector<16xf32>,
        tpu.vector_store_idx %arg9[%add3A_26, %add3A_1001], %add3A_1067 : memref<256x129xf32, #tpu.memory_space<vmem>>[vector<16xi32>, vector<16xi32>], vector<16xf32>,
        tpu.vector_store_idx %arg9[%add3A_8, %add3A_1007], %add3A_1068 : memref<256x129xf32, #tpu.memory_space<vmem>>[vector<16xi32>, vector<16xi32>], vector<16xf32>,
        tpu.vector_store_idx %arg9[%add3A_14, %add3A_1007], %add3A_1069 : memref<256x129xf32, #tpu.memory_space<vmem>>[vector<16xi32>, vector<16xi32>], vector<16xf32>,
        tpu.vector_store_idx %arg9[%add3A_20, %add3A_1007], %add3A_1070 : memref<256x129xf32, #tpu.memory_space<vmem>>[vector<16xi32>, vector<16xi32>], vector<16xf32>,
        tpu.vector_store_idx %arg9[%add3A_26, %add3A_1007], %add3A_1071 : memref<256x129xf32, #tpu.memory_space<vmem>>[vector<16xi32>, vector<16xi32>], vector<16xf32>,
      }
      %scan3A_245 = arith.constant 32 : i32
      %dma_start3A_246 = arith.constant 0 : i32
      %dma_start3A_247 = arith.constant 0 : i32
      %dma_start3A_248 = arith.constant 0 : i32
      %dma_start3A_249 = tpu.memref_slice %arg9[%dma_start3A_247, %dma_start3A_248] : memref<256x129xf32, #tpu.memory_space<vmem>> -> memref<8x128xf32, #tpu.memory_space<vmem>>
      %dma_start3A_250 = arith.constant 0 : i32
      %dma_start3A_251 = arith.constant 0 : i32
      %dma_start3A_252 = tpu.memref_slice %arg5[%add3A_214, %dma_start3A_246, %add3A, %dma_start3A_250, %dma_start3A_251] : memref<200x8x32x8x128xf32, #tpu.memory_space<hbm>> -> memref<1x1x1x8x128xf32, #tpu.memory_space<hbm>>
      %dma_start3A_253 = tpu.memref_squeeze %dma_start3A_252 : memref<1x1x1x8x128xf32, #tpu.memory_space<hbm>> -> memref<8x128xf32, #tpu.memory_space<hbm>>
      %dma_start3A_254 = arith.constant 0 : i32
      %dma_start3A_255 = arith.constant 0 : i32
      %dma_start3A_256 = tpu.memref_slice %arg5[%add3A_214, %dma_start3A_246, %add3A, %dma_start3A_254, %dma_start3A_255] : memref<200x8x32x8x128xf32, #tpu.memory_space<hbm>> -> memref<1x1x1x8x128xf32, #tpu.memory_space<hbm>>
      %dma_start3A_257 = tpu.memref_squeeze %dma_start3A_256 : memref<1x1x1x8x128xf32, #tpu.memory_space<hbm>> -> memref<8x128xf32, #tpu.memory_space<hbm>>
      %dma_start3A_258 = arith.constant 0 : i32
      %dma_start3A_259 = arith.constant 0 : i32
      %dma_start3A_260 = tpu.memref_slice %arg9[%dma_start3A_258, %dma_start3A_259] : memref<256x129xf32, #tpu.memory_space<vmem>> -> memref<8x128xf32, #tpu.memory_space<vmem>>
      tpu.enqueue_dma source(%dma_start3A_260 : memref<8x128xf32, #tpu.memory_space<vmem>>) target(%dma_start3A_257 : memref<8x128xf32, #tpu.memory_space<hbm>>) target_semaphore(%arg14 : memref<!tpu.dma_semaphore, #tpu.memory_space<semaphore_mem>>)
      %dma_start3A_261 = arith.constant 1 : i32
      %dma_start3A_262 = arith.constant 8 : i32
      %dma_start3A_263 = arith.constant 0 : i32
      %dma_start3A_264 = tpu.memref_slice %arg9[%dma_start3A_262, %dma_start3A_263] : memref<256x129xf32, #tpu.memory_space<vmem>> -> memref<8x128xf32, #tpu.memory_space<vmem>>
      %dma_start3A_265 = arith.constant 0 : i32
      %dma_start3A_266 = arith.constant 0 : i32
      %dma_start3A_267 = tpu.memref_slice %arg5[%add3A_214, %dma_start3A_261, %add3A, %dma_start3A_265, %dma_start3A_266] : memref<200x8x32x8x128xf32, #tpu.memory_space<hbm>> -> memref<1x1x1x8x128xf32, #tpu.memory_space<hbm>>
      %dma_start3A_268 = tpu.memref_squeeze %dma_start3A_267 : memref<1x1x1x8x128xf32, #tpu.memory_space<hbm>> -> memref<8x128xf32, #tpu.memory_space<hbm>>
      %dma_start3A_269 = arith.constant 0 : i32
      %dma_start3A_270 = arith.constant 0 : i32
      %dma_start3A_271 = tpu.memref_slice %arg5[%add3A_214, %dma_start3A_261, %add3A, %dma_start3A_269, %dma_start3A_270] : memref<200x8x32x8x128xf32, #tpu.memory_space<hbm>> -> memref<1x1x1x8x128xf32, #tpu.memory_space<hbm>>
      %dma_start3A_272 = tpu.memref_squeeze %dma_start3A_271 : memref<1x1x1x8x128xf32, #tpu.memory_space<hbm>> -> memref<8x128xf32, #tpu.memory_space<hbm>>
      %dma_start3A_273 = arith.constant 8 : i32
      %dma_start3A_274 = arith.constant 0 : i32
      %dma_start3A_275 = tpu.memref_slice %arg9[%dma_start3A_273, %dma_start3A_274] : memref<256x129xf32, #tpu.memory_space<vmem>> -> memref<8x128xf32, #tpu.memory_space<vmem>>
      tpu.enqueue_dma source(%dma_start3A_275 : memref<8x128xf32, #tpu.memory_space<vmem>>) target(%dma_start3A_272 : memref<8x128xf32, #tpu.memory_space<hbm>>) target_semaphore(%arg14 : memref<!tpu.dma_semaphore, #tpu.memory_space<semaphore_mem>>)
      %dma_start3A_276 = arith.constant 2 : i32
      %dma_start3A_277 = arith.constant 16 : i32
      %dma_start3A_278 = arith.constant 0 : i32
      %dma_start3A_279 = tpu.memref_slice %arg9[%dma_start3A_277, %dma_start3A_278] : memref<256x129xf32, #tpu.memory_space<vmem>> -> memref<8x128xf32, #tpu.memory_space<vmem>>
      %dma_start3A_280 = arith.constant 0 : i32
      %dma_start3A_281 = arith.constant 0 : i32
      %dma_start3A_282 = tpu.memref_slice %arg5[%add3A_214, %dma_start3A_276, %add3A, %dma_start3A_280, %dma_start3A_281] : memref<200x8x32x8x128xf32, #tpu.memory_space<hbm>> -> memref<1x1x1x8x128xf32, #tpu.memory_space<hbm>>
      %dma_start3A_283 = tpu.memref_squeeze %dma_start3A_282 : memref<1x1x1x8x128xf32, #tpu.memory_space<hbm>> -> memref<8x128xf32, #tpu.memory_space<hbm>>
      %dma_start3A_284 = arith.constant 0 : i32
      %dma_start3A_285 = arith.constant 0 : i32
      %dma_start3A_286 = tpu.memref_slice %arg5[%add3A_214, %dma_start3A_276, %add3A, %dma_start3A_284, %dma_start3A_285] : memref<200x8x32x8x128xf32, #tpu.memory_space<hbm>> -> memref<1x1x1x8x128xf32, #tpu.memory_space<hbm>>
      %dma_start3A_287 = tpu.memref_squeeze %dma_start3A_286 : memref<1x1x1x8x128xf32, #tpu.memory_space<hbm>> -> memref<8x128xf32, #tpu.memory_space<hbm>>
      %dma_start3A_288 = arith.constant 16 : i32
      %dma_start3A_289 = arith.constant 0 : i32
      %dma_start3A_290 = tpu.memref_slice %arg9[%dma_start3A_288, %dma_start3A_289] : memref<256x129xf32, #tpu.memory_space<vmem>> -> memref<8x128xf32, #tpu.memory_space<vmem>>
      tpu.enqueue_dma source(%dma_start3A_290 : memref<8x128xf32, #tpu.memory_space<vmem>>) target(%dma_start3A_287 : memref<8x128xf32, #tpu.memory_space<hbm>>) target_semaphore(%arg14 : memref<!tpu.dma_semaphore, #tpu.memory_space<semaphore_mem>>)
      %dma_start3A_291 = arith.constant 3 : i32
      %dma_start3A_292 = arith.constant 24 : i32
      %dma_start3A_293 = arith.constant 0 : i32
      %dma_start3A_294 = tpu.memref_slice %arg9[%dma_start3A_292, %dma_start3A_293] : memref<256x129xf32, #tpu.memory_space<vmem>> -> memref<8x128xf32, #tpu.memory_space<vmem>>
      %dma_start3A_295 = arith.constant 0 : i32
      %dma_start3A_296 = arith.constant 0 : i32
      %dma_start3A_297 = tpu.memref_slice %arg5[%add3A_214, %dma_start3A_291, %add3A, %dma_start3A_295, %dma_start3A_296] : memref<200x8x32x8x128xf32, #tpu.memory_space<hbm>> -> memref<1x1x1x8x128xf32, #tpu.memory_space<hbm>>
      %dma_start3A_298 = tpu.memref_squeeze %dma_start3A_297 : memref<1x1x1x8x128xf32, #tpu.memory_space<hbm>> -> memref<8x128xf32, #tpu.memory_space<hbm>>
      %dma_start3A_299 = arith.constant 0 : i32
      %dma_start3A_300 = arith.constant 0 : i32
      %dma_start3A_301 = tpu.memref_slice %arg5[%add3A_214, %dma_start3A_291, %add3A, %dma_start3A_299, %dma_start3A_300] : memref<200x8x32x8x128xf32, #tpu.memory_space<hbm>> -> memref<1x1x1x8x128xf32, #tpu.memory_space<hbm>>
      %dma_start3A_302 = tpu.memref_squeeze %dma_start3A_301 : memref<1x1x1x8x128xf32, #tpu.memory_space<hbm>> -> memref<8x128xf32, #tpu.memory_space<hbm>>
      %dma_start3A_303 = arith.constant 24 : i32
      %dma_start3A_304 = arith.constant 0 : i32
      %dma_start3A_305 = tpu.memref_slice %arg9[%dma_start3A_303, %dma_start3A_304] : memref<256x129xf32, #tpu.memory_space<vmem>> -> memref<8x128xf32, #tpu.memory_space<vmem>>
      tpu.enqueue_dma source(%dma_start3A_305 : memref<8x128xf32, #tpu.memory_space<vmem>>) target(%dma_start3A_302 : memref<8x128xf32, #tpu.memory_space<hbm>>) target_semaphore(%arg14 : memref<!tpu.dma_semaphore, #tpu.memory_space<semaphore_mem>>)
      %dma_start3A_306 = arith.constant 4 : i32
      %dma_start3A_307 = arith.constant 32 : i32
      %dma_start3A_308 = arith.constant 0 : i32
      %dma_start3A_309 = tpu.memref_slice %arg9[%dma_start3A_307, %dma_start3A_308] : memref<256x129xf32, #tpu.memory_space<vmem>> -> memref<8x128xf32, #tpu.memory_space<vmem>>
      %dma_start3A_310 = arith.constant 0 : i32
      %dma_start3A_311 = arith.constant 0 : i32
      %dma_start3A_312 = tpu.memref_slice %arg5[%add3A_214, %dma_start3A_306, %add3A, %dma_start3A_310, %dma_start3A_311] : memref<200x8x32x8x128xf32, #tpu.memory_space<hbm>> -> memref<1x1x1x8x128xf32, #tpu.memory_space<hbm>>
      %dma_start3A_313 = tpu.memref_squeeze %dma_start3A_312 : memref<1x1x1x8x128xf32, #tpu.memory_space<hbm>> -> memref<8x128xf32, #tpu.memory_space<hbm>>
      %dma_start3A_314 = arith.constant 0 : i32
      %dma_start3A_315 = arith.constant 0 : i32
      %dma_start3A_316 = tpu.memref_slice %arg5[%add3A_214, %dma_start3A_306, %add3A, %dma_start3A_314, %dma_start3A_315] : memref<200x8x32x8x128xf32, #tpu.memory_space<hbm>> -> memref<1x1x1x8x128xf32, #tpu.memory_space<hbm>>
      %dma_start3A_317 = tpu.memref_squeeze %dma_start3A_316 : memref<1x1x1x8x128xf32, #tpu.memory_space<hbm>> -> memref<8x128xf32, #tpu.memory_space<hbm>>
      %dma_start3A_318 = arith.constant 32 : i32
      %dma_start3A_319 = arith.constant 0 : i32
      %dma_start3A_320 = tpu.memref_slice %arg9[%dma_start3A_318, %dma_start3A_319] : memref<256x129xf32, #tpu.memory_space<vmem>> -> memref<8x128xf32, #tpu.memory_space<vmem>>
      tpu.enqueue_dma source(%dma_start3A_320 : memref<8x128xf32, #tpu.memory_space<vmem>>) target(%dma_start3A_317 : memref<8x128xf32, #tpu.memory_space<hbm>>) target_semaphore(%arg14 : memref<!tpu.dma_semaphore, #tpu.memory_space<semaphore_mem>>)
      %dma_start3A_321 = arith.constant 5 : i32
      %dma_start3A_322 = arith.constant 40 : i32
      %dma_start3A_323 = arith.constant 0 : i32
      %dma_start3A_324 = tpu.memref_slice %arg9[%dma_start3A_322, %dma_start3A_323] : memref<256x129xf32, #tpu.memory_space<vmem>> -> memref<8x128xf32, #tpu.memory_space<vmem>>
      %dma_start3A_325 = arith.constant 0 : i32
      %dma_start3A_326 = arith.constant 0 : i32
      %dma_start3A_327 = tpu.memref_slice %arg5[%add3A_214, %dma_start3A_321, %add3A, %dma_start3A_325, %dma_start3A_326] : memref<200x8x32x8x128xf32, #tpu.memory_space<hbm>> -> memref<1x1x1x8x128xf32, #tpu.memory_space<hbm>>
      %dma_start3A_328 = tpu.memref_squeeze %dma_start3A_327 : memref<1x1x1x8x128xf32, #tpu.memory_space<hbm>> -> memref<8x128xf32, #tpu.memory_space<hbm>>
      %dma_start3A_329 = arith.constant 0 : i32
      %dma_start3A_330 = arith.constant 0 : i32
      %dma_start3A_331 = tpu.memref_slice %arg5[%add3A_214, %dma_start3A_321, %add3A, %dma_start3A_329, %dma_start3A_330] : memref<200x8x32x8x128xf32, #tpu.memory_space<hbm>> -> memref<1x1x1x8x128xf32, #tpu.memory_space<hbm>>
      %dma_start3A_332 = tpu.memref_squeeze %dma_start3A_331 : memref<1x1x1x8x128xf32, #tpu.memory_space<hbm>> -> memref<8x128xf32, #tpu.memory_space<hbm>>
      %dma_start3A_333 = arith.constant 40 : i32
      %dma_start3A_334 = arith.constant 0 : i32
      %dma_start3A_335 = tpu.memref_slice %arg9[%dma_start3A_333, %dma_start3A_334] : memref<256x129xf32, #tpu.memory_space<vmem>> -> memref<8x128xf32, #tpu.memory_space<vmem>>
      tpu.enqueue_dma source(%dma_start3A_335 : memref<8x128xf32, #tpu.memory_space<vmem>>) target(%dma_start3A_332 : memref<8x128xf32, #tpu.memory_space<hbm>>) target_semaphore(%arg14 : memref<!tpu.dma_semaphore, #tpu.memory_space<semaphore_mem>>)
      %dma_start3A_336 = arith.constant 6 : i32
      %dma_start3A_337 = arith.constant 48 : i32
      %dma_start3A_338 = arith.constant 0 : i32
      %dma_start3A_339 = tpu.memref_slice %arg9[%dma_start3A_337, %dma_start3A_338] : memref<256x129xf32, #tpu.memory_space<vmem>> -> memref<8x128xf32, #tpu.memory_space<vmem>>
      %dma_start3A_340 = arith.constant 0 : i32
      %dma_start3A_341 = arith.constant 0 : i32
      %dma_start3A_342 = tpu.memref_slice %arg5[%add3A_214, %dma_start3A_336, %add3A, %dma_start3A_340, %dma_start3A_341] : memref<200x8x32x8x128xf32, #tpu.memory_space<hbm>> -> memref<1x1x1x8x128xf32, #tpu.memory_space<hbm>>
      %dma_start3A_343 = tpu.memref_squeeze %dma_start3A_342 : memref<1x1x1x8x128xf32, #tpu.memory_space<hbm>> -> memref<8x128xf32, #tpu.memory_space<hbm>>
      %dma_start3A_344 = arith.constant 0 : i32
      %dma_start3A_345 = arith.constant 0 : i32
      %dma_start3A_346 = tpu.memref_slice %arg5[%add3A_214, %dma_start3A_336, %add3A, %dma_start3A_344, %dma_start3A_345] : memref<200x8x32x8x128xf32, #tpu.memory_space<hbm>> -> memref<1x1x1x8x128xf32, #tpu.memory_space<hbm>>
      %dma_start3A_347 = tpu.memref_squeeze %dma_start3A_346 : memref<1x1x1x8x128xf32, #tpu.memory_space<hbm>> -> memref<8x128xf32, #tpu.memory_space<hbm>>
      %dma_start3A_348 = arith.constant 48 : i32
      %dma_start3A_349 = arith.constant 0 : i32
      %dma_start3A_350 = tpu.memref_slice %arg9[%dma_start3A_348, %dma_start3A_349] : memref<256x129xf32, #tpu.memory_space<vmem>> -> memref<8x128xf32, #tpu.memory_space<vmem>>
      tpu.enqueue_dma source(%dma_start3A_350 : memref<8x128xf32, #tpu.memory_space<vmem>>) target(%dma_start3A_347 : memref<8x128xf32, #tpu.memory_space<hbm>>) target_semaphore(%arg14 : memref<!tpu.dma_semaphore, #tpu.memory_space<semaphore_mem>>)
      %dma_start3A_351 = arith.constant 7 : i32
      %dma_start3A_352 = arith.constant 56 : i32
      %dma_start3A_353 = arith.constant 0 : i32
      %dma_start3A_354 = tpu.memref_slice %arg9[%dma_start3A_352, %dma_start3A_353] : memref<256x129xf32, #tpu.memory_space<vmem>> -> memref<8x128xf32, #tpu.memory_space<vmem>>
      %dma_start3A_355 = arith.constant 0 : i32
      %dma_start3A_356 = arith.constant 0 : i32
      %dma_start3A_357 = tpu.memref_slice %arg5[%add3A_214, %dma_start3A_351, %add3A, %dma_start3A_355, %dma_start3A_356] : memref<200x8x32x8x128xf32, #tpu.memory_space<hbm>> -> memref<1x1x1x8x128xf32, #tpu.memory_space<hbm>>
      %dma_start3A_358 = tpu.memref_squeeze %dma_start3A_357 : memref<1x1x1x8x128xf32, #tpu.memory_space<hbm>> -> memref<8x128xf32, #tpu.memory_space<hbm>>
      %dma_start3A_359 = arith.constant 0 : i32
      %dma_start3A_360 = arith.constant 0 : i32
      %dma_start3A_361 = tpu.memref_slice %arg5[%add3A_214, %dma_start3A_351, %add3A, %dma_start3A_359, %dma_start3A_360] : memref<200x8x32x8x128xf32, #tpu.memory_space<hbm>> -> memref<1x1x1x8x128xf32, #tpu.memory_space<hbm>>
      %dma_start3A_362 = tpu.memref_squeeze %dma_start3A_361 : memref<1x1x1x8x128xf32, #tpu.memory_space<hbm>> -> memref<8x128xf32, #tpu.memory_space<hbm>>
      %dma_start3A_363 = arith.constant 56 : i32
      %dma_start3A_364 = arith.constant 0 : i32
      %dma_start3A_365 = tpu.memref_slice %arg9[%dma_start3A_363, %dma_start3A_364] : memref<256x129xf32, #tpu.memory_space<vmem>> -> memref<8x128xf32, #tpu.memory_space<vmem>>
      tpu.enqueue_dma source(%dma_start3A_365 : memref<8x128xf32, #tpu.memory_space<vmem>>) target(%dma_start3A_362 : memref<8x128xf32, #tpu.memory_space<hbm>>) target_semaphore(%arg14 : memref<!tpu.dma_semaphore, #tpu.memory_space<semaphore_mem>>)
      %add3A_366 = arith.constant 4 : i32
      %add3A_367 = arith.addi %add3A_214, %add3A_366 : i32
      %lt3A = arith.constant 200 : i32
      %lt3A_368 = arith.cmpi slt, %add3A_367, %lt3A : i32
      %convert_element_type3A_369 = arith.extui %lt3A_368 : i1 to i32
      %cond3A_370 = arith.constant 0 : i32
      %cond3A_371 = arith.cmpi ne, %convert_element_type3A_369, %cond3A_370 : i32
      scf.if %cond3A_371 {
        %add3A_870 = arith.constant 4 : i32
        %add3A_871 = arith.addi %add3A_214, %add3A_870 : i32
        %dma_start3A_872 = arith.constant 0 : i32
        %dma_start3A_873 = arith.constant 0 : i32
        %dma_start3A_874 = arith.constant 0 : i32
        %dma_start3A_875 = tpu.memref_slice %arg8[%dma_start3A_872, %dma_start3A_873, %dma_start3A_874] : memref<4x128x64xf32, #tpu.memory_space<vmem>> -> memref<1x128x64xf32, #tpu.memory_space<vmem>>
        %dma_start3A_876 = tpu.memref_squeeze %dma_start3A_875 : memref<1x128x64xf32, #tpu.memory_space<vmem>> -> memref<128x64xf32, #tpu.memory_space<vmem>>
        %dma_start3A_877 = arith.constant 0 : i32
        %dma_start3A_878 = tpu.memref_slice %arg6[%add3A_871, %dma_start3A_877] : memref<200x128xi32, #tpu.memory_space<vmem>> -> memref<1x128xi32, #tpu.memory_space<vmem>>
        %dma_start3A_879 = tpu.memref_squeeze %dma_start3A_878 : memref<1x128xi32, #tpu.memory_space<vmem>> -> memref<128xi32, #tpu.memory_space<vmem>>
        %dma_start3A_880 = arith.constant 0 : i32
        %dma_start3A_881 = arith.constant 0 : i32
        %dma_start3A_882 = tpu.memref_slice %arg3[%dma_start3A_880, %dma_start3A_881] : memref<1000000x64xf32, #tpu.memory_space<hbm>> -> memref<1000000x64xf32, #tpu.memory_space<hbm>>
        tpu.enqueue_indirect_dma source(%dma_start3A_882 : memref<1000000x64xf32, #tpu.memory_space<hbm>>) target(%dma_start3A_876 : memref<128x64xf32, #tpu.memory_space<vmem>>) offsets(%dma_start3A_879 : memref<128xi32, #tpu.memory_space<vmem>>) semaphore(%arg10 : memref<!tpu.dma_semaphore, #tpu.memory_space<semaphore_mem>>)
      } else {
      }
      %mul3A_372 = arith.constant 4 : i32
      %mul3A_373 = arith.muli %scan3A_210, %mul3A_372 : i32
      %add3A_374 = arith.constant 1 : i32
      %add3A_375 = arith.addi %mul3A_373, %add3A_374 : i32
      %dma_wait3A_376 = arith.constant 0 : i32
      %dma_wait3A_377 = arith.constant 1 : i32
      %dma_wait3A_378 = arith.constant 0 : i32
      %dma_wait3A_379 = arith.constant 0 : i32
      %dma_wait3A_380 = tpu.memref_slice %arg8[%dma_wait3A_377, %dma_wait3A_378, %dma_wait3A_379] : memref<4x128x64xf32, #tpu.memory_space<vmem>> -> memref<1x128x64xf32, #tpu.memory_space<vmem>>
      %dma_wait3A_381 = tpu.memref_squeeze %dma_wait3A_380 : memref<1x128x64xf32, #tpu.memory_space<vmem>> -> memref<128x64xf32, #tpu.memory_space<vmem>>
      %dma_wait3A_382 = arith.constant 0 : i32
      %dma_wait3A_383 = tpu.memref_slice %arg6[%dma_wait3A_376, %dma_wait3A_382] : memref<200x128xi32, #tpu.memory_space<vmem>> -> memref<1x128xi32, #tpu.memory_space<vmem>>
      %dma_wait3A_384 = tpu.memref_squeeze %dma_wait3A_383 : memref<1x128xi32, #tpu.memory_space<vmem>> -> memref<128xi32, #tpu.memory_space<vmem>>
      %dma_wait3A_385 = arith.constant 0 : i32
      %dma_wait3A_386 = arith.constant 0 : i32
      %dma_wait3A_387 = tpu.memref_slice %arg3[%dma_wait3A_385, %dma_wait3A_386] : memref<1000000x64xf32, #tpu.memory_space<hbm>> -> memref<1000000x64xf32, #tpu.memory_space<hbm>>
      tpu.wait_indirect_dma semaphore(%arg11 : memref<!tpu.dma_semaphore, #tpu.memory_space<semaphore_mem>>) src(%dma_wait3A_387 : memref<1000000x64xf32, #tpu.memory_space<hbm>>) dst(%dma_wait3A_381 : memref<128x64xf32, #tpu.memory_space<vmem>>)
      %ge3A_388 = arith.constant 1 : i32
      %ge3A_389 = arith.cmpi sge, %scan3A_210, %ge3A_388 : i32
      %convert_element_type3A_390 = arith.extui %ge3A_389 : i1 to i32
      %cond3A_391 = arith.constant 0 : i32
      %cond3A_392 = arith.cmpi ne, %convert_element_type3A_390, %cond3A_391 : i32
      scf.if %cond3A_392 {
        %dma_wait3A_870 = arith.constant 1 : i32
        %dma_wait3A_871 = arith.constant 0 : i32
        %dma_wait3A_872 = arith.constant 0 : i32
        %dma_wait3A_873 = tpu.memref_slice %arg8[%dma_wait3A_870, %dma_wait3A_871, %dma_wait3A_872] : memref<4x128x64xf32, #tpu.memory_space<vmem>> -> memref<1x128x64xf32, #tpu.memory_space<vmem>>
        %dma_wait3A_874 = tpu.memref_squeeze %dma_wait3A_873 : memref<1x128x64xf32, #tpu.memory_space<vmem>> -> memref<128x64xf32, #tpu.memory_space<vmem>>
        %dma_wait3A_875 = arith.constant 0 : i32
        %dma_wait3A_876 = arith.constant 0 : i32
        %dma_wait3A_877 = tpu.memref_slice %arg3[%dma_wait3A_875, %dma_wait3A_876] : memref<1000000x64xf32, #tpu.memory_space<hbm>> -> memref<128x64xf32, #tpu.memory_space<hbm>>
        %dma_wait3A_878 = arith.constant 0 : i32
        %dma_wait3A_879 = arith.constant 0 : i32
        %dma_wait3A_880 = tpu.memref_slice %arg8[%dma_wait3A_870, %dma_wait3A_878, %dma_wait3A_879] : memref<4x128x64xf32, #tpu.memory_space<vmem>> -> memref<1x128x64xf32, #tpu.memory_space<vmem>>
        %dma_wait3A_881 = tpu.memref_squeeze %dma_wait3A_880 : memref<1x128x64xf32, #tpu.memory_space<vmem>> -> memref<128x64xf32, #tpu.memory_space<vmem>>
        %dma_wait3A_882 = arith.constant 0 : i32
        %dma_wait3A_883 = arith.constant 0 : i32
        %dma_wait3A_884 = tpu.memref_slice %arg3[%dma_wait3A_882, %dma_wait3A_883] : memref<1000000x64xf32, #tpu.memory_space<hbm>> -> memref<128x64xf32, #tpu.memory_space<hbm>>
        tpu.wait_dma2 semaphore(%arg15 : memref<!tpu.dma_semaphore, #tpu.memory_space<semaphore_mem>>) src(%dma_wait3A_884 : memref<128x64xf32, #tpu.memory_space<hbm>>) dst(%dma_wait3A_881 : memref<128x64xf32, #tpu.memory_space<vmem>>)
      } else {
      }
      %get3A_393 = arith.index_cast %add3A_375 : i32 to index
      %get3A_394 = arith.constant 0 : index
      %get3A_395 = tpu.vector_load %arg7[%get3A_393, %get3A_394] {strides = array<i32>} : memref<200x64xf32, #tpu.memory_space<vmem>>, vector<16xf32>,
      %get3A_396 = arith.index_cast %add3A_375 : i32 to index
      %get3A_397 = arith.constant 16 : index
      %get3A_398 = tpu.vector_load %arg7[%get3A_396, %get3A_397] {strides = array<i32>} : memref<200x64xf32, #tpu.memory_space<vmem>>, vector<16xf32>,
      %get3A_399 = arith.index_cast %add3A_375 : i32 to index
      %get3A_400 = arith.constant 32 : index
      %get3A_401 = tpu.vector_load %arg7[%get3A_399, %get3A_400] {strides = array<i32>} : memref<200x64xf32, #tpu.memory_space<vmem>>, vector<16xf32>,
      %get3A_402 = arith.index_cast %add3A_375 : i32 to index
      %get3A_403 = arith.constant 48 : index
      %get3A_404 = tpu.vector_load %arg7[%get3A_402, %get3A_403] {strides = array<i32>} : memref<200x64xf32, #tpu.memory_space<vmem>>, vector<16xf32>,
      %scan3A_405 = arith.constant 0 : i32
      %scan3A_406 = arith.constant 0 : i32
      %scan3A_407 = arith.constant 32 : i32
      %scan3A_408 = arith.addi %scan3A_406, %scan3A_407 : i32
      %scan3A_409 = arith.constant 1 : i32
      scf.for %scan3A_870 = %scan3A_406 to %scan3A_408 step %scan3A_409  : i32 {
        %mul3A_871 = arith.constant 4 : i32
        %mul3A_872 = arith.muli %scan3A_870, %mul3A_871 : i32
        %add3A_873 = arith.constant 0 : i32
        %add3A_874 = arith.addi %mul3A_872, %add3A_873 : i32
        %get3A_875 = arith.constant 1 : i32
        %get3A_876 = arith.index_cast %get3A_875 : i32 to index
        %get3A_877 = arith.index_cast %add3A_874 : i32 to index
        %get3A_878 = arith.constant 0 : index
        %get3A_879 = tpu.vector_load %arg8[%get3A_876, %get3A_877, %get3A_878] {strides = array<i32>} : memref<4x128x64xf32, #tpu.memory_space<vmem>>, vector<16xf32>,
        %add3A_880 = arith.constant 0 : i32
        %add3A_881 = arith.addi %mul3A_872, %add3A_880 : i32
        %get3A_882 = arith.constant 1 : i32
        %get3A_883 = arith.index_cast %get3A_882 : i32 to index
        %get3A_884 = arith.index_cast %add3A_881 : i32 to index
        %get3A_885 = arith.constant 16 : index
        %get3A_886 = tpu.vector_load %arg8[%get3A_883, %get3A_884, %get3A_885] {strides = array<i32>} : memref<4x128x64xf32, #tpu.memory_space<vmem>>, vector<16xf32>,
        %add3A_887 = arith.constant 0 : i32
        %add3A_888 = arith.addi %mul3A_872, %add3A_887 : i32
        %get3A_889 = arith.constant 1 : i32
        %get3A_890 = arith.index_cast %get3A_889 : i32 to index
        %get3A_891 = arith.index_cast %add3A_888 : i32 to index
        %get3A_892 = arith.constant 32 : index
        %get3A_893 = tpu.vector_load %arg8[%get3A_890, %get3A_891, %get3A_892] {strides = array<i32>} : memref<4x128x64xf32, #tpu.memory_space<vmem>>, vector<16xf32>,
        %add3A_894 = arith.constant 0 : i32
        %add3A_895 = arith.addi %mul3A_872, %add3A_894 : i32
        %get3A_896 = arith.constant 1 : i32
        %get3A_897 = arith.index_cast %get3A_896 : i32 to index
        %get3A_898 = arith.index_cast %add3A_895 : i32 to index
        %get3A_899 = arith.constant 48 : index
        %get3A_900 = tpu.vector_load %arg8[%get3A_897, %get3A_898, %get3A_899] {strides = array<i32>} : memref<4x128x64xf32, #tpu.memory_space<vmem>>, vector<16xf32>,
        %add3A_901 = arith.constant 1 : i32
        %add3A_902 = arith.addi %mul3A_872, %add3A_901 : i32
        %get3A_903 = arith.constant 1 : i32
        %get3A_904 = arith.index_cast %get3A_903 : i32 to index
        %get3A_905 = arith.index_cast %add3A_902 : i32 to index
        %get3A_906 = arith.constant 0 : index
        %get3A_907 = tpu.vector_load %arg8[%get3A_904, %get3A_905, %get3A_906] {strides = array<i32>} : memref<4x128x64xf32, #tpu.memory_space<vmem>>, vector<16xf32>,
        %add3A_908 = arith.constant 1 : i32
        %add3A_909 = arith.addi %mul3A_872, %add3A_908 : i32
        %get3A_910 = arith.constant 1 : i32
        %get3A_911 = arith.index_cast %get3A_910 : i32 to index
        %get3A_912 = arith.index_cast %add3A_909 : i32 to index
        %get3A_913 = arith.constant 16 : index
        %get3A_914 = tpu.vector_load %arg8[%get3A_911, %get3A_912, %get3A_913] {strides = array<i32>} : memref<4x128x64xf32, #tpu.memory_space<vmem>>, vector<16xf32>,
        %add3A_915 = arith.constant 1 : i32
        %add3A_916 = arith.addi %mul3A_872, %add3A_915 : i32
        %get3A_917 = arith.constant 1 : i32
        %get3A_918 = arith.index_cast %get3A_917 : i32 to index
        %get3A_919 = arith.index_cast %add3A_916 : i32 to index
        %get3A_920 = arith.constant 32 : index
        %get3A_921 = tpu.vector_load %arg8[%get3A_918, %get3A_919, %get3A_920] {strides = array<i32>} : memref<4x128x64xf32, #tpu.memory_space<vmem>>, vector<16xf32>,
        %add3A_922 = arith.constant 1 : i32
        %add3A_923 = arith.addi %mul3A_872, %add3A_922 : i32
        %get3A_924 = arith.constant 1 : i32
        %get3A_925 = arith.index_cast %get3A_924 : i32 to index
        %get3A_926 = arith.index_cast %add3A_923 : i32 to index
        %get3A_927 = arith.constant 48 : index
        %get3A_928 = tpu.vector_load %arg8[%get3A_925, %get3A_926, %get3A_927] {strides = array<i32>} : memref<4x128x64xf32, #tpu.memory_space<vmem>>, vector<16xf32>,
        %add3A_929 = arith.constant 2 : i32
        %add3A_930 = arith.addi %mul3A_872, %add3A_929 : i32
        %get3A_931 = arith.constant 1 : i32
        %get3A_932 = arith.index_cast %get3A_931 : i32 to index
        %get3A_933 = arith.index_cast %add3A_930 : i32 to index
        %get3A_934 = arith.constant 0 : index
        %get3A_935 = tpu.vector_load %arg8[%get3A_932, %get3A_933, %get3A_934] {strides = array<i32>} : memref<4x128x64xf32, #tpu.memory_space<vmem>>, vector<16xf32>,
        %add3A_936 = arith.constant 2 : i32
        %add3A_937 = arith.addi %mul3A_872, %add3A_936 : i32
        %get3A_938 = arith.constant 1 : i32
        %get3A_939 = arith.index_cast %get3A_938 : i32 to index
        %get3A_940 = arith.index_cast %add3A_937 : i32 to index
        %get3A_941 = arith.constant 16 : index
        %get3A_942 = tpu.vector_load %arg8[%get3A_939, %get3A_940, %get3A_941] {strides = array<i32>} : memref<4x128x64xf32, #tpu.memory_space<vmem>>, vector<16xf32>,
        %add3A_943 = arith.constant 2 : i32
        %add3A_944 = arith.addi %mul3A_872, %add3A_943 : i32
        %get3A_945 = arith.constant 1 : i32
        %get3A_946 = arith.index_cast %get3A_945 : i32 to index
        %get3A_947 = arith.index_cast %add3A_944 : i32 to index
        %get3A_948 = arith.constant 32 : index
        %get3A_949 = tpu.vector_load %arg8[%get3A_946, %get3A_947, %get3A_948] {strides = array<i32>} : memref<4x128x64xf32, #tpu.memory_space<vmem>>, vector<16xf32>,
        %add3A_950 = arith.constant 2 : i32
        %add3A_951 = arith.addi %mul3A_872, %add3A_950 : i32
        %get3A_952 = arith.constant 1 : i32
        %get3A_953 = arith.index_cast %get3A_952 : i32 to index
        %get3A_954 = arith.index_cast %add3A_951 : i32 to index
        %get3A_955 = arith.constant 48 : index
        %get3A_956 = tpu.vector_load %arg8[%get3A_953, %get3A_954, %get3A_955] {strides = array<i32>} : memref<4x128x64xf32, #tpu.memory_space<vmem>>, vector<16xf32>,
        %add3A_957 = arith.constant 3 : i32
        %add3A_958 = arith.addi %mul3A_872, %add3A_957 : i32
        %get3A_959 = arith.constant 1 : i32
        %get3A_960 = arith.index_cast %get3A_959 : i32 to index
        %get3A_961 = arith.index_cast %add3A_958 : i32 to index
        %get3A_962 = arith.constant 0 : index
        %get3A_963 = tpu.vector_load %arg8[%get3A_960, %get3A_961, %get3A_962] {strides = array<i32>} : memref<4x128x64xf32, #tpu.memory_space<vmem>>, vector<16xf32>,
        %add3A_964 = arith.constant 3 : i32
        %add3A_965 = arith.addi %mul3A_872, %add3A_964 : i32
        %get3A_966 = arith.constant 1 : i32
        %get3A_967 = arith.index_cast %get3A_966 : i32 to index
        %get3A_968 = arith.index_cast %add3A_965 : i32 to index
        %get3A_969 = arith.constant 16 : index
        %get3A_970 = tpu.vector_load %arg8[%get3A_967, %get3A_968, %get3A_969] {strides = array<i32>} : memref<4x128x64xf32, #tpu.memory_space<vmem>>, vector<16xf32>,
        %add3A_971 = arith.constant 3 : i32
        %add3A_972 = arith.addi %mul3A_872, %add3A_971 : i32
        %get3A_973 = arith.constant 1 : i32
        %get3A_974 = arith.index_cast %get3A_973 : i32 to index
        %get3A_975 = arith.index_cast %add3A_972 : i32 to index
        %get3A_976 = arith.constant 32 : index
        %get3A_977 = tpu.vector_load %arg8[%get3A_974, %get3A_975, %get3A_976] {strides = array<i32>} : memref<4x128x64xf32, #tpu.memory_space<vmem>>, vector<16xf32>,
        %add3A_978 = arith.constant 3 : i32
        %add3A_979 = arith.addi %mul3A_872, %add3A_978 : i32
        %get3A_980 = arith.constant 1 : i32
        %get3A_981 = arith.index_cast %get3A_980 : i32 to index
        %get3A_982 = arith.index_cast %add3A_979 : i32 to index
        %get3A_983 = arith.constant 48 : index
        %get3A_984 = tpu.vector_load %arg8[%get3A_981, %get3A_982, %get3A_983] {strides = array<i32>} : memref<4x128x64xf32, #tpu.memory_space<vmem>>, vector<16xf32>,
        %broadcast_in_dim3A = arith.constant 0 : i32
        %broadcast_in_dim3A_985 = vector.broadcast %broadcast_in_dim3A : i32 to vector<16xi32>
        %add3A_986 = arith.constant 0 : i32
        %add3A_987 = arith.addi %mul3A_872, %add3A_986 : i32
        %add3A_988 = vector.broadcast %add3A_987 : i32 to vector<16xi32>
        %add3A_989 = arith.addi %broadcast_in_dim3A_985, %add3A_988 : vector<16xi32>
        %broadcast_in_dim3A_990 = arith.constant 0 : i32
        %broadcast_in_dim3A_991 = vector.broadcast %broadcast_in_dim3A_990 : i32 to vector<16xi32>
        %add3A_992 = arith.constant 1 : i32
        %add3A_993 = arith.addi %mul3A_872, %add3A_992 : i32
        %add3A_994 = vector.broadcast %add3A_993 : i32 to vector<16xi32>
        %add3A_995 = arith.addi %broadcast_in_dim3A_991, %add3A_994 : vector<16xi32>
        %broadcast_in_dim3A_996 = arith.constant 0 : i32
        %broadcast_in_dim3A_997 = vector.broadcast %broadcast_in_dim3A_996 : i32 to vector<16xi32>
        %add3A_998 = arith.constant 2 : i32
        %add3A_999 = arith.addi %mul3A_872, %add3A_998 : i32
        %add3A_1000 = vector.broadcast %add3A_999 : i32 to vector<16xi32>
        %add3A_1001 = arith.addi %broadcast_in_dim3A_997, %add3A_1000 : vector<16xi32>
        %broadcast_in_dim3A_1002 = arith.constant 0 : i32
        %broadcast_in_dim3A_1003 = vector.broadcast %broadcast_in_dim3A_1002 : i32 to vector<16xi32>
        %add3A_1004 = arith.constant 3 : i32
        %add3A_1005 = arith.addi %mul3A_872, %add3A_1004 : i32
        %add3A_1006 = vector.broadcast %add3A_1005 : i32 to vector<16xi32>
        %add3A_1007 = arith.addi %broadcast_in_dim3A_1003, %add3A_1006 : vector<16xi32>
        %mul3A_1008 = arith.constant 8.000000e+00 : f32
        %mul3A_1009 = vector.broadcast %mul3A_1008 : f32 to vector<16xf32>
        %mul3A_1010 = arith.mulf %mul3A_1009, %get3A_879 : vector<16xf32>
        %mul3A_1011 = arith.constant 8.000000e+00 : f32
        %mul3A_1012 = vector.broadcast %mul3A_1011 : f32 to vector<16xf32>
        %mul3A_1013 = arith.mulf %mul3A_1012, %get3A_886 : vector<16xf32>
        %mul3A_1014 = arith.constant 8.000000e+00 : f32
        %mul3A_1015 = vector.broadcast %mul3A_1014 : f32 to vector<16xf32>
        %mul3A_1016 = arith.mulf %mul3A_1015, %get3A_893 : vector<16xf32>
        %mul3A_1017 = arith.constant 8.000000e+00 : f32
        %mul3A_1018 = vector.broadcast %mul3A_1017 : f32 to vector<16xf32>
        %mul3A_1019 = arith.mulf %mul3A_1018, %get3A_900 : vector<16xf32>
        %mul3A_1020 = arith.constant 8.000000e+00 : f32
        %mul3A_1021 = vector.broadcast %mul3A_1020 : f32 to vector<16xf32>
        %mul3A_1022 = arith.mulf %mul3A_1021, %get3A_907 : vector<16xf32>
        %mul3A_1023 = arith.constant 8.000000e+00 : f32
        %mul3A_1024 = vector.broadcast %mul3A_1023 : f32 to vector<16xf32>
        %mul3A_1025 = arith.mulf %mul3A_1024, %get3A_914 : vector<16xf32>
        %mul3A_1026 = arith.constant 8.000000e+00 : f32
        %mul3A_1027 = vector.broadcast %mul3A_1026 : f32 to vector<16xf32>
        %mul3A_1028 = arith.mulf %mul3A_1027, %get3A_921 : vector<16xf32>
        %mul3A_1029 = arith.constant 8.000000e+00 : f32
        %mul3A_1030 = vector.broadcast %mul3A_1029 : f32 to vector<16xf32>
        %mul3A_1031 = arith.mulf %mul3A_1030, %get3A_928 : vector<16xf32>
        %mul3A_1032 = arith.constant 8.000000e+00 : f32
        %mul3A_1033 = vector.broadcast %mul3A_1032 : f32 to vector<16xf32>
        %mul3A_1034 = arith.mulf %mul3A_1033, %get3A_935 : vector<16xf32>
        %mul3A_1035 = arith.constant 8.000000e+00 : f32
        %mul3A_1036 = vector.broadcast %mul3A_1035 : f32 to vector<16xf32>
        %mul3A_1037 = arith.mulf %mul3A_1036, %get3A_942 : vector<16xf32>
        %mul3A_1038 = arith.constant 8.000000e+00 : f32
        %mul3A_1039 = vector.broadcast %mul3A_1038 : f32 to vector<16xf32>
        %mul3A_1040 = arith.mulf %mul3A_1039, %get3A_949 : vector<16xf32>
        %mul3A_1041 = arith.constant 8.000000e+00 : f32
        %mul3A_1042 = vector.broadcast %mul3A_1041 : f32 to vector<16xf32>
        %mul3A_1043 = arith.mulf %mul3A_1042, %get3A_956 : vector<16xf32>
        %mul3A_1044 = arith.constant 8.000000e+00 : f32
        %mul3A_1045 = vector.broadcast %mul3A_1044 : f32 to vector<16xf32>
        %mul3A_1046 = arith.mulf %mul3A_1045, %get3A_963 : vector<16xf32>
        %mul3A_1047 = arith.constant 8.000000e+00 : f32
        %mul3A_1048 = vector.broadcast %mul3A_1047 : f32 to vector<16xf32>
        %mul3A_1049 = arith.mulf %mul3A_1048, %get3A_970 : vector<16xf32>
        %mul3A_1050 = arith.constant 8.000000e+00 : f32
        %mul3A_1051 = vector.broadcast %mul3A_1050 : f32 to vector<16xf32>
        %mul3A_1052 = arith.mulf %mul3A_1051, %get3A_977 : vector<16xf32>
        %mul3A_1053 = arith.constant 8.000000e+00 : f32
        %mul3A_1054 = vector.broadcast %mul3A_1053 : f32 to vector<16xf32>
        %mul3A_1055 = arith.mulf %mul3A_1054, %get3A_984 : vector<16xf32>
        %add3A_1056 = arith.addf %mul3A_1010, %get3A_395 : vector<16xf32>
        %add3A_1057 = arith.addf %mul3A_1013, %get3A_398 : vector<16xf32>
        %add3A_1058 = arith.addf %mul3A_1016, %get3A_401 : vector<16xf32>
        %add3A_1059 = arith.addf %mul3A_1019, %get3A_404 : vector<16xf32>
        %add3A_1060 = arith.addf %mul3A_1022, %get3A_395 : vector<16xf32>
        %add3A_1061 = arith.addf %mul3A_1025, %get3A_398 : vector<16xf32>
        %add3A_1062 = arith.addf %mul3A_1028, %get3A_401 : vector<16xf32>
        %add3A_1063 = arith.addf %mul3A_1031, %get3A_404 : vector<16xf32>
        %add3A_1064 = arith.addf %mul3A_1034, %get3A_395 : vector<16xf32>
        %add3A_1065 = arith.addf %mul3A_1037, %get3A_398 : vector<16xf32>
        %add3A_1066 = arith.addf %mul3A_1040, %get3A_401 : vector<16xf32>
        %add3A_1067 = arith.addf %mul3A_1043, %get3A_404 : vector<16xf32>
        %add3A_1068 = arith.addf %mul3A_1046, %get3A_395 : vector<16xf32>
        %add3A_1069 = arith.addf %mul3A_1049, %get3A_398 : vector<16xf32>
        %add3A_1070 = arith.addf %mul3A_1052, %get3A_401 : vector<16xf32>
        %add3A_1071 = arith.addf %mul3A_1055, %get3A_404 : vector<16xf32>
        tpu.vector_store_idx %arg9[%add3A_32, %add3A_989], %add3A_1056 : memref<256x129xf32, #tpu.memory_space<vmem>>[vector<16xi32>, vector<16xi32>], vector<16xf32>,
        tpu.vector_store_idx %arg9[%add3A_38, %add3A_989], %add3A_1057 : memref<256x129xf32, #tpu.memory_space<vmem>>[vector<16xi32>, vector<16xi32>], vector<16xf32>,
        tpu.vector_store_idx %arg9[%add3A_44, %add3A_989], %add3A_1058 : memref<256x129xf32, #tpu.memory_space<vmem>>[vector<16xi32>, vector<16xi32>], vector<16xf32>,
        tpu.vector_store_idx %arg9[%add3A_50, %add3A_989], %add3A_1059 : memref<256x129xf32, #tpu.memory_space<vmem>>[vector<16xi32>, vector<16xi32>], vector<16xf32>,
        tpu.vector_store_idx %arg9[%add3A_32, %add3A_995], %add3A_1060 : memref<256x129xf32, #tpu.memory_space<vmem>>[vector<16xi32>, vector<16xi32>], vector<16xf32>,
        tpu.vector_store_idx %arg9[%add3A_38, %add3A_995], %add3A_1061 : memref<256x129xf32, #tpu.memory_space<vmem>>[vector<16xi32>, vector<16xi32>], vector<16xf32>,
        tpu.vector_store_idx %arg9[%add3A_44, %add3A_995], %add3A_1062 : memref<256x129xf32, #tpu.memory_space<vmem>>[vector<16xi32>, vector<16xi32>], vector<16xf32>,
        tpu.vector_store_idx %arg9[%add3A_50, %add3A_995], %add3A_1063 : memref<256x129xf32, #tpu.memory_space<vmem>>[vector<16xi32>, vector<16xi32>], vector<16xf32>,
        tpu.vector_store_idx %arg9[%add3A_32, %add3A_1001], %add3A_1064 : memref<256x129xf32, #tpu.memory_space<vmem>>[vector<16xi32>, vector<16xi32>], vector<16xf32>,
        tpu.vector_store_idx %arg9[%add3A_38, %add3A_1001], %add3A_1065 : memref<256x129xf32, #tpu.memory_space<vmem>>[vector<16xi32>, vector<16xi32>], vector<16xf32>,
        tpu.vector_store_idx %arg9[%add3A_44, %add3A_1001], %add3A_1066 : memref<256x129xf32, #tpu.memory_space<vmem>>[vector<16xi32>, vector<16xi32>], vector<16xf32>,
        tpu.vector_store_idx %arg9[%add3A_50, %add3A_1001], %add3A_1067 : memref<256x129xf32, #tpu.memory_space<vmem>>[vector<16xi32>, vector<16xi32>], vector<16xf32>,
        tpu.vector_store_idx %arg9[%add3A_32, %add3A_1007], %add3A_1068 : memref<256x129xf32, #tpu.memory_space<vmem>>[vector<16xi32>, vector<16xi32>], vector<16xf32>,
        tpu.vector_store_idx %arg9[%add3A_38, %add3A_1007], %add3A_1069 : memref<256x129xf32, #tpu.memory_space<vmem>>[vector<16xi32>, vector<16xi32>], vector<16xf32>,
        tpu.vector_store_idx %arg9[%add3A_44, %add3A_1007], %add3A_1070 : memref<256x129xf32, #tpu.memory_space<vmem>>[vector<16xi32>, vector<16xi32>], vector<16xf32>,
        tpu.vector_store_idx %arg9[%add3A_50, %add3A_1007], %add3A_1071 : memref<256x129xf32, #tpu.memory_space<vmem>>[vector<16xi32>, vector<16xi32>], vector<16xf32>,
      }
      %scan3A_410 = arith.constant 32 : i32
      %dma_start3A_411 = arith.constant 0 : i32
      %dma_start3A_412 = arith.constant 64 : i32
      %dma_start3A_413 = arith.constant 0 : i32
      %dma_start3A_414 = tpu.memref_slice %arg9[%dma_start3A_412, %dma_start3A_413] : memref<256x129xf32, #tpu.memory_space<vmem>> -> memref<8x128xf32, #tpu.memory_space<vmem>>
      %dma_start3A_415 = arith.constant 0 : i32
      %dma_start3A_416 = arith.constant 0 : i32
      %dma_start3A_417 = tpu.memref_slice %arg5[%add3A_375, %dma_start3A_411, %add3A, %dma_start3A_415, %dma_start3A_416] : memref<200x8x32x8x128xf32, #tpu.memory_space<hbm>> -> memref<1x1x1x8x128xf32, #tpu.memory_space<hbm>>
      %dma_start3A_418 = tpu.memref_squeeze %dma_start3A_417 : memref<1x1x1x8x128xf32, #tpu.memory_space<hbm>> -> memref<8x128xf32, #tpu.memory_space<hbm>>
      %dma_start3A_419 = arith.constant 0 : i32
      %dma_start3A_420 = arith.constant 0 : i32
      %dma_start3A_421 = tpu.memref_slice %arg5[%add3A_375, %dma_start3A_411, %add3A, %dma_start3A_419, %dma_start3A_420] : memref<200x8x32x8x128xf32, #tpu.memory_space<hbm>> -> memref<1x1x1x8x128xf32, #tpu.memory_space<hbm>>
      %dma_start3A_422 = tpu.memref_squeeze %dma_start3A_421 : memref<1x1x1x8x128xf32, #tpu.memory_space<hbm>> -> memref<8x128xf32, #tpu.memory_space<hbm>>
      %dma_start3A_423 = arith.constant 64 : i32
      %dma_start3A_424 = arith.constant 0 : i32
      %dma_start3A_425 = tpu.memref_slice %arg9[%dma_start3A_423, %dma_start3A_424] : memref<256x129xf32, #tpu.memory_space<vmem>> -> memref<8x128xf32, #tpu.memory_space<vmem>>
      tpu.enqueue_dma source(%dma_start3A_425 : memref<8x128xf32, #tpu.memory_space<vmem>>) target(%dma_start3A_422 : memref<8x128xf32, #tpu.memory_space<hbm>>) target_semaphore(%arg15 : memref<!tpu.dma_semaphore, #tpu.memory_space<semaphore_mem>>)
      %dma_start3A_426 = arith.constant 1 : i32
      %dma_start3A_427 = arith.constant 72 : i32
      %dma_start3A_428 = arith.constant 0 : i32
      %dma_start3A_429 = tpu.memref_slice %arg9[%dma_start3A_427, %dma_start3A_428] : memref<256x129xf32, #tpu.memory_space<vmem>> -> memref<8x128xf32, #tpu.memory_space<vmem>>
      %dma_start3A_430 = arith.constant 0 : i32
      %dma_start3A_431 = arith.constant 0 : i32
      %dma_start3A_432 = tpu.memref_slice %arg5[%add3A_375, %dma_start3A_426, %add3A, %dma_start3A_430, %dma_start3A_431] : memref<200x8x32x8x128xf32, #tpu.memory_space<hbm>> -> memref<1x1x1x8x128xf32, #tpu.memory_space<hbm>>
      %dma_start3A_433 = tpu.memref_squeeze %dma_start3A_432 : memref<1x1x1x8x128xf32, #tpu.memory_space<hbm>> -> memref<8x128xf32, #tpu.memory_space<hbm>>
      %dma_start3A_434 = arith.constant 0 : i32
      %dma_start3A_435 = arith.constant 0 : i32
      %dma_start3A_436 = tpu.memref_slice %arg5[%add3A_375, %dma_start3A_426, %add3A, %dma_start3A_434, %dma_start3A_435] : memref<200x8x32x8x128xf32, #tpu.memory_space<hbm>> -> memref<1x1x1x8x128xf32, #tpu.memory_space<hbm>>
      %dma_start3A_437 = tpu.memref_squeeze %dma_start3A_436 : memref<1x1x1x8x128xf32, #tpu.memory_space<hbm>> -> memref<8x128xf32, #tpu.memory_space<hbm>>
      %dma_start3A_438 = arith.constant 72 : i32
      %dma_start3A_439 = arith.constant 0 : i32
      %dma_start3A_440 = tpu.memref_slice %arg9[%dma_start3A_438, %dma_start3A_439] : memref<256x129xf32, #tpu.memory_space<vmem>> -> memref<8x128xf32, #tpu.memory_space<vmem>>
      tpu.enqueue_dma source(%dma_start3A_440 : memref<8x128xf32, #tpu.memory_space<vmem>>) target(%dma_start3A_437 : memref<8x128xf32, #tpu.memory_space<hbm>>) target_semaphore(%arg15 : memref<!tpu.dma_semaphore, #tpu.memory_space<semaphore_mem>>)
      %dma_start3A_441 = arith.constant 2 : i32
      %dma_start3A_442 = arith.constant 80 : i32
      %dma_start3A_443 = arith.constant 0 : i32
      %dma_start3A_444 = tpu.memref_slice %arg9[%dma_start3A_442, %dma_start3A_443] : memref<256x129xf32, #tpu.memory_space<vmem>> -> memref<8x128xf32, #tpu.memory_space<vmem>>
      %dma_start3A_445 = arith.constant 0 : i32
      %dma_start3A_446 = arith.constant 0 : i32
      %dma_start3A_447 = tpu.memref_slice %arg5[%add3A_375, %dma_start3A_441, %add3A, %dma_start3A_445, %dma_start3A_446] : memref<200x8x32x8x128xf32, #tpu.memory_space<hbm>> -> memref<1x1x1x8x128xf32, #tpu.memory_space<hbm>>
      %dma_start3A_448 = tpu.memref_squeeze %dma_start3A_447 : memref<1x1x1x8x128xf32, #tpu.memory_space<hbm>> -> memref<8x128xf32, #tpu.memory_space<hbm>>
      %dma_start3A_449 = arith.constant 0 : i32
      %dma_start3A_450 = arith.constant 0 : i32
      %dma_start3A_451 = tpu.memref_slice %arg5[%add3A_375, %dma_start3A_441, %add3A, %dma_start3A_449, %dma_start3A_450] : memref<200x8x32x8x128xf32, #tpu.memory_space<hbm>> -> memref<1x1x1x8x128xf32, #tpu.memory_space<hbm>>
      %dma_start3A_452 = tpu.memref_squeeze %dma_start3A_451 : memref<1x1x1x8x128xf32, #tpu.memory_space<hbm>> -> memref<8x128xf32, #tpu.memory_space<hbm>>
      %dma_start3A_453 = arith.constant 80 : i32
      %dma_start3A_454 = arith.constant 0 : i32
      %dma_start3A_455 = tpu.memref_slice %arg9[%dma_start3A_453, %dma_start3A_454] : memref<256x129xf32, #tpu.memory_space<vmem>> -> memref<8x128xf32, #tpu.memory_space<vmem>>
      tpu.enqueue_dma source(%dma_start3A_455 : memref<8x128xf32, #tpu.memory_space<vmem>>) target(%dma_start3A_452 : memref<8x128xf32, #tpu.memory_space<hbm>>) target_semaphore(%arg15 : memref<!tpu.dma_semaphore, #tpu.memory_space<semaphore_mem>>)
      %dma_start3A_456 = arith.constant 3 : i32
      %dma_start3A_457 = arith.constant 88 : i32
      %dma_start3A_458 = arith.constant 0 : i32
      %dma_start3A_459 = tpu.memref_slice %arg9[%dma_start3A_457, %dma_start3A_458] : memref<256x129xf32, #tpu.memory_space<vmem>> -> memref<8x128xf32, #tpu.memory_space<vmem>>
      %dma_start3A_460 = arith.constant 0 : i32
      %dma_start3A_461 = arith.constant 0 : i32
      %dma_start3A_462 = tpu.memref_slice %arg5[%add3A_375, %dma_start3A_456, %add3A, %dma_start3A_460, %dma_start3A_461] : memref<200x8x32x8x128xf32, #tpu.memory_space<hbm>> -> memref<1x1x1x8x128xf32, #tpu.memory_space<hbm>>
      %dma_start3A_463 = tpu.memref_squeeze %dma_start3A_462 : memref<1x1x1x8x128xf32, #tpu.memory_space<hbm>> -> memref<8x128xf32, #tpu.memory_space<hbm>>
      %dma_start3A_464 = arith.constant 0 : i32
      %dma_start3A_465 = arith.constant 0 : i32
      %dma_start3A_466 = tpu.memref_slice %arg5[%add3A_375, %dma_start3A_456, %add3A, %dma_start3A_464, %dma_start3A_465] : memref<200x8x32x8x128xf32, #tpu.memory_space<hbm>> -> memref<1x1x1x8x128xf32, #tpu.memory_space<hbm>>
      %dma_start3A_467 = tpu.memref_squeeze %dma_start3A_466 : memref<1x1x1x8x128xf32, #tpu.memory_space<hbm>> -> memref<8x128xf32, #tpu.memory_space<hbm>>
      %dma_start3A_468 = arith.constant 88 : i32
      %dma_start3A_469 = arith.constant 0 : i32
      %dma_start3A_470 = tpu.memref_slice %arg9[%dma_start3A_468, %dma_start3A_469] : memref<256x129xf32, #tpu.memory_space<vmem>> -> memref<8x128xf32, #tpu.memory_space<vmem>>
      tpu.enqueue_dma source(%dma_start3A_470 : memref<8x128xf32, #tpu.memory_space<vmem>>) target(%dma_start3A_467 : memref<8x128xf32, #tpu.memory_space<hbm>>) target_semaphore(%arg15 : memref<!tpu.dma_semaphore, #tpu.memory_space<semaphore_mem>>)
      %dma_start3A_471 = arith.constant 4 : i32
      %dma_start3A_472 = arith.constant 96 : i32
      %dma_start3A_473 = arith.constant 0 : i32
      %dma_start3A_474 = tpu.memref_slice %arg9[%dma_start3A_472, %dma_start3A_473] : memref<256x129xf32, #tpu.memory_space<vmem>> -> memref<8x128xf32, #tpu.memory_space<vmem>>
      %dma_start3A_475 = arith.constant 0 : i32
      %dma_start3A_476 = arith.constant 0 : i32
      %dma_start3A_477 = tpu.memref_slice %arg5[%add3A_375, %dma_start3A_471, %add3A, %dma_start3A_475, %dma_start3A_476] : memref<200x8x32x8x128xf32, #tpu.memory_space<hbm>> -> memref<1x1x1x8x128xf32, #tpu.memory_space<hbm>>
      %dma_start3A_478 = tpu.memref_squeeze %dma_start3A_477 : memref<1x1x1x8x128xf32, #tpu.memory_space<hbm>> -> memref<8x128xf32, #tpu.memory_space<hbm>>
      %dma_start3A_479 = arith.constant 0 : i32
      %dma_start3A_480 = arith.constant 0 : i32
      %dma_start3A_481 = tpu.memref_slice %arg5[%add3A_375, %dma_start3A_471, %add3A, %dma_start3A_479, %dma_start3A_480] : memref<200x8x32x8x128xf32, #tpu.memory_space<hbm>> -> memref<1x1x1x8x128xf32, #tpu.memory_space<hbm>>
      %dma_start3A_482 = tpu.memref_squeeze %dma_start3A_481 : memref<1x1x1x8x128xf32, #tpu.memory_space<hbm>> -> memref<8x128xf32, #tpu.memory_space<hbm>>
      %dma_start3A_483 = arith.constant 96 : i32
      %dma_start3A_484 = arith.constant 0 : i32
      %dma_start3A_485 = tpu.memref_slice %arg9[%dma_start3A_483, %dma_start3A_484] : memref<256x129xf32, #tpu.memory_space<vmem>> -> memref<8x128xf32, #tpu.memory_space<vmem>>
      tpu.enqueue_dma source(%dma_start3A_485 : memref<8x128xf32, #tpu.memory_space<vmem>>) target(%dma_start3A_482 : memref<8x128xf32, #tpu.memory_space<hbm>>) target_semaphore(%arg15 : memref<!tpu.dma_semaphore, #tpu.memory_space<semaphore_mem>>)
      %dma_start3A_486 = arith.constant 5 : i32
      %dma_start3A_487 = arith.constant 104 : i32
      %dma_start3A_488 = arith.constant 0 : i32
      %dma_start3A_489 = tpu.memref_slice %arg9[%dma_start3A_487, %dma_start3A_488] : memref<256x129xf32, #tpu.memory_space<vmem>> -> memref<8x128xf32, #tpu.memory_space<vmem>>
      %dma_start3A_490 = arith.constant 0 : i32
      %dma_start3A_491 = arith.constant 0 : i32
      %dma_start3A_492 = tpu.memref_slice %arg5[%add3A_375, %dma_start3A_486, %add3A, %dma_start3A_490, %dma_start3A_491] : memref<200x8x32x8x128xf32, #tpu.memory_space<hbm>> -> memref<1x1x1x8x128xf32, #tpu.memory_space<hbm>>
      %dma_start3A_493 = tpu.memref_squeeze %dma_start3A_492 : memref<1x1x1x8x128xf32, #tpu.memory_space<hbm>> -> memref<8x128xf32, #tpu.memory_space<hbm>>
      %dma_start3A_494 = arith.constant 0 : i32
      %dma_start3A_495 = arith.constant 0 : i32
      %dma_start3A_496 = tpu.memref_slice %arg5[%add3A_375, %dma_start3A_486, %add3A, %dma_start3A_494, %dma_start3A_495] : memref<200x8x32x8x128xf32, #tpu.memory_space<hbm>> -> memref<1x1x1x8x128xf32, #tpu.memory_space<hbm>>
      %dma_start3A_497 = tpu.memref_squeeze %dma_start3A_496 : memref<1x1x1x8x128xf32, #tpu.memory_space<hbm>> -> memref<8x128xf32, #tpu.memory_space<hbm>>
      %dma_start3A_498 = arith.constant 104 : i32
      %dma_start3A_499 = arith.constant 0 : i32
      %dma_start3A_500 = tpu.memref_slice %arg9[%dma_start3A_498, %dma_start3A_499] : memref<256x129xf32, #tpu.memory_space<vmem>> -> memref<8x128xf32, #tpu.memory_space<vmem>>
      tpu.enqueue_dma source(%dma_start3A_500 : memref<8x128xf32, #tpu.memory_space<vmem>>) target(%dma_start3A_497 : memref<8x128xf32, #tpu.memory_space<hbm>>) target_semaphore(%arg15 : memref<!tpu.dma_semaphore, #tpu.memory_space<semaphore_mem>>)
      %dma_start3A_501 = arith.constant 6 : i32
      %dma_start3A_502 = arith.constant 112 : i32
      %dma_start3A_503 = arith.constant 0 : i32
      %dma_start3A_504 = tpu.memref_slice %arg9[%dma_start3A_502, %dma_start3A_503] : memref<256x129xf32, #tpu.memory_space<vmem>> -> memref<8x128xf32, #tpu.memory_space<vmem>>
      %dma_start3A_505 = arith.constant 0 : i32
      %dma_start3A_506 = arith.constant 0 : i32
      %dma_start3A_507 = tpu.memref_slice %arg5[%add3A_375, %dma_start3A_501, %add3A, %dma_start3A_505, %dma_start3A_506] : memref<200x8x32x8x128xf32, #tpu.memory_space<hbm>> -> memref<1x1x1x8x128xf32, #tpu.memory_space<hbm>>
      %dma_start3A_508 = tpu.memref_squeeze %dma_start3A_507 : memref<1x1x1x8x128xf32, #tpu.memory_space<hbm>> -> memref<8x128xf32, #tpu.memory_space<hbm>>
      %dma_start3A_509 = arith.constant 0 : i32
      %dma_start3A_510 = arith.constant 0 : i32
      %dma_start3A_511 = tpu.memref_slice %arg5[%add3A_375, %dma_start3A_501, %add3A, %dma_start3A_509, %dma_start3A_510] : memref<200x8x32x8x128xf32, #tpu.memory_space<hbm>> -> memref<1x1x1x8x128xf32, #tpu.memory_space<hbm>>
      %dma_start3A_512 = tpu.memref_squeeze %dma_start3A_511 : memref<1x1x1x8x128xf32, #tpu.memory_space<hbm>> -> memref<8x128xf32, #tpu.memory_space<hbm>>
      %dma_start3A_513 = arith.constant 112 : i32
      %dma_start3A_514 = arith.constant 0 : i32
      %dma_start3A_515 = tpu.memref_slice %arg9[%dma_start3A_513, %dma_start3A_514] : memref<256x129xf32, #tpu.memory_space<vmem>> -> memref<8x128xf32, #tpu.memory_space<vmem>>
      tpu.enqueue_dma source(%dma_start3A_515 : memref<8x128xf32, #tpu.memory_space<vmem>>) target(%dma_start3A_512 : memref<8x128xf32, #tpu.memory_space<hbm>>) target_semaphore(%arg15 : memref<!tpu.dma_semaphore, #tpu.memory_space<semaphore_mem>>)
      %dma_start3A_516 = arith.constant 7 : i32
      %dma_start3A_517 = arith.constant 120 : i32
      %dma_start3A_518 = arith.constant 0 : i32
      %dma_start3A_519 = tpu.memref_slice %arg9[%dma_start3A_517, %dma_start3A_518] : memref<256x129xf32, #tpu.memory_space<vmem>> -> memref<8x128xf32, #tpu.memory_space<vmem>>
      %dma_start3A_520 = arith.constant 0 : i32
      %dma_start3A_521 = arith.constant 0 : i32
      %dma_start3A_522 = tpu.memref_slice %arg5[%add3A_375, %dma_start3A_516, %add3A, %dma_start3A_520, %dma_start3A_521] : memref<200x8x32x8x128xf32, #tpu.memory_space<hbm>> -> memref<1x1x1x8x128xf32, #tpu.memory_space<hbm>>
      %dma_start3A_523 = tpu.memref_squeeze %dma_start3A_522 : memref<1x1x1x8x128xf32, #tpu.memory_space<hbm>> -> memref<8x128xf32, #tpu.memory_space<hbm>>
      %dma_start3A_524 = arith.constant 0 : i32
      %dma_start3A_525 = arith.constant 0 : i32
      %dma_start3A_526 = tpu.memref_slice %arg5[%add3A_375, %dma_start3A_516, %add3A, %dma_start3A_524, %dma_start3A_525] : memref<200x8x32x8x128xf32, #tpu.memory_space<hbm>> -> memref<1x1x1x8x128xf32, #tpu.memory_space<hbm>>
      %dma_start3A_527 = tpu.memref_squeeze %dma_start3A_526 : memref<1x1x1x8x128xf32, #tpu.memory_space<hbm>> -> memref<8x128xf32, #tpu.memory_space<hbm>>
      %dma_start3A_528 = arith.constant 120 : i32
      %dma_start3A_529 = arith.constant 0 : i32
      %dma_start3A_530 = tpu.memref_slice %arg9[%dma_start3A_528, %dma_start3A_529] : memref<256x129xf32, #tpu.memory_space<vmem>> -> memref<8x128xf32, #tpu.memory_space<vmem>>
      tpu.enqueue_dma source(%dma_start3A_530 : memref<8x128xf32, #tpu.memory_space<vmem>>) target(%dma_start3A_527 : memref<8x128xf32, #tpu.memory_space<hbm>>) target_semaphore(%arg15 : memref<!tpu.dma_semaphore, #tpu.memory_space<semaphore_mem>>)
      %add3A_531 = arith.constant 4 : i32
      %add3A_532 = arith.addi %add3A_375, %add3A_531 : i32
      %lt3A_533 = arith.constant 200 : i32
      %lt3A_534 = arith.cmpi slt, %add3A_532, %lt3A_533 : i32
      %convert_element_type3A_535 = arith.extui %lt3A_534 : i1 to i32
      %cond3A_536 = arith.constant 0 : i32
      %cond3A_537 = arith.cmpi ne, %convert_element_type3A_535, %cond3A_536 : i32
      scf.if %cond3A_537 {
        %add3A_870 = arith.constant 4 : i32
        %add3A_871 = arith.addi %add3A_375, %add3A_870 : i32
        %dma_start3A_872 = arith.constant 1 : i32
        %dma_start3A_873 = arith.constant 0 : i32
        %dma_start3A_874 = arith.constant 0 : i32
        %dma_start3A_875 = tpu.memref_slice %arg8[%dma_start3A_872, %dma_start3A_873, %dma_start3A_874] : memref<4x128x64xf32, #tpu.memory_space<vmem>> -> memref<1x128x64xf32, #tpu.memory_space<vmem>>
        %dma_start3A_876 = tpu.memref_squeeze %dma_start3A_875 : memref<1x128x64xf32, #tpu.memory_space<vmem>> -> memref<128x64xf32, #tpu.memory_space<vmem>>
        %dma_start3A_877 = arith.constant 0 : i32
        %dma_start3A_878 = tpu.memref_slice %arg6[%add3A_871, %dma_start3A_877] : memref<200x128xi32, #tpu.memory_space<vmem>> -> memref<1x128xi32, #tpu.memory_space<vmem>>
        %dma_start3A_879 = tpu.memref_squeeze %dma_start3A_878 : memref<1x128xi32, #tpu.memory_space<vmem>> -> memref<128xi32, #tpu.memory_space<vmem>>
        %dma_start3A_880 = arith.constant 0 : i32
        %dma_start3A_881 = arith.constant 0 : i32
        %dma_start3A_882 = tpu.memref_slice %arg3[%dma_start3A_880, %dma_start3A_881] : memref<1000000x64xf32, #tpu.memory_space<hbm>> -> memref<1000000x64xf32, #tpu.memory_space<hbm>>
        tpu.enqueue_indirect_dma source(%dma_start3A_882 : memref<1000000x64xf32, #tpu.memory_space<hbm>>) target(%dma_start3A_876 : memref<128x64xf32, #tpu.memory_space<vmem>>) offsets(%dma_start3A_879 : memref<128xi32, #tpu.memory_space<vmem>>) semaphore(%arg11 : memref<!tpu.dma_semaphore, #tpu.memory_space<semaphore_mem>>)
      } else {
      }
      %mul3A_538 = arith.constant 4 : i32
      %mul3A_539 = arith.muli %scan3A_210, %mul3A_538 : i32
      %add3A_540 = arith.constant 2 : i32
      %add3A_541 = arith.addi %mul3A_539, %add3A_540 : i32
      %dma_wait3A_542 = arith.constant 0 : i32
      %dma_wait3A_543 = arith.constant 2 : i32
      %dma_wait3A_544 = arith.constant 0 : i32
      %dma_wait3A_545 = arith.constant 0 : i32
      %dma_wait3A_546 = tpu.memref_slice %arg8[%dma_wait3A_543, %dma_wait3A_544, %dma_wait3A_545] : memref<4x128x64xf32, #tpu.memory_space<vmem>> -> memref<1x128x64xf32, #tpu.memory_space<vmem>>
      %dma_wait3A_547 = tpu.memref_squeeze %dma_wait3A_546 : memref<1x128x64xf32, #tpu.memory_space<vmem>> -> memref<128x64xf32, #tpu.memory_space<vmem>>
      %dma_wait3A_548 = arith.constant 0 : i32
      %dma_wait3A_549 = tpu.memref_slice %arg6[%dma_wait3A_542, %dma_wait3A_548] : memref<200x128xi32, #tpu.memory_space<vmem>> -> memref<1x128xi32, #tpu.memory_space<vmem>>
      %dma_wait3A_550 = tpu.memref_squeeze %dma_wait3A_549 : memref<1x128xi32, #tpu.memory_space<vmem>> -> memref<128xi32, #tpu.memory_space<vmem>>
      %dma_wait3A_551 = arith.constant 0 : i32
      %dma_wait3A_552 = arith.constant 0 : i32
      %dma_wait3A_553 = tpu.memref_slice %arg3[%dma_wait3A_551, %dma_wait3A_552] : memref<1000000x64xf32, #tpu.memory_space<hbm>> -> memref<1000000x64xf32, #tpu.memory_space<hbm>>
      tpu.wait_indirect_dma semaphore(%arg12 : memref<!tpu.dma_semaphore, #tpu.memory_space<semaphore_mem>>) src(%dma_wait3A_553 : memref<1000000x64xf32, #tpu.memory_space<hbm>>) dst(%dma_wait3A_547 : memref<128x64xf32, #tpu.memory_space<vmem>>)
      %ge3A_554 = arith.constant 1 : i32
      %ge3A_555 = arith.cmpi sge, %scan3A_210, %ge3A_554 : i32
      %convert_element_type3A_556 = arith.extui %ge3A_555 : i1 to i32
      %cond3A_557 = arith.constant 0 : i32
      %cond3A_558 = arith.cmpi ne, %convert_element_type3A_556, %cond3A_557 : i32
      scf.if %cond3A_558 {
        %dma_wait3A_870 = arith.constant 2 : i32
        %dma_wait3A_871 = arith.constant 0 : i32
        %dma_wait3A_872 = arith.constant 0 : i32
        %dma_wait3A_873 = tpu.memref_slice %arg8[%dma_wait3A_870, %dma_wait3A_871, %dma_wait3A_872] : memref<4x128x64xf32, #tpu.memory_space<vmem>> -> memref<1x128x64xf32, #tpu.memory_space<vmem>>
        %dma_wait3A_874 = tpu.memref_squeeze %dma_wait3A_873 : memref<1x128x64xf32, #tpu.memory_space<vmem>> -> memref<128x64xf32, #tpu.memory_space<vmem>>
        %dma_wait3A_875 = arith.constant 0 : i32
        %dma_wait3A_876 = arith.constant 0 : i32
        %dma_wait3A_877 = tpu.memref_slice %arg3[%dma_wait3A_875, %dma_wait3A_876] : memref<1000000x64xf32, #tpu.memory_space<hbm>> -> memref<128x64xf32, #tpu.memory_space<hbm>>
        %dma_wait3A_878 = arith.constant 0 : i32
        %dma_wait3A_879 = arith.constant 0 : i32
        %dma_wait3A_880 = tpu.memref_slice %arg8[%dma_wait3A_870, %dma_wait3A_878, %dma_wait3A_879] : memref<4x128x64xf32, #tpu.memory_space<vmem>> -> memref<1x128x64xf32, #tpu.memory_space<vmem>>
        %dma_wait3A_881 = tpu.memref_squeeze %dma_wait3A_880 : memref<1x128x64xf32, #tpu.memory_space<vmem>> -> memref<128x64xf32, #tpu.memory_space<vmem>>
        %dma_wait3A_882 = arith.constant 0 : i32
        %dma_wait3A_883 = arith.constant 0 : i32
        %dma_wait3A_884 = tpu.memref_slice %arg3[%dma_wait3A_882, %dma_wait3A_883] : memref<1000000x64xf32, #tpu.memory_space<hbm>> -> memref<128x64xf32, #tpu.memory_space<hbm>>
        tpu.wait_dma2 semaphore(%arg16 : memref<!tpu.dma_semaphore, #tpu.memory_space<semaphore_mem>>) src(%dma_wait3A_884 : memref<128x64xf32, #tpu.memory_space<hbm>>) dst(%dma_wait3A_881 : memref<128x64xf32, #tpu.memory_space<vmem>>)
      } else {
      }
      %get3A_559 = arith.index_cast %add3A_541 : i32 to index
      %get3A_560 = arith.constant 0 : index
      %get3A_561 = tpu.vector_load %arg7[%get3A_559, %get3A_560] {strides = array<i32>} : memref<200x64xf32, #tpu.memory_space<vmem>>, vector<16xf32>,
      %get3A_562 = arith.index_cast %add3A_541 : i32 to index
      %get3A_563 = arith.constant 16 : index
      %get3A_564 = tpu.vector_load %arg7[%get3A_562, %get3A_563] {strides = array<i32>} : memref<200x64xf32, #tpu.memory_space<vmem>>, vector<16xf32>,
      %get3A_565 = arith.index_cast %add3A_541 : i32 to index
      %get3A_566 = arith.constant 32 : index
      %get3A_567 = tpu.vector_load %arg7[%get3A_565, %get3A_566] {strides = array<i32>} : memref<200x64xf32, #tpu.memory_space<vmem>>, vector<16xf32>,
      %get3A_568 = arith.index_cast %add3A_541 : i32 to index
      %get3A_569 = arith.constant 48 : index
      %get3A_570 = tpu.vector_load %arg7[%get3A_568, %get3A_569] {strides = array<i32>} : memref<200x64xf32, #tpu.memory_space<vmem>>, vector<16xf32>,
      %scan3A_571 = arith.constant 0 : i32
      %scan3A_572 = arith.constant 0 : i32
      %scan3A_573 = arith.constant 32 : i32
      %scan3A_574 = arith.addi %scan3A_572, %scan3A_573 : i32
      %scan3A_575 = arith.constant 1 : i32
      scf.for %scan3A_870 = %scan3A_572 to %scan3A_574 step %scan3A_575  : i32 {
        %mul3A_871 = arith.constant 4 : i32
        %mul3A_872 = arith.muli %scan3A_870, %mul3A_871 : i32
        %add3A_873 = arith.constant 0 : i32
        %add3A_874 = arith.addi %mul3A_872, %add3A_873 : i32
        %get3A_875 = arith.constant 2 : i32
        %get3A_876 = arith.index_cast %get3A_875 : i32 to index
        %get3A_877 = arith.index_cast %add3A_874 : i32 to index
        %get3A_878 = arith.constant 0 : index
        %get3A_879 = tpu.vector_load %arg8[%get3A_876, %get3A_877, %get3A_878] {strides = array<i32>} : memref<4x128x64xf32, #tpu.memory_space<vmem>>, vector<16xf32>,
        %add3A_880 = arith.constant 0 : i32
        %add3A_881 = arith.addi %mul3A_872, %add3A_880 : i32
        %get3A_882 = arith.constant 2 : i32
        %get3A_883 = arith.index_cast %get3A_882 : i32 to index
        %get3A_884 = arith.index_cast %add3A_881 : i32 to index
        %get3A_885 = arith.constant 16 : index
        %get3A_886 = tpu.vector_load %arg8[%get3A_883, %get3A_884, %get3A_885] {strides = array<i32>} : memref<4x128x64xf32, #tpu.memory_space<vmem>>, vector<16xf32>,
        %add3A_887 = arith.constant 0 : i32
        %add3A_888 = arith.addi %mul3A_872, %add3A_887 : i32
        %get3A_889 = arith.constant 2 : i32
        %get3A_890 = arith.index_cast %get3A_889 : i32 to index
        %get3A_891 = arith.index_cast %add3A_888 : i32 to index
        %get3A_892 = arith.constant 32 : index
        %get3A_893 = tpu.vector_load %arg8[%get3A_890, %get3A_891, %get3A_892] {strides = array<i32>} : memref<4x128x64xf32, #tpu.memory_space<vmem>>, vector<16xf32>,
        %add3A_894 = arith.constant 0 : i32
        %add3A_895 = arith.addi %mul3A_872, %add3A_894 : i32
        %get3A_896 = arith.constant 2 : i32
        %get3A_897 = arith.index_cast %get3A_896 : i32 to index
        %get3A_898 = arith.index_cast %add3A_895 : i32 to index
        %get3A_899 = arith.constant 48 : index
        %get3A_900 = tpu.vector_load %arg8[%get3A_897, %get3A_898, %get3A_899] {strides = array<i32>} : memref<4x128x64xf32, #tpu.memory_space<vmem>>, vector<16xf32>,
        %add3A_901 = arith.constant 1 : i32
        %add3A_902 = arith.addi %mul3A_872, %add3A_901 : i32
        %get3A_903 = arith.constant 2 : i32
        %get3A_904 = arith.index_cast %get3A_903 : i32 to index
        %get3A_905 = arith.index_cast %add3A_902 : i32 to index
        %get3A_906 = arith.constant 0 : index
        %get3A_907 = tpu.vector_load %arg8[%get3A_904, %get3A_905, %get3A_906] {strides = array<i32>} : memref<4x128x64xf32, #tpu.memory_space<vmem>>, vector<16xf32>,
        %add3A_908 = arith.constant 1 : i32
        %add3A_909 = arith.addi %mul3A_872, %add3A_908 : i32
        %get3A_910 = arith.constant 2 : i32
        %get3A_911 = arith.index_cast %get3A_910 : i32 to index
        %get3A_912 = arith.index_cast %add3A_909 : i32 to index
        %get3A_913 = arith.constant 16 : index
        %get3A_914 = tpu.vector_load %arg8[%get3A_911, %get3A_912, %get3A_913] {strides = array<i32>} : memref<4x128x64xf32, #tpu.memory_space<vmem>>, vector<16xf32>,
        %add3A_915 = arith.constant 1 : i32
        %add3A_916 = arith.addi %mul3A_872, %add3A_915 : i32
        %get3A_917 = arith.constant 2 : i32
        %get3A_918 = arith.index_cast %get3A_917 : i32 to index
        %get3A_919 = arith.index_cast %add3A_916 : i32 to index
        %get3A_920 = arith.constant 32 : index
        %get3A_921 = tpu.vector_load %arg8[%get3A_918, %get3A_919, %get3A_920] {strides = array<i32>} : memref<4x128x64xf32, #tpu.memory_space<vmem>>, vector<16xf32>,
        %add3A_922 = arith.constant 1 : i32
        %add3A_923 = arith.addi %mul3A_872, %add3A_922 : i32
        %get3A_924 = arith.constant 2 : i32
        %get3A_925 = arith.index_cast %get3A_924 : i32 to index
        %get3A_926 = arith.index_cast %add3A_923 : i32 to index
        %get3A_927 = arith.constant 48 : index
        %get3A_928 = tpu.vector_load %arg8[%get3A_925, %get3A_926, %get3A_927] {strides = array<i32>} : memref<4x128x64xf32, #tpu.memory_space<vmem>>, vector<16xf32>,
        %add3A_929 = arith.constant 2 : i32
        %add3A_930 = arith.addi %mul3A_872, %add3A_929 : i32
        %get3A_931 = arith.constant 2 : i32
        %get3A_932 = arith.index_cast %get3A_931 : i32 to index
        %get3A_933 = arith.index_cast %add3A_930 : i32 to index
        %get3A_934 = arith.constant 0 : index
        %get3A_935 = tpu.vector_load %arg8[%get3A_932, %get3A_933, %get3A_934] {strides = array<i32>} : memref<4x128x64xf32, #tpu.memory_space<vmem>>, vector<16xf32>,
        %add3A_936 = arith.constant 2 : i32
        %add3A_937 = arith.addi %mul3A_872, %add3A_936 : i32
        %get3A_938 = arith.constant 2 : i32
        %get3A_939 = arith.index_cast %get3A_938 : i32 to index
        %get3A_940 = arith.index_cast %add3A_937 : i32 to index
        %get3A_941 = arith.constant 16 : index
        %get3A_942 = tpu.vector_load %arg8[%get3A_939, %get3A_940, %get3A_941] {strides = array<i32>} : memref<4x128x64xf32, #tpu.memory_space<vmem>>, vector<16xf32>,
        %add3A_943 = arith.constant 2 : i32
        %add3A_944 = arith.addi %mul3A_872, %add3A_943 : i32
        %get3A_945 = arith.constant 2 : i32
        %get3A_946 = arith.index_cast %get3A_945 : i32 to index
        %get3A_947 = arith.index_cast %add3A_944 : i32 to index
        %get3A_948 = arith.constant 32 : index
        %get3A_949 = tpu.vector_load %arg8[%get3A_946, %get3A_947, %get3A_948] {strides = array<i32>} : memref<4x128x64xf32, #tpu.memory_space<vmem>>, vector<16xf32>,
        %add3A_950 = arith.constant 2 : i32
        %add3A_951 = arith.addi %mul3A_872, %add3A_950 : i32
        %get3A_952 = arith.constant 2 : i32
        %get3A_953 = arith.index_cast %get3A_952 : i32 to index
        %get3A_954 = arith.index_cast %add3A_951 : i32 to index
        %get3A_955 = arith.constant 48 : index
        %get3A_956 = tpu.vector_load %arg8[%get3A_953, %get3A_954, %get3A_955] {strides = array<i32>} : memref<4x128x64xf32, #tpu.memory_space<vmem>>, vector<16xf32>,
        %add3A_957 = arith.constant 3 : i32
        %add3A_958 = arith.addi %mul3A_872, %add3A_957 : i32
        %get3A_959 = arith.constant 2 : i32
        %get3A_960 = arith.index_cast %get3A_959 : i32 to index
        %get3A_961 = arith.index_cast %add3A_958 : i32 to index
        %get3A_962 = arith.constant 0 : index
        %get3A_963 = tpu.vector_load %arg8[%get3A_960, %get3A_961, %get3A_962] {strides = array<i32>} : memref<4x128x64xf32, #tpu.memory_space<vmem>>, vector<16xf32>,
        %add3A_964 = arith.constant 3 : i32
        %add3A_965 = arith.addi %mul3A_872, %add3A_964 : i32
        %get3A_966 = arith.constant 2 : i32
        %get3A_967 = arith.index_cast %get3A_966 : i32 to index
        %get3A_968 = arith.index_cast %add3A_965 : i32 to index
        %get3A_969 = arith.constant 16 : index
        %get3A_970 = tpu.vector_load %arg8[%get3A_967, %get3A_968, %get3A_969] {strides = array<i32>} : memref<4x128x64xf32, #tpu.memory_space<vmem>>, vector<16xf32>,
        %add3A_971 = arith.constant 3 : i32
        %add3A_972 = arith.addi %mul3A_872, %add3A_971 : i32
        %get3A_973 = arith.constant 2 : i32
        %get3A_974 = arith.index_cast %get3A_973 : i32 to index
        %get3A_975 = arith.index_cast %add3A_972 : i32 to index
        %get3A_976 = arith.constant 32 : index
        %get3A_977 = tpu.vector_load %arg8[%get3A_974, %get3A_975, %get3A_976] {strides = array<i32>} : memref<4x128x64xf32, #tpu.memory_space<vmem>>, vector<16xf32>,
        %add3A_978 = arith.constant 3 : i32
        %add3A_979 = arith.addi %mul3A_872, %add3A_978 : i32
        %get3A_980 = arith.constant 2 : i32
        %get3A_981 = arith.index_cast %get3A_980 : i32 to index
        %get3A_982 = arith.index_cast %add3A_979 : i32 to index
        %get3A_983 = arith.constant 48 : index
        %get3A_984 = tpu.vector_load %arg8[%get3A_981, %get3A_982, %get3A_983] {strides = array<i32>} : memref<4x128x64xf32, #tpu.memory_space<vmem>>, vector<16xf32>,
        %broadcast_in_dim3A = arith.constant 0 : i32
        %broadcast_in_dim3A_985 = vector.broadcast %broadcast_in_dim3A : i32 to vector<16xi32>
        %add3A_986 = arith.constant 0 : i32
        %add3A_987 = arith.addi %mul3A_872, %add3A_986 : i32
        %add3A_988 = vector.broadcast %add3A_987 : i32 to vector<16xi32>
        %add3A_989 = arith.addi %broadcast_in_dim3A_985, %add3A_988 : vector<16xi32>
        %broadcast_in_dim3A_990 = arith.constant 0 : i32
        %broadcast_in_dim3A_991 = vector.broadcast %broadcast_in_dim3A_990 : i32 to vector<16xi32>
        %add3A_992 = arith.constant 1 : i32
        %add3A_993 = arith.addi %mul3A_872, %add3A_992 : i32
        %add3A_994 = vector.broadcast %add3A_993 : i32 to vector<16xi32>
        %add3A_995 = arith.addi %broadcast_in_dim3A_991, %add3A_994 : vector<16xi32>
        %broadcast_in_dim3A_996 = arith.constant 0 : i32
        %broadcast_in_dim3A_997 = vector.broadcast %broadcast_in_dim3A_996 : i32 to vector<16xi32>
        %add3A_998 = arith.constant 2 : i32
        %add3A_999 = arith.addi %mul3A_872, %add3A_998 : i32
        %add3A_1000 = vector.broadcast %add3A_999 : i32 to vector<16xi32>
        %add3A_1001 = arith.addi %broadcast_in_dim3A_997, %add3A_1000 : vector<16xi32>
        %broadcast_in_dim3A_1002 = arith.constant 0 : i32
        %broadcast_in_dim3A_1003 = vector.broadcast %broadcast_in_dim3A_1002 : i32 to vector<16xi32>
        %add3A_1004 = arith.constant 3 : i32
        %add3A_1005 = arith.addi %mul3A_872, %add3A_1004 : i32
        %add3A_1006 = vector.broadcast %add3A_1005 : i32 to vector<16xi32>
        %add3A_1007 = arith.addi %broadcast_in_dim3A_1003, %add3A_1006 : vector<16xi32>
        %mul3A_1008 = arith.constant 8.000000e+00 : f32
        %mul3A_1009 = vector.broadcast %mul3A_1008 : f32 to vector<16xf32>
        %mul3A_1010 = arith.mulf %mul3A_1009, %get3A_879 : vector<16xf32>
        %mul3A_1011 = arith.constant 8.000000e+00 : f32
        %mul3A_1012 = vector.broadcast %mul3A_1011 : f32 to vector<16xf32>
        %mul3A_1013 = arith.mulf %mul3A_1012, %get3A_886 : vector<16xf32>
        %mul3A_1014 = arith.constant 8.000000e+00 : f32
        %mul3A_1015 = vector.broadcast %mul3A_1014 : f32 to vector<16xf32>
        %mul3A_1016 = arith.mulf %mul3A_1015, %get3A_893 : vector<16xf32>
        %mul3A_1017 = arith.constant 8.000000e+00 : f32
        %mul3A_1018 = vector.broadcast %mul3A_1017 : f32 to vector<16xf32>
        %mul3A_1019 = arith.mulf %mul3A_1018, %get3A_900 : vector<16xf32>
        %mul3A_1020 = arith.constant 8.000000e+00 : f32
        %mul3A_1021 = vector.broadcast %mul3A_1020 : f32 to vector<16xf32>
        %mul3A_1022 = arith.mulf %mul3A_1021, %get3A_907 : vector<16xf32>
        %mul3A_1023 = arith.constant 8.000000e+00 : f32
        %mul3A_1024 = vector.broadcast %mul3A_1023 : f32 to vector<16xf32>
        %mul3A_1025 = arith.mulf %mul3A_1024, %get3A_914 : vector<16xf32>
        %mul3A_1026 = arith.constant 8.000000e+00 : f32
        %mul3A_1027 = vector.broadcast %mul3A_1026 : f32 to vector<16xf32>
        %mul3A_1028 = arith.mulf %mul3A_1027, %get3A_921 : vector<16xf32>
        %mul3A_1029 = arith.constant 8.000000e+00 : f32
        %mul3A_1030 = vector.broadcast %mul3A_1029 : f32 to vector<16xf32>
        %mul3A_1031 = arith.mulf %mul3A_1030, %get3A_928 : vector<16xf32>
        %mul3A_1032 = arith.constant 8.000000e+00 : f32
        %mul3A_1033 = vector.broadcast %mul3A_1032 : f32 to vector<16xf32>
        %mul3A_1034 = arith.mulf %mul3A_1033, %get3A_935 : vector<16xf32>
        %mul3A_1035 = arith.constant 8.000000e+00 : f32
        %mul3A_1036 = vector.broadcast %mul3A_1035 : f32 to vector<16xf32>
        %mul3A_1037 = arith.mulf %mul3A_1036, %get3A_942 : vector<16xf32>
        %mul3A_1038 = arith.constant 8.000000e+00 : f32
        %mul3A_1039 = vector.broadcast %mul3A_1038 : f32 to vector<16xf32>
        %mul3A_1040 = arith.mulf %mul3A_1039, %get3A_949 : vector<16xf32>
        %mul3A_1041 = arith.constant 8.000000e+00 : f32
        %mul3A_1042 = vector.broadcast %mul3A_1041 : f32 to vector<16xf32>
        %mul3A_1043 = arith.mulf %mul3A_1042, %get3A_956 : vector<16xf32>
        %mul3A_1044 = arith.constant 8.000000e+00 : f32
        %mul3A_1045 = vector.broadcast %mul3A_1044 : f32 to vector<16xf32>
        %mul3A_1046 = arith.mulf %mul3A_1045, %get3A_963 : vector<16xf32>
        %mul3A_1047 = arith.constant 8.000000e+00 : f32
        %mul3A_1048 = vector.broadcast %mul3A_1047 : f32 to vector<16xf32>
        %mul3A_1049 = arith.mulf %mul3A_1048, %get3A_970 : vector<16xf32>
        %mul3A_1050 = arith.constant 8.000000e+00 : f32
        %mul3A_1051 = vector.broadcast %mul3A_1050 : f32 to vector<16xf32>
        %mul3A_1052 = arith.mulf %mul3A_1051, %get3A_977 : vector<16xf32>
        %mul3A_1053 = arith.constant 8.000000e+00 : f32
        %mul3A_1054 = vector.broadcast %mul3A_1053 : f32 to vector<16xf32>
        %mul3A_1055 = arith.mulf %mul3A_1054, %get3A_984 : vector<16xf32>
        %add3A_1056 = arith.addf %mul3A_1010, %get3A_561 : vector<16xf32>
        %add3A_1057 = arith.addf %mul3A_1013, %get3A_564 : vector<16xf32>
        %add3A_1058 = arith.addf %mul3A_1016, %get3A_567 : vector<16xf32>
        %add3A_1059 = arith.addf %mul3A_1019, %get3A_570 : vector<16xf32>
        %add3A_1060 = arith.addf %mul3A_1022, %get3A_561 : vector<16xf32>
        %add3A_1061 = arith.addf %mul3A_1025, %get3A_564 : vector<16xf32>
        %add3A_1062 = arith.addf %mul3A_1028, %get3A_567 : vector<16xf32>
        %add3A_1063 = arith.addf %mul3A_1031, %get3A_570 : vector<16xf32>
        %add3A_1064 = arith.addf %mul3A_1034, %get3A_561 : vector<16xf32>
        %add3A_1065 = arith.addf %mul3A_1037, %get3A_564 : vector<16xf32>
        %add3A_1066 = arith.addf %mul3A_1040, %get3A_567 : vector<16xf32>
        %add3A_1067 = arith.addf %mul3A_1043, %get3A_570 : vector<16xf32>
        %add3A_1068 = arith.addf %mul3A_1046, %get3A_561 : vector<16xf32>
        %add3A_1069 = arith.addf %mul3A_1049, %get3A_564 : vector<16xf32>
        %add3A_1070 = arith.addf %mul3A_1052, %get3A_567 : vector<16xf32>
        %add3A_1071 = arith.addf %mul3A_1055, %get3A_570 : vector<16xf32>
        tpu.vector_store_idx %arg9[%add3A_56, %add3A_989], %add3A_1056 : memref<256x129xf32, #tpu.memory_space<vmem>>[vector<16xi32>, vector<16xi32>], vector<16xf32>,
        tpu.vector_store_idx %arg9[%add3A_62, %add3A_989], %add3A_1057 : memref<256x129xf32, #tpu.memory_space<vmem>>[vector<16xi32>, vector<16xi32>], vector<16xf32>,
        tpu.vector_store_idx %arg9[%add3A_68, %add3A_989], %add3A_1058 : memref<256x129xf32, #tpu.memory_space<vmem>>[vector<16xi32>, vector<16xi32>], vector<16xf32>,
        tpu.vector_store_idx %arg9[%add3A_74, %add3A_989], %add3A_1059 : memref<256x129xf32, #tpu.memory_space<vmem>>[vector<16xi32>, vector<16xi32>], vector<16xf32>,
        tpu.vector_store_idx %arg9[%add3A_56, %add3A_995], %add3A_1060 : memref<256x129xf32, #tpu.memory_space<vmem>>[vector<16xi32>, vector<16xi32>], vector<16xf32>,
        tpu.vector_store_idx %arg9[%add3A_62, %add3A_995], %add3A_1061 : memref<256x129xf32, #tpu.memory_space<vmem>>[vector<16xi32>, vector<16xi32>], vector<16xf32>,
        tpu.vector_store_idx %arg9[%add3A_68, %add3A_995], %add3A_1062 : memref<256x129xf32, #tpu.memory_space<vmem>>[vector<16xi32>, vector<16xi32>], vector<16xf32>,
        tpu.vector_store_idx %arg9[%add3A_74, %add3A_995], %add3A_1063 : memref<256x129xf32, #tpu.memory_space<vmem>>[vector<16xi32>, vector<16xi32>], vector<16xf32>,
        tpu.vector_store_idx %arg9[%add3A_56, %add3A_1001], %add3A_1064 : memref<256x129xf32, #tpu.memory_space<vmem>>[vector<16xi32>, vector<16xi32>], vector<16xf32>,
        tpu.vector_store_idx %arg9[%add3A_62, %add3A_1001], %add3A_1065 : memref<256x129xf32, #tpu.memory_space<vmem>>[vector<16xi32>, vector<16xi32>], vector<16xf32>,
        tpu.vector_store_idx %arg9[%add3A_68, %add3A_1001], %add3A_1066 : memref<256x129xf32, #tpu.memory_space<vmem>>[vector<16xi32>, vector<16xi32>], vector<16xf32>,
        tpu.vector_store_idx %arg9[%add3A_74, %add3A_1001], %add3A_1067 : memref<256x129xf32, #tpu.memory_space<vmem>>[vector<16xi32>, vector<16xi32>], vector<16xf32>,
        tpu.vector_store_idx %arg9[%add3A_56, %add3A_1007], %add3A_1068 : memref<256x129xf32, #tpu.memory_space<vmem>>[vector<16xi32>, vector<16xi32>], vector<16xf32>,
        tpu.vector_store_idx %arg9[%add3A_62, %add3A_1007], %add3A_1069 : memref<256x129xf32, #tpu.memory_space<vmem>>[vector<16xi32>, vector<16xi32>], vector<16xf32>,
        tpu.vector_store_idx %arg9[%add3A_68, %add3A_1007], %add3A_1070 : memref<256x129xf32, #tpu.memory_space<vmem>>[vector<16xi32>, vector<16xi32>], vector<16xf32>,
        tpu.vector_store_idx %arg9[%add3A_74, %add3A_1007], %add3A_1071 : memref<256x129xf32, #tpu.memory_space<vmem>>[vector<16xi32>, vector<16xi32>], vector<16xf32>,
      }
      %scan3A_576 = arith.constant 32 : i32
      %dma_start3A_577 = arith.constant 0 : i32
      %dma_start3A_578 = arith.constant 128 : i32
      %dma_start3A_579 = arith.constant 0 : i32
      %dma_start3A_580 = tpu.memref_slice %arg9[%dma_start3A_578, %dma_start3A_579] : memref<256x129xf32, #tpu.memory_space<vmem>> -> memref<8x128xf32, #tpu.memory_space<vmem>>
      %dma_start3A_581 = arith.constant 0 : i32
      %dma_start3A_582 = arith.constant 0 : i32
      %dma_start3A_583 = tpu.memref_slice %arg5[%add3A_541, %dma_start3A_577, %add3A, %dma_start3A_581, %dma_start3A_582] : memref<200x8x32x8x128xf32, #tpu.memory_space<hbm>> -> memref<1x1x1x8x128xf32, #tpu.memory_space<hbm>>
      %dma_start3A_584 = tpu.memref_squeeze %dma_start3A_583 : memref<1x1x1x8x128xf32, #tpu.memory_space<hbm>> -> memref<8x128xf32, #tpu.memory_space<hbm>>
      %dma_start3A_585 = arith.constant 0 : i32
      %dma_start3A_586 = arith.constant 0 : i32
      %dma_start3A_587 = tpu.memref_slice %arg5[%add3A_541, %dma_start3A_577, %add3A, %dma_start3A_585, %dma_start3A_586] : memref<200x8x32x8x128xf32, #tpu.memory_space<hbm>> -> memref<1x1x1x8x128xf32, #tpu.memory_space<hbm>>
      %dma_start3A_588 = tpu.memref_squeeze %dma_start3A_587 : memref<1x1x1x8x128xf32, #tpu.memory_space<hbm>> -> memref<8x128xf32, #tpu.memory_space<hbm>>
      %dma_start3A_589 = arith.constant 128 : i32
      %dma_start3A_590 = arith.constant 0 : i32
      %dma_start3A_591 = tpu.memref_slice %arg9[%dma_start3A_589, %dma_start3A_590] : memref<256x129xf32, #tpu.memory_space<vmem>> -> memref<8x128xf32, #tpu.memory_space<vmem>>
      tpu.enqueue_dma source(%dma_start3A_591 : memref<8x128xf32, #tpu.memory_space<vmem>>) target(%dma_start3A_588 : memref<8x128xf32, #tpu.memory_space<hbm>>) target_semaphore(%arg16 : memref<!tpu.dma_semaphore, #tpu.memory_space<semaphore_mem>>)
      %dma_start3A_592 = arith.constant 1 : i32
      %dma_start3A_593 = arith.constant 136 : i32
      %dma_start3A_594 = arith.constant 0 : i32
      %dma_start3A_595 = tpu.memref_slice %arg9[%dma_start3A_593, %dma_start3A_594] : memref<256x129xf32, #tpu.memory_space<vmem>> -> memref<8x128xf32, #tpu.memory_space<vmem>>
      %dma_start3A_596 = arith.constant 0 : i32
      %dma_start3A_597 = arith.constant 0 : i32
      %dma_start3A_598 = tpu.memref_slice %arg5[%add3A_541, %dma_start3A_592, %add3A, %dma_start3A_596, %dma_start3A_597] : memref<200x8x32x8x128xf32, #tpu.memory_space<hbm>> -> memref<1x1x1x8x128xf32, #tpu.memory_space<hbm>>
      %dma_start3A_599 = tpu.memref_squeeze %dma_start3A_598 : memref<1x1x1x8x128xf32, #tpu.memory_space<hbm>> -> memref<8x128xf32, #tpu.memory_space<hbm>>
      %dma_start3A_600 = arith.constant 0 : i32
      %dma_start3A_601 = arith.constant 0 : i32
      %dma_start3A_602 = tpu.memref_slice %arg5[%add3A_541, %dma_start3A_592, %add3A, %dma_start3A_600, %dma_start3A_601] : memref<200x8x32x8x128xf32, #tpu.memory_space<hbm>> -> memref<1x1x1x8x128xf32, #tpu.memory_space<hbm>>
      %dma_start3A_603 = tpu.memref_squeeze %dma_start3A_602 : memref<1x1x1x8x128xf32, #tpu.memory_space<hbm>> -> memref<8x128xf32, #tpu.memory_space<hbm>>
      %dma_start3A_604 = arith.constant 136 : i32
      %dma_start3A_605 = arith.constant 0 : i32
      %dma_start3A_606 = tpu.memref_slice %arg9[%dma_start3A_604, %dma_start3A_605] : memref<256x129xf32, #tpu.memory_space<vmem>> -> memref<8x128xf32, #tpu.memory_space<vmem>>
      tpu.enqueue_dma source(%dma_start3A_606 : memref<8x128xf32, #tpu.memory_space<vmem>>) target(%dma_start3A_603 : memref<8x128xf32, #tpu.memory_space<hbm>>) target_semaphore(%arg16 : memref<!tpu.dma_semaphore, #tpu.memory_space<semaphore_mem>>)
      %dma_start3A_607 = arith.constant 2 : i32
      %dma_start3A_608 = arith.constant 144 : i32
      %dma_start3A_609 = arith.constant 0 : i32
      %dma_start3A_610 = tpu.memref_slice %arg9[%dma_start3A_608, %dma_start3A_609] : memref<256x129xf32, #tpu.memory_space<vmem>> -> memref<8x128xf32, #tpu.memory_space<vmem>>
      %dma_start3A_611 = arith.constant 0 : i32
      %dma_start3A_612 = arith.constant 0 : i32
      %dma_start3A_613 = tpu.memref_slice %arg5[%add3A_541, %dma_start3A_607, %add3A, %dma_start3A_611, %dma_start3A_612] : memref<200x8x32x8x128xf32, #tpu.memory_space<hbm>> -> memref<1x1x1x8x128xf32, #tpu.memory_space<hbm>>
      %dma_start3A_614 = tpu.memref_squeeze %dma_start3A_613 : memref<1x1x1x8x128xf32, #tpu.memory_space<hbm>> -> memref<8x128xf32, #tpu.memory_space<hbm>>
      %dma_start3A_615 = arith.constant 0 : i32
      %dma_start3A_616 = arith.constant 0 : i32
      %dma_start3A_617 = tpu.memref_slice %arg5[%add3A_541, %dma_start3A_607, %add3A, %dma_start3A_615, %dma_start3A_616] : memref<200x8x32x8x128xf32, #tpu.memory_space<hbm>> -> memref<1x1x1x8x128xf32, #tpu.memory_space<hbm>>
      %dma_start3A_618 = tpu.memref_squeeze %dma_start3A_617 : memref<1x1x1x8x128xf32, #tpu.memory_space<hbm>> -> memref<8x128xf32, #tpu.memory_space<hbm>>
      %dma_start3A_619 = arith.constant 144 : i32
      %dma_start3A_620 = arith.constant 0 : i32
      %dma_start3A_621 = tpu.memref_slice %arg9[%dma_start3A_619, %dma_start3A_620] : memref<256x129xf32, #tpu.memory_space<vmem>> -> memref<8x128xf32, #tpu.memory_space<vmem>>
      tpu.enqueue_dma source(%dma_start3A_621 : memref<8x128xf32, #tpu.memory_space<vmem>>) target(%dma_start3A_618 : memref<8x128xf32, #tpu.memory_space<hbm>>) target_semaphore(%arg16 : memref<!tpu.dma_semaphore, #tpu.memory_space<semaphore_mem>>)
      %dma_start3A_622 = arith.constant 3 : i32
      %dma_start3A_623 = arith.constant 152 : i32
      %dma_start3A_624 = arith.constant 0 : i32
      %dma_start3A_625 = tpu.memref_slice %arg9[%dma_start3A_623, %dma_start3A_624] : memref<256x129xf32, #tpu.memory_space<vmem>> -> memref<8x128xf32, #tpu.memory_space<vmem>>
      %dma_start3A_626 = arith.constant 0 : i32
      %dma_start3A_627 = arith.constant 0 : i32
      %dma_start3A_628 = tpu.memref_slice %arg5[%add3A_541, %dma_start3A_622, %add3A, %dma_start3A_626, %dma_start3A_627] : memref<200x8x32x8x128xf32, #tpu.memory_space<hbm>> -> memref<1x1x1x8x128xf32, #tpu.memory_space<hbm>>
      %dma_start3A_629 = tpu.memref_squeeze %dma_start3A_628 : memref<1x1x1x8x128xf32, #tpu.memory_space<hbm>> -> memref<8x128xf32, #tpu.memory_space<hbm>>
      %dma_start3A_630 = arith.constant 0 : i32
      %dma_start3A_631 = arith.constant 0 : i32
      %dma_start3A_632 = tpu.memref_slice %arg5[%add3A_541, %dma_start3A_622, %add3A, %dma_start3A_630, %dma_start3A_631] : memref<200x8x32x8x128xf32, #tpu.memory_space<hbm>> -> memref<1x1x1x8x128xf32, #tpu.memory_space<hbm>>
      %dma_start3A_633 = tpu.memref_squeeze %dma_start3A_632 : memref<1x1x1x8x128xf32, #tpu.memory_space<hbm>> -> memref<8x128xf32, #tpu.memory_space<hbm>>
      %dma_start3A_634 = arith.constant 152 : i32
      %dma_start3A_635 = arith.constant 0 : i32
      %dma_start3A_636 = tpu.memref_slice %arg9[%dma_start3A_634, %dma_start3A_635] : memref<256x129xf32, #tpu.memory_space<vmem>> -> memref<8x128xf32, #tpu.memory_space<vmem>>
      tpu.enqueue_dma source(%dma_start3A_636 : memref<8x128xf32, #tpu.memory_space<vmem>>) target(%dma_start3A_633 : memref<8x128xf32, #tpu.memory_space<hbm>>) target_semaphore(%arg16 : memref<!tpu.dma_semaphore, #tpu.memory_space<semaphore_mem>>)
      %dma_start3A_637 = arith.constant 4 : i32
      %dma_start3A_638 = arith.constant 160 : i32
      %dma_start3A_639 = arith.constant 0 : i32
      %dma_start3A_640 = tpu.memref_slice %arg9[%dma_start3A_638, %dma_start3A_639] : memref<256x129xf32, #tpu.memory_space<vmem>> -> memref<8x128xf32, #tpu.memory_space<vmem>>
      %dma_start3A_641 = arith.constant 0 : i32
      %dma_start3A_642 = arith.constant 0 : i32
      %dma_start3A_643 = tpu.memref_slice %arg5[%add3A_541, %dma_start3A_637, %add3A, %dma_start3A_641, %dma_start3A_642] : memref<200x8x32x8x128xf32, #tpu.memory_space<hbm>> -> memref<1x1x1x8x128xf32, #tpu.memory_space<hbm>>
      %dma_start3A_644 = tpu.memref_squeeze %dma_start3A_643 : memref<1x1x1x8x128xf32, #tpu.memory_space<hbm>> -> memref<8x128xf32, #tpu.memory_space<hbm>>
      %dma_start3A_645 = arith.constant 0 : i32
      %dma_start3A_646 = arith.constant 0 : i32
      %dma_start3A_647 = tpu.memref_slice %arg5[%add3A_541, %dma_start3A_637, %add3A, %dma_start3A_645, %dma_start3A_646] : memref<200x8x32x8x128xf32, #tpu.memory_space<hbm>> -> memref<1x1x1x8x128xf32, #tpu.memory_space<hbm>>
      %dma_start3A_648 = tpu.memref_squeeze %dma_start3A_647 : memref<1x1x1x8x128xf32, #tpu.memory_space<hbm>> -> memref<8x128xf32, #tpu.memory_space<hbm>>
      %dma_start3A_649 = arith.constant 160 : i32
      %dma_start3A_650 = arith.constant 0 : i32
      %dma_start3A_651 = tpu.memref_slice %arg9[%dma_start3A_649, %dma_start3A_650] : memref<256x129xf32, #tpu.memory_space<vmem>> -> memref<8x128xf32, #tpu.memory_space<vmem>>
      tpu.enqueue_dma source(%dma_start3A_651 : memref<8x128xf32, #tpu.memory_space<vmem>>) target(%dma_start3A_648 : memref<8x128xf32, #tpu.memory_space<hbm>>) target_semaphore(%arg16 : memref<!tpu.dma_semaphore, #tpu.memory_space<semaphore_mem>>)
      %dma_start3A_652 = arith.constant 5 : i32
      %dma_start3A_653 = arith.constant 168 : i32
      %dma_start3A_654 = arith.constant 0 : i32
      %dma_start3A_655 = tpu.memref_slice %arg9[%dma_start3A_653, %dma_start3A_654] : memref<256x129xf32, #tpu.memory_space<vmem>> -> memref<8x128xf32, #tpu.memory_space<vmem>>
      %dma_start3A_656 = arith.constant 0 : i32
      %dma_start3A_657 = arith.constant 0 : i32
      %dma_start3A_658 = tpu.memref_slice %arg5[%add3A_541, %dma_start3A_652, %add3A, %dma_start3A_656, %dma_start3A_657] : memref<200x8x32x8x128xf32, #tpu.memory_space<hbm>> -> memref<1x1x1x8x128xf32, #tpu.memory_space<hbm>>
      %dma_start3A_659 = tpu.memref_squeeze %dma_start3A_658 : memref<1x1x1x8x128xf32, #tpu.memory_space<hbm>> -> memref<8x128xf32, #tpu.memory_space<hbm>>
      %dma_start3A_660 = arith.constant 0 : i32
      %dma_start3A_661 = arith.constant 0 : i32
      %dma_start3A_662 = tpu.memref_slice %arg5[%add3A_541, %dma_start3A_652, %add3A, %dma_start3A_660, %dma_start3A_661] : memref<200x8x32x8x128xf32, #tpu.memory_space<hbm>> -> memref<1x1x1x8x128xf32, #tpu.memory_space<hbm>>
      %dma_start3A_663 = tpu.memref_squeeze %dma_start3A_662 : memref<1x1x1x8x128xf32, #tpu.memory_space<hbm>> -> memref<8x128xf32, #tpu.memory_space<hbm>>
      %dma_start3A_664 = arith.constant 168 : i32
      %dma_start3A_665 = arith.constant 0 : i32
      %dma_start3A_666 = tpu.memref_slice %arg9[%dma_start3A_664, %dma_start3A_665] : memref<256x129xf32, #tpu.memory_space<vmem>> -> memref<8x128xf32, #tpu.memory_space<vmem>>
      tpu.enqueue_dma source(%dma_start3A_666 : memref<8x128xf32, #tpu.memory_space<vmem>>) target(%dma_start3A_663 : memref<8x128xf32, #tpu.memory_space<hbm>>) target_semaphore(%arg16 : memref<!tpu.dma_semaphore, #tpu.memory_space<semaphore_mem>>)
      %dma_start3A_667 = arith.constant 6 : i32
      %dma_start3A_668 = arith.constant 176 : i32
      %dma_start3A_669 = arith.constant 0 : i32
      %dma_start3A_670 = tpu.memref_slice %arg9[%dma_start3A_668, %dma_start3A_669] : memref<256x129xf32, #tpu.memory_space<vmem>> -> memref<8x128xf32, #tpu.memory_space<vmem>>
      %dma_start3A_671 = arith.constant 0 : i32
      %dma_start3A_672 = arith.constant 0 : i32
      %dma_start3A_673 = tpu.memref_slice %arg5[%add3A_541, %dma_start3A_667, %add3A, %dma_start3A_671, %dma_start3A_672] : memref<200x8x32x8x128xf32, #tpu.memory_space<hbm>> -> memref<1x1x1x8x128xf32, #tpu.memory_space<hbm>>
      %dma_start3A_674 = tpu.memref_squeeze %dma_start3A_673 : memref<1x1x1x8x128xf32, #tpu.memory_space<hbm>> -> memref<8x128xf32, #tpu.memory_space<hbm>>
      %dma_start3A_675 = arith.constant 0 : i32
      %dma_start3A_676 = arith.constant 0 : i32
      %dma_start3A_677 = tpu.memref_slice %arg5[%add3A_541, %dma_start3A_667, %add3A, %dma_start3A_675, %dma_start3A_676] : memref<200x8x32x8x128xf32, #tpu.memory_space<hbm>> -> memref<1x1x1x8x128xf32, #tpu.memory_space<hbm>>
      %dma_start3A_678 = tpu.memref_squeeze %dma_start3A_677 : memref<1x1x1x8x128xf32, #tpu.memory_space<hbm>> -> memref<8x128xf32, #tpu.memory_space<hbm>>
      %dma_start3A_679 = arith.constant 176 : i32
      %dma_start3A_680 = arith.constant 0 : i32
      %dma_start3A_681 = tpu.memref_slice %arg9[%dma_start3A_679, %dma_start3A_680] : memref<256x129xf32, #tpu.memory_space<vmem>> -> memref<8x128xf32, #tpu.memory_space<vmem>>
      tpu.enqueue_dma source(%dma_start3A_681 : memref<8x128xf32, #tpu.memory_space<vmem>>) target(%dma_start3A_678 : memref<8x128xf32, #tpu.memory_space<hbm>>) target_semaphore(%arg16 : memref<!tpu.dma_semaphore, #tpu.memory_space<semaphore_mem>>)
      %dma_start3A_682 = arith.constant 7 : i32
      %dma_start3A_683 = arith.constant 184 : i32
      %dma_start3A_684 = arith.constant 0 : i32
      %dma_start3A_685 = tpu.memref_slice %arg9[%dma_start3A_683, %dma_start3A_684] : memref<256x129xf32, #tpu.memory_space<vmem>> -> memref<8x128xf32, #tpu.memory_space<vmem>>
      %dma_start3A_686 = arith.constant 0 : i32
      %dma_start3A_687 = arith.constant 0 : i32
      %dma_start3A_688 = tpu.memref_slice %arg5[%add3A_541, %dma_start3A_682, %add3A, %dma_start3A_686, %dma_start3A_687] : memref<200x8x32x8x128xf32, #tpu.memory_space<hbm>> -> memref<1x1x1x8x128xf32, #tpu.memory_space<hbm>>
      %dma_start3A_689 = tpu.memref_squeeze %dma_start3A_688 : memref<1x1x1x8x128xf32, #tpu.memory_space<hbm>> -> memref<8x128xf32, #tpu.memory_space<hbm>>
      %dma_start3A_690 = arith.constant 0 : i32
      %dma_start3A_691 = arith.constant 0 : i32
      %dma_start3A_692 = tpu.memref_slice %arg5[%add3A_541, %dma_start3A_682, %add3A, %dma_start3A_690, %dma_start3A_691] : memref<200x8x32x8x128xf32, #tpu.memory_space<hbm>> -> memref<1x1x1x8x128xf32, #tpu.memory_space<hbm>>
      %dma_start3A_693 = tpu.memref_squeeze %dma_start3A_692 : memref<1x1x1x8x128xf32, #tpu.memory_space<hbm>> -> memref<8x128xf32, #tpu.memory_space<hbm>>
      %dma_start3A_694 = arith.constant 184 : i32
      %dma_start3A_695 = arith.constant 0 : i32
      %dma_start3A_696 = tpu.memref_slice %arg9[%dma_start3A_694, %dma_start3A_695] : memref<256x129xf32, #tpu.memory_space<vmem>> -> memref<8x128xf32, #tpu.memory_space<vmem>>
      tpu.enqueue_dma source(%dma_start3A_696 : memref<8x128xf32, #tpu.memory_space<vmem>>) target(%dma_start3A_693 : memref<8x128xf32, #tpu.memory_space<hbm>>) target_semaphore(%arg16 : memref<!tpu.dma_semaphore, #tpu.memory_space<semaphore_mem>>)
      %add3A_697 = arith.constant 4 : i32
      %add3A_698 = arith.addi %add3A_541, %add3A_697 : i32
      %lt3A_699 = arith.constant 200 : i32
      %lt3A_700 = arith.cmpi slt, %add3A_698, %lt3A_699 : i32
      %convert_element_type3A_701 = arith.extui %lt3A_700 : i1 to i32
      %cond3A_702 = arith.constant 0 : i32
      %cond3A_703 = arith.cmpi ne, %convert_element_type3A_701, %cond3A_702 : i32
      scf.if %cond3A_703 {
        %add3A_870 = arith.constant 4 : i32
        %add3A_871 = arith.addi %add3A_541, %add3A_870 : i32
        %dma_start3A_872 = arith.constant 2 : i32
        %dma_start3A_873 = arith.constant 0 : i32
        %dma_start3A_874 = arith.constant 0 : i32
        %dma_start3A_875 = tpu.memref_slice %arg8[%dma_start3A_872, %dma_start3A_873, %dma_start3A_874] : memref<4x128x64xf32, #tpu.memory_space<vmem>> -> memref<1x128x64xf32, #tpu.memory_space<vmem>>
        %dma_start3A_876 = tpu.memref_squeeze %dma_start3A_875 : memref<1x128x64xf32, #tpu.memory_space<vmem>> -> memref<128x64xf32, #tpu.memory_space<vmem>>
        %dma_start3A_877 = arith.constant 0 : i32
        %dma_start3A_878 = tpu.memref_slice %arg6[%add3A_871, %dma_start3A_877] : memref<200x128xi32, #tpu.memory_space<vmem>> -> memref<1x128xi32, #tpu.memory_space<vmem>>
        %dma_start3A_879 = tpu.memref_squeeze %dma_start3A_878 : memref<1x128xi32, #tpu.memory_space<vmem>> -> memref<128xi32, #tpu.memory_space<vmem>>
        %dma_start3A_880 = arith.constant 0 : i32
        %dma_start3A_881 = arith.constant 0 : i32
        %dma_start3A_882 = tpu.memref_slice %arg3[%dma_start3A_880, %dma_start3A_881] : memref<1000000x64xf32, #tpu.memory_space<hbm>> -> memref<1000000x64xf32, #tpu.memory_space<hbm>>
        tpu.enqueue_indirect_dma source(%dma_start3A_882 : memref<1000000x64xf32, #tpu.memory_space<hbm>>) target(%dma_start3A_876 : memref<128x64xf32, #tpu.memory_space<vmem>>) offsets(%dma_start3A_879 : memref<128xi32, #tpu.memory_space<vmem>>) semaphore(%arg12 : memref<!tpu.dma_semaphore, #tpu.memory_space<semaphore_mem>>)
      } else {
      }
      %mul3A_704 = arith.constant 4 : i32
      %mul3A_705 = arith.muli %scan3A_210, %mul3A_704 : i32
      %add3A_706 = arith.constant 3 : i32
      %add3A_707 = arith.addi %mul3A_705, %add3A_706 : i32
      %dma_wait3A_708 = arith.constant 0 : i32
      %dma_wait3A_709 = arith.constant 3 : i32
      %dma_wait3A_710 = arith.constant 0 : i32
      %dma_wait3A_711 = arith.constant 0 : i32
      %dma_wait3A_712 = tpu.memref_slice %arg8[%dma_wait3A_709, %dma_wait3A_710, %dma_wait3A_711] : memref<4x128x64xf32, #tpu.memory_space<vmem>> -> memref<1x128x64xf32, #tpu.memory_space<vmem>>
      %dma_wait3A_713 = tpu.memref_squeeze %dma_wait3A_712 : memref<1x128x64xf32, #tpu.memory_space<vmem>> -> memref<128x64xf32, #tpu.memory_space<vmem>>
      %dma_wait3A_714 = arith.constant 0 : i32
      %dma_wait3A_715 = tpu.memref_slice %arg6[%dma_wait3A_708, %dma_wait3A_714] : memref<200x128xi32, #tpu.memory_space<vmem>> -> memref<1x128xi32, #tpu.memory_space<vmem>>
      %dma_wait3A_716 = tpu.memref_squeeze %dma_wait3A_715 : memref<1x128xi32, #tpu.memory_space<vmem>> -> memref<128xi32, #tpu.memory_space<vmem>>
      %dma_wait3A_717 = arith.constant 0 : i32
      %dma_wait3A_718 = arith.constant 0 : i32
      %dma_wait3A_719 = tpu.memref_slice %arg3[%dma_wait3A_717, %dma_wait3A_718] : memref<1000000x64xf32, #tpu.memory_space<hbm>> -> memref<1000000x64xf32, #tpu.memory_space<hbm>>
      tpu.wait_indirect_dma semaphore(%arg13 : memref<!tpu.dma_semaphore, #tpu.memory_space<semaphore_mem>>) src(%dma_wait3A_719 : memref<1000000x64xf32, #tpu.memory_space<hbm>>) dst(%dma_wait3A_713 : memref<128x64xf32, #tpu.memory_space<vmem>>)
      %ge3A_720 = arith.constant 1 : i32
      %ge3A_721 = arith.cmpi sge, %scan3A_210, %ge3A_720 : i32
      %convert_element_type3A_722 = arith.extui %ge3A_721 : i1 to i32
      %cond3A_723 = arith.constant 0 : i32
      %cond3A_724 = arith.cmpi ne, %convert_element_type3A_722, %cond3A_723 : i32
      scf.if %cond3A_724 {
        %dma_wait3A_870 = arith.constant 3 : i32
        %dma_wait3A_871 = arith.constant 0 : i32
        %dma_wait3A_872 = arith.constant 0 : i32
        %dma_wait3A_873 = tpu.memref_slice %arg8[%dma_wait3A_870, %dma_wait3A_871, %dma_wait3A_872] : memref<4x128x64xf32, #tpu.memory_space<vmem>> -> memref<1x128x64xf32, #tpu.memory_space<vmem>>
        %dma_wait3A_874 = tpu.memref_squeeze %dma_wait3A_873 : memref<1x128x64xf32, #tpu.memory_space<vmem>> -> memref<128x64xf32, #tpu.memory_space<vmem>>
        %dma_wait3A_875 = arith.constant 0 : i32
        %dma_wait3A_876 = arith.constant 0 : i32
        %dma_wait3A_877 = tpu.memref_slice %arg3[%dma_wait3A_875, %dma_wait3A_876] : memref<1000000x64xf32, #tpu.memory_space<hbm>> -> memref<128x64xf32, #tpu.memory_space<hbm>>
        %dma_wait3A_878 = arith.constant 0 : i32
        %dma_wait3A_879 = arith.constant 0 : i32
        %dma_wait3A_880 = tpu.memref_slice %arg8[%dma_wait3A_870, %dma_wait3A_878, %dma_wait3A_879] : memref<4x128x64xf32, #tpu.memory_space<vmem>> -> memref<1x128x64xf32, #tpu.memory_space<vmem>>
        %dma_wait3A_881 = tpu.memref_squeeze %dma_wait3A_880 : memref<1x128x64xf32, #tpu.memory_space<vmem>> -> memref<128x64xf32, #tpu.memory_space<vmem>>
        %dma_wait3A_882 = arith.constant 0 : i32
        %dma_wait3A_883 = arith.constant 0 : i32
        %dma_wait3A_884 = tpu.memref_slice %arg3[%dma_wait3A_882, %dma_wait3A_883] : memref<1000000x64xf32, #tpu.memory_space<hbm>> -> memref<128x64xf32, #tpu.memory_space<hbm>>
        tpu.wait_dma2 semaphore(%arg17 : memref<!tpu.dma_semaphore, #tpu.memory_space<semaphore_mem>>) src(%dma_wait3A_884 : memref<128x64xf32, #tpu.memory_space<hbm>>) dst(%dma_wait3A_881 : memref<128x64xf32, #tpu.memory_space<vmem>>)
      } else {
      }
      %get3A_725 = arith.index_cast %add3A_707 : i32 to index
      %get3A_726 = arith.constant 0 : index
      %get3A_727 = tpu.vector_load %arg7[%get3A_725, %get3A_726] {strides = array<i32>} : memref<200x64xf32, #tpu.memory_space<vmem>>, vector<16xf32>,
      %get3A_728 = arith.index_cast %add3A_707 : i32 to index
      %get3A_729 = arith.constant 16 : index
      %get3A_730 = tpu.vector_load %arg7[%get3A_728, %get3A_729] {strides = array<i32>} : memref<200x64xf32, #tpu.memory_space<vmem>>, vector<16xf32>,
      %get3A_731 = arith.index_cast %add3A_707 : i32 to index
      %get3A_732 = arith.constant 32 : index
      %get3A_733 = tpu.vector_load %arg7[%get3A_731, %get3A_732] {strides = array<i32>} : memref<200x64xf32, #tpu.memory_space<vmem>>, vector<16xf32>,
      %get3A_734 = arith.index_cast %add3A_707 : i32 to index
      %get3A_735 = arith.constant 48 : index
      %get3A_736 = tpu.vector_load %arg7[%get3A_734, %get3A_735] {strides = array<i32>} : memref<200x64xf32, #tpu.memory_space<vmem>>, vector<16xf32>,
      %scan3A_737 = arith.constant 0 : i32
      %scan3A_738 = arith.constant 0 : i32
      %scan3A_739 = arith.constant 32 : i32
      %scan3A_740 = arith.addi %scan3A_738, %scan3A_739 : i32
      %scan3A_741 = arith.constant 1 : i32
      scf.for %scan3A_870 = %scan3A_738 to %scan3A_740 step %scan3A_741  : i32 {
        %mul3A_871 = arith.constant 4 : i32
        %mul3A_872 = arith.muli %scan3A_870, %mul3A_871 : i32
        %add3A_873 = arith.constant 0 : i32
        %add3A_874 = arith.addi %mul3A_872, %add3A_873 : i32
        %get3A_875 = arith.constant 3 : i32
        %get3A_876 = arith.index_cast %get3A_875 : i32 to index
        %get3A_877 = arith.index_cast %add3A_874 : i32 to index
        %get3A_878 = arith.constant 0 : index
        %get3A_879 = tpu.vector_load %arg8[%get3A_876, %get3A_877, %get3A_878] {strides = array<i32>} : memref<4x128x64xf32, #tpu.memory_space<vmem>>, vector<16xf32>,
        %add3A_880 = arith.constant 0 : i32
        %add3A_881 = arith.addi %mul3A_872, %add3A_880 : i32
        %get3A_882 = arith.constant 3 : i32
        %get3A_883 = arith.index_cast %get3A_882 : i32 to index
        %get3A_884 = arith.index_cast %add3A_881 : i32 to index
        %get3A_885 = arith.constant 16 : index
        %get3A_886 = tpu.vector_load %arg8[%get3A_883, %get3A_884, %get3A_885] {strides = array<i32>} : memref<4x128x64xf32, #tpu.memory_space<vmem>>, vector<16xf32>,
        %add3A_887 = arith.constant 0 : i32
        %add3A_888 = arith.addi %mul3A_872, %add3A_887 : i32
        %get3A_889 = arith.constant 3 : i32
        %get3A_890 = arith.index_cast %get3A_889 : i32 to index
        %get3A_891 = arith.index_cast %add3A_888 : i32 to index
        %get3A_892 = arith.constant 32 : index
        %get3A_893 = tpu.vector_load %arg8[%get3A_890, %get3A_891, %get3A_892] {strides = array<i32>} : memref<4x128x64xf32, #tpu.memory_space<vmem>>, vector<16xf32>,
        %add3A_894 = arith.constant 0 : i32
        %add3A_895 = arith.addi %mul3A_872, %add3A_894 : i32
        %get3A_896 = arith.constant 3 : i32
        %get3A_897 = arith.index_cast %get3A_896 : i32 to index
        %get3A_898 = arith.index_cast %add3A_895 : i32 to index
        %get3A_899 = arith.constant 48 : index
        %get3A_900 = tpu.vector_load %arg8[%get3A_897, %get3A_898, %get3A_899] {strides = array<i32>} : memref<4x128x64xf32, #tpu.memory_space<vmem>>, vector<16xf32>,
        %add3A_901 = arith.constant 1 : i32
        %add3A_902 = arith.addi %mul3A_872, %add3A_901 : i32
        %get3A_903 = arith.constant 3 : i32
        %get3A_904 = arith.index_cast %get3A_903 : i32 to index
        %get3A_905 = arith.index_cast %add3A_902 : i32 to index
        %get3A_906 = arith.constant 0 : index
        %get3A_907 = tpu.vector_load %arg8[%get3A_904, %get3A_905, %get3A_906] {strides = array<i32>} : memref<4x128x64xf32, #tpu.memory_space<vmem>>, vector<16xf32>,
        %add3A_908 = arith.constant 1 : i32
        %add3A_909 = arith.addi %mul3A_872, %add3A_908 : i32
        %get3A_910 = arith.constant 3 : i32
        %get3A_911 = arith.index_cast %get3A_910 : i32 to index
        %get3A_912 = arith.index_cast %add3A_909 : i32 to index
        %get3A_913 = arith.constant 16 : index
        %get3A_914 = tpu.vector_load %arg8[%get3A_911, %get3A_912, %get3A_913] {strides = array<i32>} : memref<4x128x64xf32, #tpu.memory_space<vmem>>, vector<16xf32>,
        %add3A_915 = arith.constant 1 : i32
        %add3A_916 = arith.addi %mul3A_872, %add3A_915 : i32
        %get3A_917 = arith.constant 3 : i32
        %get3A_918 = arith.index_cast %get3A_917 : i32 to index
        %get3A_919 = arith.index_cast %add3A_916 : i32 to index
        %get3A_920 = arith.constant 32 : index
        %get3A_921 = tpu.vector_load %arg8[%get3A_918, %get3A_919, %get3A_920] {strides = array<i32>} : memref<4x128x64xf32, #tpu.memory_space<vmem>>, vector<16xf32>,
        %add3A_922 = arith.constant 1 : i32
        %add3A_923 = arith.addi %mul3A_872, %add3A_922 : i32
        %get3A_924 = arith.constant 3 : i32
        %get3A_925 = arith.index_cast %get3A_924 : i32 to index
        %get3A_926 = arith.index_cast %add3A_923 : i32 to index
        %get3A_927 = arith.constant 48 : index
        %get3A_928 = tpu.vector_load %arg8[%get3A_925, %get3A_926, %get3A_927] {strides = array<i32>} : memref<4x128x64xf32, #tpu.memory_space<vmem>>, vector<16xf32>,
        %add3A_929 = arith.constant 2 : i32
        %add3A_930 = arith.addi %mul3A_872, %add3A_929 : i32
        %get3A_931 = arith.constant 3 : i32
        %get3A_932 = arith.index_cast %get3A_931 : i32 to index
        %get3A_933 = arith.index_cast %add3A_930 : i32 to index
        %get3A_934 = arith.constant 0 : index
        %get3A_935 = tpu.vector_load %arg8[%get3A_932, %get3A_933, %get3A_934] {strides = array<i32>} : memref<4x128x64xf32, #tpu.memory_space<vmem>>, vector<16xf32>,
        %add3A_936 = arith.constant 2 : i32
        %add3A_937 = arith.addi %mul3A_872, %add3A_936 : i32
        %get3A_938 = arith.constant 3 : i32
        %get3A_939 = arith.index_cast %get3A_938 : i32 to index
        %get3A_940 = arith.index_cast %add3A_937 : i32 to index
        %get3A_941 = arith.constant 16 : index
        %get3A_942 = tpu.vector_load %arg8[%get3A_939, %get3A_940, %get3A_941] {strides = array<i32>} : memref<4x128x64xf32, #tpu.memory_space<vmem>>, vector<16xf32>,
        %add3A_943 = arith.constant 2 : i32
        %add3A_944 = arith.addi %mul3A_872, %add3A_943 : i32
        %get3A_945 = arith.constant 3 : i32
        %get3A_946 = arith.index_cast %get3A_945 : i32 to index
        %get3A_947 = arith.index_cast %add3A_944 : i32 to index
        %get3A_948 = arith.constant 32 : index
        %get3A_949 = tpu.vector_load %arg8[%get3A_946, %get3A_947, %get3A_948] {strides = array<i32>} : memref<4x128x64xf32, #tpu.memory_space<vmem>>, vector<16xf32>,
        %add3A_950 = arith.constant 2 : i32
        %add3A_951 = arith.addi %mul3A_872, %add3A_950 : i32
        %get3A_952 = arith.constant 3 : i32
        %get3A_953 = arith.index_cast %get3A_952 : i32 to index
        %get3A_954 = arith.index_cast %add3A_951 : i32 to index
        %get3A_955 = arith.constant 48 : index
        %get3A_956 = tpu.vector_load %arg8[%get3A_953, %get3A_954, %get3A_955] {strides = array<i32>} : memref<4x128x64xf32, #tpu.memory_space<vmem>>, vector<16xf32>,
        %add3A_957 = arith.constant 3 : i32
        %add3A_958 = arith.addi %mul3A_872, %add3A_957 : i32
        %get3A_959 = arith.constant 3 : i32
        %get3A_960 = arith.index_cast %get3A_959 : i32 to index
        %get3A_961 = arith.index_cast %add3A_958 : i32 to index
        %get3A_962 = arith.constant 0 : index
        %get3A_963 = tpu.vector_load %arg8[%get3A_960, %get3A_961, %get3A_962] {strides = array<i32>} : memref<4x128x64xf32, #tpu.memory_space<vmem>>, vector<16xf32>,
        %add3A_964 = arith.constant 3 : i32
        %add3A_965 = arith.addi %mul3A_872, %add3A_964 : i32
        %get3A_966 = arith.constant 3 : i32
        %get3A_967 = arith.index_cast %get3A_966 : i32 to index
        %get3A_968 = arith.index_cast %add3A_965 : i32 to index
        %get3A_969 = arith.constant 16 : index
        %get3A_970 = tpu.vector_load %arg8[%get3A_967, %get3A_968, %get3A_969] {strides = array<i32>} : memref<4x128x64xf32, #tpu.memory_space<vmem>>, vector<16xf32>,
        %add3A_971 = arith.constant 3 : i32
        %add3A_972 = arith.addi %mul3A_872, %add3A_971 : i32
        %get3A_973 = arith.constant 3 : i32
        %get3A_974 = arith.index_cast %get3A_973 : i32 to index
        %get3A_975 = arith.index_cast %add3A_972 : i32 to index
        %get3A_976 = arith.constant 32 : index
        %get3A_977 = tpu.vector_load %arg8[%get3A_974, %get3A_975, %get3A_976] {strides = array<i32>} : memref<4x128x64xf32, #tpu.memory_space<vmem>>, vector<16xf32>,
        %add3A_978 = arith.constant 3 : i32
        %add3A_979 = arith.addi %mul3A_872, %add3A_978 : i32
        %get3A_980 = arith.constant 3 : i32
        %get3A_981 = arith.index_cast %get3A_980 : i32 to index
        %get3A_982 = arith.index_cast %add3A_979 : i32 to index
        %get3A_983 = arith.constant 48 : index
        %get3A_984 = tpu.vector_load %arg8[%get3A_981, %get3A_982, %get3A_983] {strides = array<i32>} : memref<4x128x64xf32, #tpu.memory_space<vmem>>, vector<16xf32>,
        %broadcast_in_dim3A = arith.constant 0 : i32
        %broadcast_in_dim3A_985 = vector.broadcast %broadcast_in_dim3A : i32 to vector<16xi32>
        %add3A_986 = arith.constant 0 : i32
        %add3A_987 = arith.addi %mul3A_872, %add3A_986 : i32
        %add3A_988 = vector.broadcast %add3A_987 : i32 to vector<16xi32>
        %add3A_989 = arith.addi %broadcast_in_dim3A_985, %add3A_988 : vector<16xi32>
        %broadcast_in_dim3A_990 = arith.constant 0 : i32
        %broadcast_in_dim3A_991 = vector.broadcast %broadcast_in_dim3A_990 : i32 to vector<16xi32>
        %add3A_992 = arith.constant 1 : i32
        %add3A_993 = arith.addi %mul3A_872, %add3A_992 : i32
        %add3A_994 = vector.broadcast %add3A_993 : i32 to vector<16xi32>
        %add3A_995 = arith.addi %broadcast_in_dim3A_991, %add3A_994 : vector<16xi32>
        %broadcast_in_dim3A_996 = arith.constant 0 : i32
        %broadcast_in_dim3A_997 = vector.broadcast %broadcast_in_dim3A_996 : i32 to vector<16xi32>
        %add3A_998 = arith.constant 2 : i32
        %add3A_999 = arith.addi %mul3A_872, %add3A_998 : i32
        %add3A_1000 = vector.broadcast %add3A_999 : i32 to vector<16xi32>
        %add3A_1001 = arith.addi %broadcast_in_dim3A_997, %add3A_1000 : vector<16xi32>
        %broadcast_in_dim3A_1002 = arith.constant 0 : i32
        %broadcast_in_dim3A_1003 = vector.broadcast %broadcast_in_dim3A_1002 : i32 to vector<16xi32>
        %add3A_1004 = arith.constant 3 : i32
        %add3A_1005 = arith.addi %mul3A_872, %add3A_1004 : i32
        %add3A_1006 = vector.broadcast %add3A_1005 : i32 to vector<16xi32>
        %add3A_1007 = arith.addi %broadcast_in_dim3A_1003, %add3A_1006 : vector<16xi32>
        %mul3A_1008 = arith.constant 8.000000e+00 : f32
        %mul3A_1009 = vector.broadcast %mul3A_1008 : f32 to vector<16xf32>
        %mul3A_1010 = arith.mulf %mul3A_1009, %get3A_879 : vector<16xf32>
        %mul3A_1011 = arith.constant 8.000000e+00 : f32
        %mul3A_1012 = vector.broadcast %mul3A_1011 : f32 to vector<16xf32>
        %mul3A_1013 = arith.mulf %mul3A_1012, %get3A_886 : vector<16xf32>
        %mul3A_1014 = arith.constant 8.000000e+00 : f32
        %mul3A_1015 = vector.broadcast %mul3A_1014 : f32 to vector<16xf32>
        %mul3A_1016 = arith.mulf %mul3A_1015, %get3A_893 : vector<16xf32>
        %mul3A_1017 = arith.constant 8.000000e+00 : f32
        %mul3A_1018 = vector.broadcast %mul3A_1017 : f32 to vector<16xf32>
        %mul3A_1019 = arith.mulf %mul3A_1018, %get3A_900 : vector<16xf32>
        %mul3A_1020 = arith.constant 8.000000e+00 : f32
        %mul3A_1021 = vector.broadcast %mul3A_1020 : f32 to vector<16xf32>
        %mul3A_1022 = arith.mulf %mul3A_1021, %get3A_907 : vector<16xf32>
        %mul3A_1023 = arith.constant 8.000000e+00 : f32
        %mul3A_1024 = vector.broadcast %mul3A_1023 : f32 to vector<16xf32>
        %mul3A_1025 = arith.mulf %mul3A_1024, %get3A_914 : vector<16xf32>
        %mul3A_1026 = arith.constant 8.000000e+00 : f32
        %mul3A_1027 = vector.broadcast %mul3A_1026 : f32 to vector<16xf32>
        %mul3A_1028 = arith.mulf %mul3A_1027, %get3A_921 : vector<16xf32>
        %mul3A_1029 = arith.constant 8.000000e+00 : f32
        %mul3A_1030 = vector.broadcast %mul3A_1029 : f32 to vector<16xf32>
        %mul3A_1031 = arith.mulf %mul3A_1030, %get3A_928 : vector<16xf32>
        %mul3A_1032 = arith.constant 8.000000e+00 : f32
        %mul3A_1033 = vector.broadcast %mul3A_1032 : f32 to vector<16xf32>
        %mul3A_1034 = arith.mulf %mul3A_1033, %get3A_935 : vector<16xf32>
        %mul3A_1035 = arith.constant 8.000000e+00 : f32
        %mul3A_1036 = vector.broadcast %mul3A_1035 : f32 to vector<16xf32>
        %mul3A_1037 = arith.mulf %mul3A_1036, %get3A_942 : vector<16xf32>
        %mul3A_1038 = arith.constant 8.000000e+00 : f32
        %mul3A_1039 = vector.broadcast %mul3A_1038 : f32 to vector<16xf32>
        %mul3A_1040 = arith.mulf %mul3A_1039, %get3A_949 : vector<16xf32>
        %mul3A_1041 = arith.constant 8.000000e+00 : f32
        %mul3A_1042 = vector.broadcast %mul3A_1041 : f32 to vector<16xf32>
        %mul3A_1043 = arith.mulf %mul3A_1042, %get3A_956 : vector<16xf32>
        %mul3A_1044 = arith.constant 8.000000e+00 : f32
        %mul3A_1045 = vector.broadcast %mul3A_1044 : f32 to vector<16xf32>
        %mul3A_1046 = arith.mulf %mul3A_1045, %get3A_963 : vector<16xf32>
        %mul3A_1047 = arith.constant 8.000000e+00 : f32
        %mul3A_1048 = vector.broadcast %mul3A_1047 : f32 to vector<16xf32>
        %mul3A_1049 = arith.mulf %mul3A_1048, %get3A_970 : vector<16xf32>
        %mul3A_1050 = arith.constant 8.000000e+00 : f32
        %mul3A_1051 = vector.broadcast %mul3A_1050 : f32 to vector<16xf32>
        %mul3A_1052 = arith.mulf %mul3A_1051, %get3A_977 : vector<16xf32>
        %mul3A_1053 = arith.constant 8.000000e+00 : f32
        %mul3A_1054 = vector.broadcast %mul3A_1053 : f32 to vector<16xf32>
        %mul3A_1055 = arith.mulf %mul3A_1054, %get3A_984 : vector<16xf32>
        %add3A_1056 = arith.addf %mul3A_1010, %get3A_727 : vector<16xf32>
        %add3A_1057 = arith.addf %mul3A_1013, %get3A_730 : vector<16xf32>
        %add3A_1058 = arith.addf %mul3A_1016, %get3A_733 : vector<16xf32>
        %add3A_1059 = arith.addf %mul3A_1019, %get3A_736 : vector<16xf32>
        %add3A_1060 = arith.addf %mul3A_1022, %get3A_727 : vector<16xf32>
        %add3A_1061 = arith.addf %mul3A_1025, %get3A_730 : vector<16xf32>
        %add3A_1062 = arith.addf %mul3A_1028, %get3A_733 : vector<16xf32>
        %add3A_1063 = arith.addf %mul3A_1031, %get3A_736 : vector<16xf32>
        %add3A_1064 = arith.addf %mul3A_1034, %get3A_727 : vector<16xf32>
        %add3A_1065 = arith.addf %mul3A_1037, %get3A_730 : vector<16xf32>
        %add3A_1066 = arith.addf %mul3A_1040, %get3A_733 : vector<16xf32>
        %add3A_1067 = arith.addf %mul3A_1043, %get3A_736 : vector<16xf32>
        %add3A_1068 = arith.addf %mul3A_1046, %get3A_727 : vector<16xf32>
        %add3A_1069 = arith.addf %mul3A_1049, %get3A_730 : vector<16xf32>
        %add3A_1070 = arith.addf %mul3A_1052, %get3A_733 : vector<16xf32>
        %add3A_1071 = arith.addf %mul3A_1055, %get3A_736 : vector<16xf32>
        tpu.vector_store_idx %arg9[%add3A_80, %add3A_989], %add3A_1056 : memref<256x129xf32, #tpu.memory_space<vmem>>[vector<16xi32>, vector<16xi32>], vector<16xf32>,
        tpu.vector_store_idx %arg9[%add3A_86, %add3A_989], %add3A_1057 : memref<256x129xf32, #tpu.memory_space<vmem>>[vector<16xi32>, vector<16xi32>], vector<16xf32>,
        tpu.vector_store_idx %arg9[%add3A_92, %add3A_989], %add3A_1058 : memref<256x129xf32, #tpu.memory_space<vmem>>[vector<16xi32>, vector<16xi32>], vector<16xf32>,
        tpu.vector_store_idx %arg9[%add3A_98, %add3A_989], %add3A_1059 : memref<256x129xf32, #tpu.memory_space<vmem>>[vector<16xi32>, vector<16xi32>], vector<16xf32>,
        tpu.vector_store_idx %arg9[%add3A_80, %add3A_995], %add3A_1060 : memref<256x129xf32, #tpu.memory_space<vmem>>[vector<16xi32>, vector<16xi32>], vector<16xf32>,
        tpu.vector_store_idx %arg9[%add3A_86, %add3A_995], %add3A_1061 : memref<256x129xf32, #tpu.memory_space<vmem>>[vector<16xi32>, vector<16xi32>], vector<16xf32>,
        tpu.vector_store_idx %arg9[%add3A_92, %add3A_995], %add3A_1062 : memref<256x129xf32, #tpu.memory_space<vmem>>[vector<16xi32>, vector<16xi32>], vector<16xf32>,
        tpu.vector_store_idx %arg9[%add3A_98, %add3A_995], %add3A_1063 : memref<256x129xf32, #tpu.memory_space<vmem>>[vector<16xi32>, vector<16xi32>], vector<16xf32>,
        tpu.vector_store_idx %arg9[%add3A_80, %add3A_1001], %add3A_1064 : memref<256x129xf32, #tpu.memory_space<vmem>>[vector<16xi32>, vector<16xi32>], vector<16xf32>,
        tpu.vector_store_idx %arg9[%add3A_86, %add3A_1001], %add3A_1065 : memref<256x129xf32, #tpu.memory_space<vmem>>[vector<16xi32>, vector<16xi32>], vector<16xf32>,
        tpu.vector_store_idx %arg9[%add3A_92, %add3A_1001], %add3A_1066 : memref<256x129xf32, #tpu.memory_space<vmem>>[vector<16xi32>, vector<16xi32>], vector<16xf32>,
        tpu.vector_store_idx %arg9[%add3A_98, %add3A_1001], %add3A_1067 : memref<256x129xf32, #tpu.memory_space<vmem>>[vector<16xi32>, vector<16xi32>], vector<16xf32>,
        tpu.vector_store_idx %arg9[%add3A_80, %add3A_1007], %add3A_1068 : memref<256x129xf32, #tpu.memory_space<vmem>>[vector<16xi32>, vector<16xi32>], vector<16xf32>,
        tpu.vector_store_idx %arg9[%add3A_86, %add3A_1007], %add3A_1069 : memref<256x129xf32, #tpu.memory_space<vmem>>[vector<16xi32>, vector<16xi32>], vector<16xf32>,
        tpu.vector_store_idx %arg9[%add3A_92, %add3A_1007], %add3A_1070 : memref<256x129xf32, #tpu.memory_space<vmem>>[vector<16xi32>, vector<16xi32>], vector<16xf32>,
        tpu.vector_store_idx %arg9[%add3A_98, %add3A_1007], %add3A_1071 : memref<256x129xf32, #tpu.memory_space<vmem>>[vector<16xi32>, vector<16xi32>], vector<16xf32>,
      }
      %scan3A_742 = arith.constant 32 : i32
      %dma_start3A_743 = arith.constant 0 : i32
      %dma_start3A_744 = arith.constant 192 : i32
      %dma_start3A_745 = arith.constant 0 : i32
      %dma_start3A_746 = tpu.memref_slice %arg9[%dma_start3A_744, %dma_start3A_745] : memref<256x129xf32, #tpu.memory_space<vmem>> -> memref<8x128xf32, #tpu.memory_space<vmem>>
      %dma_start3A_747 = arith.constant 0 : i32
      %dma_start3A_748 = arith.constant 0 : i32
      %dma_start3A_749 = tpu.memref_slice %arg5[%add3A_707, %dma_start3A_743, %add3A, %dma_start3A_747, %dma_start3A_748] : memref<200x8x32x8x128xf32, #tpu.memory_space<hbm>> -> memref<1x1x1x8x128xf32, #tpu.memory_space<hbm>>
      %dma_start3A_750 = tpu.memref_squeeze %dma_start3A_749 : memref<1x1x1x8x128xf32, #tpu.memory_space<hbm>> -> memref<8x128xf32, #tpu.memory_space<hbm>>
      %dma_start3A_751 = arith.constant 0 : i32
      %dma_start3A_752 = arith.constant 0 : i32
      %dma_start3A_753 = tpu.memref_slice %arg5[%add3A_707, %dma_start3A_743, %add3A, %dma_start3A_751, %dma_start3A_752] : memref<200x8x32x8x128xf32, #tpu.memory_space<hbm>> -> memref<1x1x1x8x128xf32, #tpu.memory_space<hbm>>
      %dma_start3A_754 = tpu.memref_squeeze %dma_start3A_753 : memref<1x1x1x8x128xf32, #tpu.memory_space<hbm>> -> memref<8x128xf32, #tpu.memory_space<hbm>>
      %dma_start3A_755 = arith.constant 192 : i32
      %dma_start3A_756 = arith.constant 0 : i32
      %dma_start3A_757 = tpu.memref_slice %arg9[%dma_start3A_755, %dma_start3A_756] : memref<256x129xf32, #tpu.memory_space<vmem>> -> memref<8x128xf32, #tpu.memory_space<vmem>>
      tpu.enqueue_dma source(%dma_start3A_757 : memref<8x128xf32, #tpu.memory_space<vmem>>) target(%dma_start3A_754 : memref<8x128xf32, #tpu.memory_space<hbm>>) target_semaphore(%arg17 : memref<!tpu.dma_semaphore, #tpu.memory_space<semaphore_mem>>)
      %dma_start3A_758 = arith.constant 1 : i32
      %dma_start3A_759 = arith.constant 200 : i32
      %dma_start3A_760 = arith.constant 0 : i32
      %dma_start3A_761 = tpu.memref_slice %arg9[%dma_start3A_759, %dma_start3A_760] : memref<256x129xf32, #tpu.memory_space<vmem>> -> memref<8x128xf32, #tpu.memory_space<vmem>>
      %dma_start3A_762 = arith.constant 0 : i32
      %dma_start3A_763 = arith.constant 0 : i32
      %dma_start3A_764 = tpu.memref_slice %arg5[%add3A_707, %dma_start3A_758, %add3A, %dma_start3A_762, %dma_start3A_763] : memref<200x8x32x8x128xf32, #tpu.memory_space<hbm>> -> memref<1x1x1x8x128xf32, #tpu.memory_space<hbm>>
      %dma_start3A_765 = tpu.memref_squeeze %dma_start3A_764 : memref<1x1x1x8x128xf32, #tpu.memory_space<hbm>> -> memref<8x128xf32, #tpu.memory_space<hbm>>
      %dma_start3A_766 = arith.constant 0 : i32
      %dma_start3A_767 = arith.constant 0 : i32
      %dma_start3A_768 = tpu.memref_slice %arg5[%add3A_707, %dma_start3A_758, %add3A, %dma_start3A_766, %dma_start3A_767] : memref<200x8x32x8x128xf32, #tpu.memory_space<hbm>> -> memref<1x1x1x8x128xf32, #tpu.memory_space<hbm>>
      %dma_start3A_769 = tpu.memref_squeeze %dma_start3A_768 : memref<1x1x1x8x128xf32, #tpu.memory_space<hbm>> -> memref<8x128xf32, #tpu.memory_space<hbm>>
      %dma_start3A_770 = arith.constant 200 : i32
      %dma_start3A_771 = arith.constant 0 : i32
      %dma_start3A_772 = tpu.memref_slice %arg9[%dma_start3A_770, %dma_start3A_771] : memref<256x129xf32, #tpu.memory_space<vmem>> -> memref<8x128xf32, #tpu.memory_space<vmem>>
      tpu.enqueue_dma source(%dma_start3A_772 : memref<8x128xf32, #tpu.memory_space<vmem>>) target(%dma_start3A_769 : memref<8x128xf32, #tpu.memory_space<hbm>>) target_semaphore(%arg17 : memref<!tpu.dma_semaphore, #tpu.memory_space<semaphore_mem>>)
      %dma_start3A_773 = arith.constant 2 : i32
      %dma_start3A_774 = arith.constant 208 : i32
      %dma_start3A_775 = arith.constant 0 : i32
      %dma_start3A_776 = tpu.memref_slice %arg9[%dma_start3A_774, %dma_start3A_775] : memref<256x129xf32, #tpu.memory_space<vmem>> -> memref<8x128xf32, #tpu.memory_space<vmem>>
      %dma_start3A_777 = arith.constant 0 : i32
      %dma_start3A_778 = arith.constant 0 : i32
      %dma_start3A_779 = tpu.memref_slice %arg5[%add3A_707, %dma_start3A_773, %add3A, %dma_start3A_777, %dma_start3A_778] : memref<200x8x32x8x128xf32, #tpu.memory_space<hbm>> -> memref<1x1x1x8x128xf32, #tpu.memory_space<hbm>>
      %dma_start3A_780 = tpu.memref_squeeze %dma_start3A_779 : memref<1x1x1x8x128xf32, #tpu.memory_space<hbm>> -> memref<8x128xf32, #tpu.memory_space<hbm>>
      %dma_start3A_781 = arith.constant 0 : i32
      %dma_start3A_782 = arith.constant 0 : i32
      %dma_start3A_783 = tpu.memref_slice %arg5[%add3A_707, %dma_start3A_773, %add3A, %dma_start3A_781, %dma_start3A_782] : memref<200x8x32x8x128xf32, #tpu.memory_space<hbm>> -> memref<1x1x1x8x128xf32, #tpu.memory_space<hbm>>
      %dma_start3A_784 = tpu.memref_squeeze %dma_start3A_783 : memref<1x1x1x8x128xf32, #tpu.memory_space<hbm>> -> memref<8x128xf32, #tpu.memory_space<hbm>>
      %dma_start3A_785 = arith.constant 208 : i32
      %dma_start3A_786 = arith.constant 0 : i32
      %dma_start3A_787 = tpu.memref_slice %arg9[%dma_start3A_785, %dma_start3A_786] : memref<256x129xf32, #tpu.memory_space<vmem>> -> memref<8x128xf32, #tpu.memory_space<vmem>>
      tpu.enqueue_dma source(%dma_start3A_787 : memref<8x128xf32, #tpu.memory_space<vmem>>) target(%dma_start3A_784 : memref<8x128xf32, #tpu.memory_space<hbm>>) target_semaphore(%arg17 : memref<!tpu.dma_semaphore, #tpu.memory_space<semaphore_mem>>)
      %dma_start3A_788 = arith.constant 3 : i32
      %dma_start3A_789 = arith.constant 216 : i32
      %dma_start3A_790 = arith.constant 0 : i32
      %dma_start3A_791 = tpu.memref_slice %arg9[%dma_start3A_789, %dma_start3A_790] : memref<256x129xf32, #tpu.memory_space<vmem>> -> memref<8x128xf32, #tpu.memory_space<vmem>>
      %dma_start3A_792 = arith.constant 0 : i32
      %dma_start3A_793 = arith.constant 0 : i32
      %dma_start3A_794 = tpu.memref_slice %arg5[%add3A_707, %dma_start3A_788, %add3A, %dma_start3A_792, %dma_start3A_793] : memref<200x8x32x8x128xf32, #tpu.memory_space<hbm>> -> memref<1x1x1x8x128xf32, #tpu.memory_space<hbm>>
      %dma_start3A_795 = tpu.memref_squeeze %dma_start3A_794 : memref<1x1x1x8x128xf32, #tpu.memory_space<hbm>> -> memref<8x128xf32, #tpu.memory_space<hbm>>
      %dma_start3A_796 = arith.constant 0 : i32
      %dma_start3A_797 = arith.constant 0 : i32
      %dma_start3A_798 = tpu.memref_slice %arg5[%add3A_707, %dma_start3A_788, %add3A, %dma_start3A_796, %dma_start3A_797] : memref<200x8x32x8x128xf32, #tpu.memory_space<hbm>> -> memref<1x1x1x8x128xf32, #tpu.memory_space<hbm>>
      %dma_start3A_799 = tpu.memref_squeeze %dma_start3A_798 : memref<1x1x1x8x128xf32, #tpu.memory_space<hbm>> -> memref<8x128xf32, #tpu.memory_space<hbm>>
      %dma_start3A_800 = arith.constant 216 : i32
      %dma_start3A_801 = arith.constant 0 : i32
      %dma_start3A_802 = tpu.memref_slice %arg9[%dma_start3A_800, %dma_start3A_801] : memref<256x129xf32, #tpu.memory_space<vmem>> -> memref<8x128xf32, #tpu.memory_space<vmem>>
      tpu.enqueue_dma source(%dma_start3A_802 : memref<8x128xf32, #tpu.memory_space<vmem>>) target(%dma_start3A_799 : memref<8x128xf32, #tpu.memory_space<hbm>>) target_semaphore(%arg17 : memref<!tpu.dma_semaphore, #tpu.memory_space<semaphore_mem>>)
      %dma_start3A_803 = arith.constant 4 : i32
      %dma_start3A_804 = arith.constant 224 : i32
      %dma_start3A_805 = arith.constant 0 : i32
      %dma_start3A_806 = tpu.memref_slice %arg9[%dma_start3A_804, %dma_start3A_805] : memref<256x129xf32, #tpu.memory_space<vmem>> -> memref<8x128xf32, #tpu.memory_space<vmem>>
      %dma_start3A_807 = arith.constant 0 : i32
      %dma_start3A_808 = arith.constant 0 : i32
      %dma_start3A_809 = tpu.memref_slice %arg5[%add3A_707, %dma_start3A_803, %add3A, %dma_start3A_807, %dma_start3A_808] : memref<200x8x32x8x128xf32, #tpu.memory_space<hbm>> -> memref<1x1x1x8x128xf32, #tpu.memory_space<hbm>>
      %dma_start3A_810 = tpu.memref_squeeze %dma_start3A_809 : memref<1x1x1x8x128xf32, #tpu.memory_space<hbm>> -> memref<8x128xf32, #tpu.memory_space<hbm>>
      %dma_start3A_811 = arith.constant 0 : i32
      %dma_start3A_812 = arith.constant 0 : i32
      %dma_start3A_813 = tpu.memref_slice %arg5[%add3A_707, %dma_start3A_803, %add3A, %dma_start3A_811, %dma_start3A_812] : memref<200x8x32x8x128xf32, #tpu.memory_space<hbm>> -> memref<1x1x1x8x128xf32, #tpu.memory_space<hbm>>
      %dma_start3A_814 = tpu.memref_squeeze %dma_start3A_813 : memref<1x1x1x8x128xf32, #tpu.memory_space<hbm>> -> memref<8x128xf32, #tpu.memory_space<hbm>>
      %dma_start3A_815 = arith.constant 224 : i32
      %dma_start3A_816 = arith.constant 0 : i32
      %dma_start3A_817 = tpu.memref_slice %arg9[%dma_start3A_815, %dma_start3A_816] : memref<256x129xf32, #tpu.memory_space<vmem>> -> memref<8x128xf32, #tpu.memory_space<vmem>>
      tpu.enqueue_dma source(%dma_start3A_817 : memref<8x128xf32, #tpu.memory_space<vmem>>) target(%dma_start3A_814 : memref<8x128xf32, #tpu.memory_space<hbm>>) target_semaphore(%arg17 : memref<!tpu.dma_semaphore, #tpu.memory_space<semaphore_mem>>)
      %dma_start3A_818 = arith.constant 5 : i32
      %dma_start3A_819 = arith.constant 232 : i32
      %dma_start3A_820 = arith.constant 0 : i32
      %dma_start3A_821 = tpu.memref_slice %arg9[%dma_start3A_819, %dma_start3A_820] : memref<256x129xf32, #tpu.memory_space<vmem>> -> memref<8x128xf32, #tpu.memory_space<vmem>>
      %dma_start3A_822 = arith.constant 0 : i32
      %dma_start3A_823 = arith.constant 0 : i32
      %dma_start3A_824 = tpu.memref_slice %arg5[%add3A_707, %dma_start3A_818, %add3A, %dma_start3A_822, %dma_start3A_823] : memref<200x8x32x8x128xf32, #tpu.memory_space<hbm>> -> memref<1x1x1x8x128xf32, #tpu.memory_space<hbm>>
      %dma_start3A_825 = tpu.memref_squeeze %dma_start3A_824 : memref<1x1x1x8x128xf32, #tpu.memory_space<hbm>> -> memref<8x128xf32, #tpu.memory_space<hbm>>
      %dma_start3A_826 = arith.constant 0 : i32
      %dma_start3A_827 = arith.constant 0 : i32
      %dma_start3A_828 = tpu.memref_slice %arg5[%add3A_707, %dma_start3A_818, %add3A, %dma_start3A_826, %dma_start3A_827] : memref<200x8x32x8x128xf32, #tpu.memory_space<hbm>> -> memref<1x1x1x8x128xf32, #tpu.memory_space<hbm>>
      %dma_start3A_829 = tpu.memref_squeeze %dma_start3A_828 : memref<1x1x1x8x128xf32, #tpu.memory_space<hbm>> -> memref<8x128xf32, #tpu.memory_space<hbm>>
      %dma_start3A_830 = arith.constant 232 : i32
      %dma_start3A_831 = arith.constant 0 : i32
      %dma_start3A_832 = tpu.memref_slice %arg9[%dma_start3A_830, %dma_start3A_831] : memref<256x129xf32, #tpu.memory_space<vmem>> -> memref<8x128xf32, #tpu.memory_space<vmem>>
      tpu.enqueue_dma source(%dma_start3A_832 : memref<8x128xf32, #tpu.memory_space<vmem>>) target(%dma_start3A_829 : memref<8x128xf32, #tpu.memory_space<hbm>>) target_semaphore(%arg17 : memref<!tpu.dma_semaphore, #tpu.memory_space<semaphore_mem>>)
      %dma_start3A_833 = arith.constant 6 : i32
      %dma_start3A_834 = arith.constant 240 : i32
      %dma_start3A_835 = arith.constant 0 : i32
      %dma_start3A_836 = tpu.memref_slice %arg9[%dma_start3A_834, %dma_start3A_835] : memref<256x129xf32, #tpu.memory_space<vmem>> -> memref<8x128xf32, #tpu.memory_space<vmem>>
      %dma_start3A_837 = arith.constant 0 : i32
      %dma_start3A_838 = arith.constant 0 : i32
      %dma_start3A_839 = tpu.memref_slice %arg5[%add3A_707, %dma_start3A_833, %add3A, %dma_start3A_837, %dma_start3A_838] : memref<200x8x32x8x128xf32, #tpu.memory_space<hbm>> -> memref<1x1x1x8x128xf32, #tpu.memory_space<hbm>>
      %dma_start3A_840 = tpu.memref_squeeze %dma_start3A_839 : memref<1x1x1x8x128xf32, #tpu.memory_space<hbm>> -> memref<8x128xf32, #tpu.memory_space<hbm>>
      %dma_start3A_841 = arith.constant 0 : i32
      %dma_start3A_842 = arith.constant 0 : i32
      %dma_start3A_843 = tpu.memref_slice %arg5[%add3A_707, %dma_start3A_833, %add3A, %dma_start3A_841, %dma_start3A_842] : memref<200x8x32x8x128xf32, #tpu.memory_space<hbm>> -> memref<1x1x1x8x128xf32, #tpu.memory_space<hbm>>
      %dma_start3A_844 = tpu.memref_squeeze %dma_start3A_843 : memref<1x1x1x8x128xf32, #tpu.memory_space<hbm>> -> memref<8x128xf32, #tpu.memory_space<hbm>>
      %dma_start3A_845 = arith.constant 240 : i32
      %dma_start3A_846 = arith.constant 0 : i32
      %dma_start3A_847 = tpu.memref_slice %arg9[%dma_start3A_845, %dma_start3A_846] : memref<256x129xf32, #tpu.memory_space<vmem>> -> memref<8x128xf32, #tpu.memory_space<vmem>>
      tpu.enqueue_dma source(%dma_start3A_847 : memref<8x128xf32, #tpu.memory_space<vmem>>) target(%dma_start3A_844 : memref<8x128xf32, #tpu.memory_space<hbm>>) target_semaphore(%arg17 : memref<!tpu.dma_semaphore, #tpu.memory_space<semaphore_mem>>)
      %dma_start3A_848 = arith.constant 7 : i32
      %dma_start3A_849 = arith.constant 248 : i32
      %dma_start3A_850 = arith.constant 0 : i32
      %dma_start3A_851 = tpu.memref_slice %arg9[%dma_start3A_849, %dma_start3A_850] : memref<256x129xf32, #tpu.memory_space<vmem>> -> memref<8x128xf32, #tpu.memory_space<vmem>>
      %dma_start3A_852 = arith.constant 0 : i32
      %dma_start3A_853 = arith.constant 0 : i32
      %dma_start3A_854 = tpu.memref_slice %arg5[%add3A_707, %dma_start3A_848, %add3A, %dma_start3A_852, %dma_start3A_853] : memref<200x8x32x8x128xf32, #tpu.memory_space<hbm>> -> memref<1x1x1x8x128xf32, #tpu.memory_space<hbm>>
      %dma_start3A_855 = tpu.memref_squeeze %dma_start3A_854 : memref<1x1x1x8x128xf32, #tpu.memory_space<hbm>> -> memref<8x128xf32, #tpu.memory_space<hbm>>
      %dma_start3A_856 = arith.constant 0 : i32
      %dma_start3A_857 = arith.constant 0 : i32
      %dma_start3A_858 = tpu.memref_slice %arg5[%add3A_707, %dma_start3A_848, %add3A, %dma_start3A_856, %dma_start3A_857] : memref<200x8x32x8x128xf32, #tpu.memory_space<hbm>> -> memref<1x1x1x8x128xf32, #tpu.memory_space<hbm>>
      %dma_start3A_859 = tpu.memref_squeeze %dma_start3A_858 : memref<1x1x1x8x128xf32, #tpu.memory_space<hbm>> -> memref<8x128xf32, #tpu.memory_space<hbm>>
      %dma_start3A_860 = arith.constant 248 : i32
      %dma_start3A_861 = arith.constant 0 : i32
      %dma_start3A_862 = tpu.memref_slice %arg9[%dma_start3A_860, %dma_start3A_861] : memref<256x129xf32, #tpu.memory_space<vmem>> -> memref<8x128xf32, #tpu.memory_space<vmem>>
      tpu.enqueue_dma source(%dma_start3A_862 : memref<8x128xf32, #tpu.memory_space<vmem>>) target(%dma_start3A_859 : memref<8x128xf32, #tpu.memory_space<hbm>>) target_semaphore(%arg17 : memref<!tpu.dma_semaphore, #tpu.memory_space<semaphore_mem>>)
      %add3A_863 = arith.constant 4 : i32
      %add3A_864 = arith.addi %add3A_707, %add3A_863 : i32
      %lt3A_865 = arith.constant 200 : i32
      %lt3A_866 = arith.cmpi slt, %add3A_864, %lt3A_865 : i32
      %convert_element_type3A_867 = arith.extui %lt3A_866 : i1 to i32
      %cond3A_868 = arith.constant 0 : i32
      %cond3A_869 = arith.cmpi ne, %convert_element_type3A_867, %cond3A_868 : i32
      scf.if %cond3A_869 {
        %add3A_870 = arith.constant 4 : i32
        %add3A_871 = arith.addi %add3A_707, %add3A_870 : i32
        %dma_start3A_872 = arith.constant 3 : i32
        %dma_start3A_873 = arith.constant 0 : i32
        %dma_start3A_874 = arith.constant 0 : i32
        %dma_start3A_875 = tpu.memref_slice %arg8[%dma_start3A_872, %dma_start3A_873, %dma_start3A_874] : memref<4x128x64xf32, #tpu.memory_space<vmem>> -> memref<1x128x64xf32, #tpu.memory_space<vmem>>
        %dma_start3A_876 = tpu.memref_squeeze %dma_start3A_875 : memref<1x128x64xf32, #tpu.memory_space<vmem>> -> memref<128x64xf32, #tpu.memory_space<vmem>>
        %dma_start3A_877 = arith.constant 0 : i32
        %dma_start3A_878 = tpu.memref_slice %arg6[%add3A_871, %dma_start3A_877] : memref<200x128xi32, #tpu.memory_space<vmem>> -> memref<1x128xi32, #tpu.memory_space<vmem>>
        %dma_start3A_879 = tpu.memref_squeeze %dma_start3A_878 : memref<1x128xi32, #tpu.memory_space<vmem>> -> memref<128xi32, #tpu.memory_space<vmem>>
        %dma_start3A_880 = arith.constant 0 : i32
        %dma_start3A_881 = arith.constant 0 : i32
        %dma_start3A_882 = tpu.memref_slice %arg3[%dma_start3A_880, %dma_start3A_881] : memref<1000000x64xf32, #tpu.memory_space<hbm>> -> memref<1000000x64xf32, #tpu.memory_space<hbm>>
        tpu.enqueue_indirect_dma source(%dma_start3A_882 : memref<1000000x64xf32, #tpu.memory_space<hbm>>) target(%dma_start3A_876 : memref<128x64xf32, #tpu.memory_space<vmem>>) offsets(%dma_start3A_879 : memref<128xi32, #tpu.memory_space<vmem>>) semaphore(%arg13 : memref<!tpu.dma_semaphore, #tpu.memory_space<semaphore_mem>>)
      } else {
      }
    }
    %scan3A_150 = arith.constant 50 : i32
    %dma_wait3A = arith.constant 0 : i32
    %dma_wait3A_151 = arith.constant 0 : i32
    %dma_wait3A_152 = arith.constant 0 : i32
    %dma_wait3A_153 = tpu.memref_slice %arg8[%dma_wait3A, %dma_wait3A_151, %dma_wait3A_152] : memref<4x128x64xf32, #tpu.memory_space<vmem>> -> memref<1x128x64xf32, #tpu.memory_space<vmem>>
    %dma_wait3A_154 = tpu.memref_squeeze %dma_wait3A_153 : memref<1x128x64xf32, #tpu.memory_space<vmem>> -> memref<128x64xf32, #tpu.memory_space<vmem>>
    %dma_wait3A_155 = arith.constant 0 : i32
    %dma_wait3A_156 = arith.constant 0 : i32
    %dma_wait3A_157 = tpu.memref_slice %arg3[%dma_wait3A_155, %dma_wait3A_156] : memref<1000000x64xf32, #tpu.memory_space<hbm>> -> memref<128x64xf32, #tpu.memory_space<hbm>>
    %dma_wait3A_158 = arith.constant 0 : i32
    %dma_wait3A_159 = arith.constant 0 : i32
    %dma_wait3A_160 = tpu.memref_slice %arg8[%dma_wait3A, %dma_wait3A_158, %dma_wait3A_159] : memref<4x128x64xf32, #tpu.memory_space<vmem>> -> memref<1x128x64xf32, #tpu.memory_space<vmem>>
    %dma_wait3A_161 = tpu.memref_squeeze %dma_wait3A_160 : memref<1x128x64xf32, #tpu.memory_space<vmem>> -> memref<128x64xf32, #tpu.memory_space<vmem>>
    %dma_wait3A_162 = arith.constant 0 : i32
    %dma_wait3A_163 = arith.constant 0 : i32
    %dma_wait3A_164 = tpu.memref_slice %arg3[%dma_wait3A_162, %dma_wait3A_163] : memref<1000000x64xf32, #tpu.memory_space<hbm>> -> memref<128x64xf32, #tpu.memory_space<hbm>>
    tpu.wait_dma2 semaphore(%arg14 : memref<!tpu.dma_semaphore, #tpu.memory_space<semaphore_mem>>) src(%dma_wait3A_164 : memref<128x64xf32, #tpu.memory_space<hbm>>) dst(%dma_wait3A_161 : memref<128x64xf32, #tpu.memory_space<vmem>>)
    %dma_wait3A_165 = arith.constant 1 : i32
    %dma_wait3A_166 = arith.constant 0 : i32
    %dma_wait3A_167 = arith.constant 0 : i32
    %dma_wait3A_168 = tpu.memref_slice %arg8[%dma_wait3A_165, %dma_wait3A_166, %dma_wait3A_167] : memref<4x128x64xf32, #tpu.memory_space<vmem>> -> memref<1x128x64xf32, #tpu.memory_space<vmem>>
    %dma_wait3A_169 = tpu.memref_squeeze %dma_wait3A_168 : memref<1x128x64xf32, #tpu.memory_space<vmem>> -> memref<128x64xf32, #tpu.memory_space<vmem>>
    %dma_wait3A_170 = arith.constant 0 : i32
    %dma_wait3A_171 = arith.constant 0 : i32
    %dma_wait3A_172 = tpu.memref_slice %arg3[%dma_wait3A_170, %dma_wait3A_171] : memref<1000000x64xf32, #tpu.memory_space<hbm>> -> memref<128x64xf32, #tpu.memory_space<hbm>>
    %dma_wait3A_173 = arith.constant 0 : i32
    %dma_wait3A_174 = arith.constant 0 : i32
    %dma_wait3A_175 = tpu.memref_slice %arg8[%dma_wait3A_165, %dma_wait3A_173, %dma_wait3A_174] : memref<4x128x64xf32, #tpu.memory_space<vmem>> -> memref<1x128x64xf32, #tpu.memory_space<vmem>>
    %dma_wait3A_176 = tpu.memref_squeeze %dma_wait3A_175 : memref<1x128x64xf32, #tpu.memory_space<vmem>> -> memref<128x64xf32, #tpu.memory_space<vmem>>
    %dma_wait3A_177 = arith.constant 0 : i32
    %dma_wait3A_178 = arith.constant 0 : i32
    %dma_wait3A_179 = tpu.memref_slice %arg3[%dma_wait3A_177, %dma_wait3A_178] : memref<1000000x64xf32, #tpu.memory_space<hbm>> -> memref<128x64xf32, #tpu.memory_space<hbm>>
    tpu.wait_dma2 semaphore(%arg15 : memref<!tpu.dma_semaphore, #tpu.memory_space<semaphore_mem>>) src(%dma_wait3A_179 : memref<128x64xf32, #tpu.memory_space<hbm>>) dst(%dma_wait3A_176 : memref<128x64xf32, #tpu.memory_space<vmem>>)
    %dma_wait3A_180 = arith.constant 2 : i32
    %dma_wait3A_181 = arith.constant 0 : i32
    %dma_wait3A_182 = arith.constant 0 : i32
    %dma_wait3A_183 = tpu.memref_slice %arg8[%dma_wait3A_180, %dma_wait3A_181, %dma_wait3A_182] : memref<4x128x64xf32, #tpu.memory_space<vmem>> -> memref<1x128x64xf32, #tpu.memory_space<vmem>>
    %dma_wait3A_184 = tpu.memref_squeeze %dma_wait3A_183 : memref<1x128x64xf32, #tpu.memory_space<vmem>> -> memref<128x64xf32, #tpu.memory_space<vmem>>
    %dma_wait3A_185 = arith.constant 0 : i32
    %dma_wait3A_186 = arith.constant 0 : i32
    %dma_wait3A_187 = tpu.memref_slice %arg3[%dma_wait3A_185, %dma_wait3A_186] : memref<1000000x64xf32, #tpu.memory_space<hbm>> -> memref<128x64xf32, #tpu.memory_space<hbm>>
    %dma_wait3A_188 = arith.constant 0 : i32
    %dma_wait3A_189 = arith.constant 0 : i32
    %dma_wait3A_190 = tpu.memref_slice %arg8[%dma_wait3A_180, %dma_wait3A_188, %dma_wait3A_189] : memref<4x128x64xf32, #tpu.memory_space<vmem>> -> memref<1x128x64xf32, #tpu.memory_space<vmem>>
    %dma_wait3A_191 = tpu.memref_squeeze %dma_wait3A_190 : memref<1x128x64xf32, #tpu.memory_space<vmem>> -> memref<128x64xf32, #tpu.memory_space<vmem>>
    %dma_wait3A_192 = arith.constant 0 : i32
    %dma_wait3A_193 = arith.constant 0 : i32
    %dma_wait3A_194 = tpu.memref_slice %arg3[%dma_wait3A_192, %dma_wait3A_193] : memref<1000000x64xf32, #tpu.memory_space<hbm>> -> memref<128x64xf32, #tpu.memory_space<hbm>>
    tpu.wait_dma2 semaphore(%arg16 : memref<!tpu.dma_semaphore, #tpu.memory_space<semaphore_mem>>) src(%dma_wait3A_194 : memref<128x64xf32, #tpu.memory_space<hbm>>) dst(%dma_wait3A_191 : memref<128x64xf32, #tpu.memory_space<vmem>>)
    %dma_wait3A_195 = arith.constant 3 : i32
    %dma_wait3A_196 = arith.constant 0 : i32
    %dma_wait3A_197 = arith.constant 0 : i32
    %dma_wait3A_198 = tpu.memref_slice %arg8[%dma_wait3A_195, %dma_wait3A_196, %dma_wait3A_197] : memref<4x128x64xf32, #tpu.memory_space<vmem>> -> memref<1x128x64xf32, #tpu.memory_space<vmem>>
    %dma_wait3A_199 = tpu.memref_squeeze %dma_wait3A_198 : memref<1x128x64xf32, #tpu.memory_space<vmem>> -> memref<128x64xf32, #tpu.memory_space<vmem>>
    %dma_wait3A_200 = arith.constant 0 : i32
    %dma_wait3A_201 = arith.constant 0 : i32
    %dma_wait3A_202 = tpu.memref_slice %arg3[%dma_wait3A_200, %dma_wait3A_201] : memref<1000000x64xf32, #tpu.memory_space<hbm>> -> memref<128x64xf32, #tpu.memory_space<hbm>>
    %dma_wait3A_203 = arith.constant 0 : i32
    %dma_wait3A_204 = arith.constant 0 : i32
    %dma_wait3A_205 = tpu.memref_slice %arg8[%dma_wait3A_195, %dma_wait3A_203, %dma_wait3A_204] : memref<4x128x64xf32, #tpu.memory_space<vmem>> -> memref<1x128x64xf32, #tpu.memory_space<vmem>>
    %dma_wait3A_206 = tpu.memref_squeeze %dma_wait3A_205 : memref<1x128x64xf32, #tpu.memory_space<vmem>> -> memref<128x64xf32, #tpu.memory_space<vmem>>
    %dma_wait3A_207 = arith.constant 0 : i32
    %dma_wait3A_208 = arith.constant 0 : i32
    %dma_wait3A_209 = tpu.memref_slice %arg3[%dma_wait3A_207, %dma_wait3A_208] : memref<1000000x64xf32, #tpu.memory_space<hbm>> -> memref<128x64xf32, #tpu.memory_space<hbm>>
    tpu.wait_dma2 semaphore(%arg17 : memref<!tpu.dma_semaphore, #tpu.memory_space<semaphore_mem>>) src(%dma_wait3A_209 : memref<128x64xf32, #tpu.memory_space<hbm>>) dst(%dma_wait3A_206 : memref<128x64xf32, #tpu.memory_space<vmem>>)
    return
  }
}

</mosaic_0001>

<sc_bundles>
// kernel: kernel.3.cloned.1.call-start
scs
__scs_entry_jumppad:
0x0: {  	(pc) =	sbr.rel $0x88, $3  }
0x1: {  	(tag) =	ssettag $0x0;
	lr =	simm.s32 $0x1  }
0x2: {  	[smem:$0x3F9E] =	sst lr;
	_ =	strace $0xD0000000  }
0x3: {  	_ = 	snop  }
0x4: {  	_ = 	snop  }
0x5: {  	_ = 	snop  }
0x6: {  	_ = 	snop  }
0x7: {  	_ = 	snop  }
__scs_overlays_trampoline_lowered:
0x8: {  	[smem:$0x3FAD] =	sst s0  }
0x9: {  	[smem:$0x3FAE] =	sst s1  }
0xa: {  	[smem:$0x3FAF] =	sst s2  }
0xb: {  	[smem:$0x3FB0] =	sst s3  }
0xc: {  	[smem:$0x3FB1] =	sst s4  }
0xd: {  	[smem:$0x3FB2] =	sst s5  }
0xe: {  	[smem:$0x3FB3] =	sst s6  }
0xf: {  	[smem:$0x3FB4] =	sst s7  }
0x10: {  	[smem:$0x3FB5] =	sst s8  }
0x11: {  	[smem:$0x3FB6] =	sst s9;
	s0 =	simm.s32 @!p0 $0x0  }
0x12: {  	s1 =	sld [smem:$0x3F9C];
	s0 =	simm.s32 @p0 $0x1  }
0x13: {  	[smem:$0x3FB7] =	sst s0;
	s0 =	simm.s32 @!p1 $0x0  }
0x14: {  	s2 =	sld [smem:$0x3F9B];
	s0 =	simm.s32 @p1 $0x1  }
0x15: {  	[smem:$0x3FB8] =	sst s0;
	s0 =	simm.s32 @!p2 $0x0  }
0x16: {  	s3 =	sld [smem:$0x3FDB];
	s0 =	simm.s32 @p2 $0x1  }
0x17: {  	s4 =	simm.s32 $0x1BF5;
	[smem:$0x3FBA] =	sst s0  }
0x18: {  	s0 =	sld [smem:$0x3F9D];
	_ =	swait.ge [sflag:s4], $0x0  }
0x19: {  	s7 =	sld [smem:$0x3F9E]  }
0x1a: {  	s8 =	sadd.s32 $0xFFFFE003, lr  }
0x1b: {  	s9 =	sadd.s32 $0xFFFFFEF7, lr;
	s5 =	simm.s32 $0xFFFFFFFF;
	p2 =	slt.u32 s8, $0xFFFFF086  }
0x1c: {  	p1 =	slt.u32 s9, $0xF7A;
	s5 =	simm.s32 @!p2 $0x0  }
0x1d: {  	s5 =	simm.s32 @p1 $0x1;
	p0 =	seq.s32 s7, s2  }
0x1e: {  	s7 =	smul.u32 @!p0 $0xF7A, s2;
	p2 =	seq.s32 @!p0 s5, $0x0  }
0x1f: {  	s9 =	smul.u32 $0xF7A, s1;
	s8 =	simm.s32 @!p0 $0x1BF5;
	p2 =	por !p2, p0  }
0x20: {  	[sflag:s8] =	ssyncset.s32 @!p0 $0xFFFFF086;
	s6 =	sadd.s32 @!p0 s3, s7;
	s7 =	simm.s32 @!p0 $0x108  }
0x21: {  	s3 =	sadd.s32 s3, s9;
	s6 =	sadd.s32 @!p0 $0x88, s6;
	s7 =	simm.s32 @p2 $0x1082  }
0x22: {  	[simem:s7], [sflag:s8] =	dma.local @!p0 [hbm:s6], $0xF7A  }
0x23: {  	s9 =	sor.u32 $0xD0000000, s2;
	s6 =	simm.s32 $0x108;
	_ =	swait.ge @!p0 [sflag:s8], $0x0  }
0x24: {  	s3 =	sadd.s32 $0x88, s3;
	s6 =	simm.s32 @!p1 $0x1082;
	[sflag:s4] =	ssyncset.s32 $0xFFFFF086  }
0x25: {  	[simem:s6], [sflag:s4] =	dma.local [hbm:s3], $0xF7A  }
0x26: {  	[smem:$0x3F9E] =	sst s1;
	(tag) =	ssettag s2;
	_ =	strace s9  }
0x27: {  	s1 =	sld [smem:$0x3FAE]  }
0x28: {  	s2 =	sld [smem:$0x3FAF]  }
0x29: {  	s4 =	sld [smem:$0x3FB1]  }
0x2a: {  	p0 =	seq.s32 s5, $0x0;
	s5 =	sld [smem:$0x3FB2]  }
0x2b: {  	s6 =	sld [smem:$0x3FB3]  }
0x2c: {  	s7 =	sld [smem:$0x3FB4]  }
0x2d: {  	s3 =	simm.s32 $0x108;
	s8 =	sld [smem:$0x3FB5]  }
0x2e: {  	s3 =	simm.s32 @!p0 $0x1082;
	s9 =	sld [smem:$0x3FB6]  }
0x2f: {  	lr =	sadd.s32 s0, s3;
	s0 =	sld [smem:$0x3FAD]  }
0x30: {  	s3 =	sld [smem:$0x3FB0]  }
0x31: {  	[smem:$0x3FB9] =	sst s10  }
0x32: {  	s10 =	sld [smem:$0x3FB7];
	_ =	sdelay $0x3  }
0x33: {  	p0 =	seq.s32 s10, $0x1;
	s10 =	sld [smem:$0x3FB9];
	_ =	sdelay $0x3  }
0x34: {  	[smem:$0x3FB9] =	sst s10  }
0x35: {  	s10 =	sld [smem:$0x3FB8];
	_ =	sdelay $0x3  }
0x36: {  	p1 =	seq.s32 s10, $0x1;
	s10 =	sld [smem:$0x3FB9];
	_ =	sdelay $0x3  }
0x37: {  	[smem:$0x3FB9] =	sst s10  }
0x38: {  	s10 =	sld [smem:$0x3FBA]  }
0x39: {  	_ = 	snop;
	(pc) =	sbr.ind lr, $3  }
0x3a: {  	_ = 	snop  }
0x3b: {  	_ = 	snop  }
0x3c: {  	p2 =	seq.s32 s10, $0x1;
	s10 =	sld [smem:$0x3FB9]  }
0x3d: {  	_ =	shalt  }
0x3e: {  	_ =	shalt  }
0x3f: {  	_ =	shalt  }
0x40: {  	_ =	shalt  }
0x41: {  	_ =	shalt  }
0x42: {  	_ =	shalt  }
0x43: {  	_ =	shalt  }
0x44: {  	_ =	shalt  }
0x45: {  	_ =	shalt  }
0x46: {  	_ =	shalt  }
0x47: {  	_ =	shalt  }
0x48: {  	_ =	shalt  }
0x49: {  	_ =	shalt  }
0x4a: {  	_ =	shalt  }
0x4b: {  	_ =	shalt  }
0x4c: {  	_ =	shalt  }
0x4d: {  	_ =	shalt  }
0x4e: {  	_ =	shalt  }
0x4f: {  	_ =	shalt  }
0x50: {  	_ =	shalt  }
0x51: {  	_ =	shalt  }
0x52: {  	_ =	shalt  }
0x53: {  	_ =	shalt  }
0x54: {  	_ =	shalt  }
0x55: {  	_ =	shalt  }
0x56: {  	_ =	shalt  }
0x57: {  	_ =	shalt  }
0x58: {  	_ =	shalt  }
0x59: {  	_ =	shalt  }
0x5a: {  	_ =	shalt  }
0x5b: {  	_ =	shalt  }
0x5c: {  	_ =	shalt  }
0x5d: {  	_ =	shalt  }
0x5e: {  	_ =	shalt  }
0x5f: {  	_ =	shalt  }
0x60: {  	_ =	shalt  }
0x61: {  	_ =	shalt  }
0x62: {  	_ =	shalt  }
0x63: {  	_ =	shalt  }
0x64: {  	_ =	shalt  }
0x65: {  	_ =	shalt  }
0x66: {  	_ =	shalt  }
0x67: {  	_ =	shalt  }
0x68: {  	_ =	shalt  }
0x69: {  	_ =	shalt  }
0x6a: {  	_ =	shalt  }
0x6b: {  	_ =	shalt  }
0x6c: {  	_ =	shalt  }
0x6d: {  	_ =	shalt  }
0x6e: {  	_ =	shalt  }
0x6f: {  	_ =	shalt  }
0x70: {  	_ =	shalt  }
0x71: {  	_ =	shalt  }
0x72: {  	_ =	shalt  }
0x73: {  	_ =	shalt  }
0x74: {  	_ =	shalt  }
0x75: {  	_ =	shalt  }
0x76: {  	_ =	shalt  }
0x77: {  	_ =	shalt  }
0x78: {  	_ =	shalt  }
0x79: {  	_ =	shalt  }
0x7a: {  	_ =	shalt  }
0x7b: {  	_ =	shalt  }
0x7c: {  	_ =	shalt  }
0x7d: {  	_ =	shalt  }
0x7e: {  	_ =	shalt  }
0x7f: {  	_ =	shalt  }
0x80: {  	_ =	shalt  }
0x81: {  	_ =	shalt  }
0x82: {  	_ =	shalt  }
0x83: {  	_ =	shalt  }
0x84: {  	_ =	shalt  }
0x85: {  	_ =	shalt  }
0x86: {  	_ =	shalt  }
0x87: {  	_ =	shalt  }
.Lfunc_end0:
.L_simem_size_0:
called_computation_lowered:
.L_overlay_start_0:
0x88: {  	s2 =	sld [smem:$0x3FD9]  }
0x89: {  	s3 =	sld [smem:$0x3FFE];
	_ =	sdelay $0x1  }
0x8a: {  	s1 =	srdreg.scid  }
0x8b: {  	s0 =	sand.u32 $0x1, s1  }
0x8c: {  	s17 =	sshll.u32 s0, $0xA;
	s2 =	sadd.s32 s3, s2  }
0x8d: {  	s2 =	sadd.s32 s2, s17  }
0x8e: {  	[smem:$0x3FC5] =	sst s2  }
0x8f: {  	_ = 	snop  }
0x90: {  	s2 =	sld [smem:$0x3FD0];
	(tm) =	ssettm $0x1  }
0x91: {  	s18 =	sld [smem:$0x3FFB];
	_ =	sdelay $0x3  }
0x92: {  	_ =	strace s18  }
0x93: {  	s3 =	sld [smem:$0x3FFC];
	_ =	sdelay $0x3  }
0x94: {  	_ =	strace s3  }
0x95: {  	s3 =	sld [smem:$0x3FFD];
	_ =	sdelay $0x3  }
0x96: {  	_ =	strace s3  }
0x97: {  	_ =	strace $0x8FFFFFFF  }
0x98: {  	s19 =	sld [smem:$0x3FDB];
	_ =	sdelay $0x1  }
0x99: {  	s4 =	simm.s32 $_scs_section_size  }
0x9a: {  	s5 =	simm.s32 $_size__tile_overlayer_lowered;
	s6 =	simm.s32 $_tile_overlayer_lowered  }
0x9b: {  	s22 =	simm.s32 $0x1BFF;
	s21 =	sshll.u32 s6, $0x1;
	s3 =	sadd.s32 s4, s19  }
0x9c: {  	s7 =	simm.s32 $0x0;
	s20 =	sshll.u32 s5, $0x1;
	s5 =	sadd.s32 s21, s3  }
0x9d: {  	[timem:s7], [sflag:s22] =	dma.local [hbm:s5], s20  }
0x9e: {  	_ =	swait.ge [sflag:s22], s20  }
0x9f: {  	s4 =	ssub.s32 $0x0, s20;
	[sflag:s22] =	ssyncset.done $0x0  }
0xa0: {  	[sflag:s22] =	ssyncadd.s32 s4;
	_ =	sdelay $0x1  }
0xa1: {  	s23 =	simm.s32 $0x1B8B  }
0xa2: {  	_ =	swait.ge [sflag:s23], $0x1  }
0xa3: {  	[sflag:s23] =	ssyncset.done $0x0  }
0xa4: {  	s25 =	simm.s32 $0x1B8E;
	s24 =	sld [smem:$0x3FFE];
	[sflag:s23] =	ssyncadd.s32 $0xFFFFFFFF  }
0xa5: {  	s26 =	simm.s32 $execute0_lowered;
	[smem:$0x3FD2] =	sst s25  }
0xa6: {  	s5 =	sshll.u32 s26, $0x1;
	_ =	strace $0x80000046;
	[dreg:$0x1] =	wrdreg $0xFFFFFFFF  }
0xa7: {  	s28 =	simm.s32 $_size_execute0_lowered;
	s3 =	sadd.s32 s3, s5;
	[dreg:$0x0] =	wrdreg $0x0  }
0xa8: {  	s5 =	sshll.u32 s28, $0x1;
	[dreg:$0x2] =	wrdreg s3  }
0xa9: {  	[dreg:$0x3] =	wrdreg s5  }
0xaa: {  	[dreg:$0x4] =	wrdreg $0xC0  }
0xab: {  	_ =	task [dreg:s7], $0x5FFFF  }
0xac: {  	[dreg:$0x1] =	wrdreg $0xFFFFFFFF  }
0xad: {  	[dreg:$0x0] =	wrdreg $0x60  }
0xae: {  	[dreg:$0x2] =	wrdreg s24  }
0xaf: {  	[dreg:$0x3] =	wrdreg s2  }
0xb0: {  	[dreg:$0x4] =	wrdreg $0x9  }
0xb1: {  	_ =	task.clear_ibuf [dreg:s7], $0x5FFFF;
	_ =	strace $0x90000046  }
0xb2: {  	s29 =	simm.s32 $0x9;
	_ =	strace $0x80000048  }
0xb3: {  	_ =	swait.ge [sflag:s29], $0x1  }
0xb4: {  	[sflag:s29] =	ssyncadd.s32 $0xFFFFFFFF  }
0xb5: {  	_ =	strace $0x90000048  }
0xb6: {  	_ =	sfence  }
0xb7: {  	s30 =	sld [smem:$0x0];
	_ =	sdelay $0x2  }
0xb8: {  	s31 =	sshll.u32 s1, $0xD;
	s1 =	sshrl.u32 s1, $0x2  }
0xb9: {  	s3 =	sand.u32 $0x4000, s31;
	s1 =	sadd.s32 s1, s30  }
0xba: {  	s0 =	sor.u32 s3, s0;
	s1 =	sshll.u32 s1, $0x11  }
0xbb: {  	s0 =	sor.u32 s1, s0  }
0xbc: {  	s0 =	sadd.s32 $0x8F2B, s0  }
0xbd: {  	[sflag:s0] =	ssyncadd.remote.s32 $0x1  }
0xbe: {  	_ =	sfence.sel $0xFFFF  }
0xbf: {  	[dreg:$0x0] =	wrdreg $0xFFFFFFFF;
	(pc) =	sbr.abs _section_cstart, $3  }
0xc0: {  	[dreg:$0x1] =	wrdreg $0xFFFFFFFF  }
0xc1: {  	_ =	task.clear_ibuf [dreg:s7], $0x2FFFF;
	_ =	strace $0x9FFFFFFF  }
0xc2: {  	(tm) =	ssettm $0x7FFFFFFF  }
0xc3: {  	_ =	shalt  }
tec
execute0_lowered:
.L_overlay_start_1:
0x0: {  	(tag) =	ssettag $0x1  }
0x1: {  	s0 =	srdreg.scid;
	s1 =	rddreg [dreg:$0x0]  }
0x2: {  	s2 =	rddreg [dreg:$0x1];
	s5 =	stileid.u32;
	s3 =	simm.s32 $0x0  }
0x3: {  	s28 =	simm.s32 $0x11600;
	s30 =	simm.s32 $0x4;
	s29 =	simm.s32 $0x19AD0  }
0x4: {  	s31 =	simm.s32 $0x19B58;
	s16 =	simm.s32 $0x19BE0;
	s17 =	simm.s32 $0x19D78  }
0x5: {  	s19 =	simm.s32 $0x0;
	s25 =	simm.s32 $0x80;
	s0 =	sand.u32 $0x1, s0  }
0x6: {  	[smem:$0x7FF] =	sst s3;
	s8 =	sadd.s32 $0x1000, s2;
	s9 =	sadd.s32 $0x2000, s2  }
0x7: {  	s10 =	sadd.s32 $0x3000, s2;
	s11 =	sadd.s32 $0x4000, s2;
	s12 =	sadd.s32 $0x5000, s2  }
0x8: {  	v0 =	vlaneseq.u32;
	s13 =	sadd.s32 $0x6000, s2;
	s4 =	sshll.u32 s0, $0x4;
	s0 =	ssub.s32 $0x2, s0  }
0x9: {  	s14 =	sadd.s32 $0x7000, s2;
	v0 =	vmul.u32 $0x88, v0;
	s5 =	sor.u32 s5, s4;
	s7 =	sshrl.u32 s0, $0x1  }
0xa: {  	_ =	strace $0x80000047;
	s4 =	sshll.u32 s5, $0x4;
	s0 =	ssub.s32 s0, s7  }
.Ltmp0:
0xb: {  	v1 =	vadd.s32 $0x880, v0;
	v2 =	vadd.s32 $0x1100, v0;
	v3 =	vadd.s32 $0x1980, v0;
	s7 =	sshll.u32 s5, $0xA;
	s5 =	simm.s32 $0x2;
	(pc) =	sbr.rel .LBB2_1-.Ltmp0, $4  }
0xc: {  	v4 =	vadd.s32 $0x2200, v0;
	v5 =	vadd.s32 $0x2A80, v0;
	v6 =	vadd.s32 $0x3300, v0;
	s6 =	sadd.s32 s4, s1;
	s4 =	sadd.s32 $0xF42C00, s1;
	s1 =	sadd.s32 $0x19800, s1  }
0xd: {  	v7 =	vadd.s32 $0x3B80, v0;
	v8 =	vadd.s32 $0x4400, v0;
	v9 =	vadd.s32 $0x4C80, v0;
	s0 =	smax.u32 s0, $0x1;
	[dreg:$0x3] =	wrdreg s1;
	s26 =	sadd.s32 $0x800, s6  }
0xe: {  	v10 =	vadd.s32 $0x5500, v0;
	v11 =	vadd.s32 $0x5D80, v0;
	v12 =	vadd.s32 $0x6600, v0;
	[dreg:$0x5] =	wrdreg s0;
	s6 =	simm.s32 $0x3;
	s0 =	simm.s32 $0x19C68  }
0xf: {  	v13 =	vadd.s32 $0x6E80, v0;
	v14 =	vadd.s32 $0x7700, v0;
	v15 =	vadd.s32 $0x7F80, v0;
	s1 =	simm.s32 $0x19CF0;
	[dreg:$0x4] =	wrdreg s26;
	s26 =	simm.s32 $0x1  }
.LBB2_12:
0x10: {  	s15 =	simm.s32 $0x5  }
0x11: {  	_ =	swait.ge [sflag:s15], $0x2000  }
0x12: {  	[sflag:s15] =	ssyncset.done $0x0  }
0x13: {  	s22 =	simm.s32 $0x6;
	[sflag:s15] =	ssyncadd.s32 $0xFFFFE000  }
0x14: {  	_ =	swait.ge [sflag:s22], $0x2000  }
0x15: {  	[sflag:s22] =	ssyncset.done $0x0  }
0x16: {  	s23 =	simm.s32 $0x7;
	[sflag:s22] =	ssyncadd.s32 $0xFFFFE000  }
0x17: {  	_ =	swait.ge [sflag:s23], $0x2000  }
0x18: {  	[sflag:s23] =	ssyncset.done $0x0  }
0x19: {  	s18 =	simm.s32 $0x8;
	[sflag:s23] =	ssyncadd.s32 $0xFFFFE000  }
0x1a: {  	_ =	swait.ge [sflag:s18], $0x2000  }
0x1b: {  	s19 =	rddreg [dreg:$0x6]  }
0x1c: {  	s24 =	rddreg [dreg:$0x5];
	s19 =	sadd.s32 $0x1, s19  }
0x1d: {  	p0 =	sne.s32 s19, s24  }
.Ltmp1:
0x1e: {  	_ = 	snop;
	(pc) =	sbr.rel @!p0 .LBB2_13-.Ltmp1, $3  }
0x1f: {  	_ =	sdelay $0x1  }
0x20: {  	[sflag:s18] =	ssyncset.done $0x0  }
0x21: {  	[sflag:s18] =	ssyncadd.s32 $0xFFFFE000  }
.LBB2_1:
0x22: {  	[dreg:$0x6] =	wrdreg s19  }
0x23: {  	s15 =	rddreg [dreg:$0x4]  }
0x24: {  	s18 =	simm.s32 $0x80;
	s22 =	simm.s32 $0x1000;
	s23 =	simm.s32 $0x9  }
0x25: {  	[tilespmem:s3], [sflag:$0x9] =	stream.strided.gather [hbm4b:s15+s18], $0x6400, s22, s18, $0x38;
	[tilespmem:$0x19E00] =	vst v63  }
0x26: {  	_ =	swait.ge [sflag:s23], $0x6400  }
0x27: {  	[sflag:s23] =	ssyncset.done $0x0  }
0x28: {  	s20 =	simm.s32 $0x6400;
	s24 =	rddreg [dreg:$0x3];
	[sflag:s23] =	ssyncadd.s32 $0xFFFF9C00  }
0x29: {  	[tilespmem:s20], [sflag:$0x9] =	stream.linear.gather [hbm4b:s24+s3], $0x3200, $0x38;
	[tilespmem:$0x19E00] =	vst v63  }
0x2a: {  	_ =	swait.ge [sflag:s23], $0x3200  }
0x2b: {  	[sflag:s23] =	ssyncset.done $0x0  }
0x2c: {  	s19 =	simm.s32 $0x9600;
	[sflag:s23] =	ssyncadd.s32 $0xFFFFCE00  }
0x2d: {  	[tilespmem:s19], [sflag:$0x1] =	stream.indirect.gather [hbm4b:s4+s18], $0x40, s3, s18, $0xb8;
	[tilespmem:$0x19E00] =	vst v63  }
0x2e: {  	s20 =	simm.s32 $0xB600  }
0x2f: {  	[tilespmem:s20], [sflag:$0x2] =	stream.indirect.gather [hbm4b:s4+s18], $0x40, s18, s18, $0xb8;
	[tilespmem:$0x19E00] =	vst v63  }
0x30: {  	s21 =	simm.s32 $0x100;
	s22 =	simm.s32 $0xD600  }
0x31: {  	[tilespmem:s22], [sflag:$0x3] =	stream.indirect.gather [hbm4b:s4+s18], $0x40, s21, s18, $0xb8;
	[tilespmem:$0x19E00] =	vst v63  }
0x32: {  	s24 =	simm.s32 $0xF600;
	s23 =	simm.s32 $0x180;
	s19 =	simm.s32 $0x0  }
0x33: {  	[tilespmem:s24], [sflag:$0x4] =	stream.indirect.gather [hbm4b:s4+s18], $0x40, s23, s18, $0xb8;
	[tilespmem:$0x19E00] =	vst v63  }
.LBB2_2:
0x34: {  	_ =	swait.ge [sflag:s26], $0x2000  }
0x35: {  	p0 =	seq.s32 s19, $0x0;
	[sflag:s26] =	ssyncset.done $0x0  }
0x36: {  	s15 =	simm.s32 @!p0 $0x5;
	[sflag:s26] =	ssyncadd.s32 $0xFFFFE000  }
0x37: {  	_ =	swait.ge @!p0 [sflag:s15], $0x2000  }
0x38: {  	s20 =	sshll.u32 s19, $0x8;
	[sflag:s15] =	ssyncset.done @!p0 $0x0  }
0x39: {  	s18 =	sand.u32 $0x3FFFFF00, s20;
	[sflag:s15] =	ssyncadd.s32 @!p0 $0xFFFFE000  }
0x3a: {  	v19 =	vld [tilespmem:s18+$0x6400]  }
0x3b: {  	v18 =	vld [tilespmem:s18+$0x6410]  }
0x3c: {  	v17 =	vld [tilespmem:s18+$0x6420]  }
0x3d: {  	s21 =	simm.s32 $0x9680;
	v16 =	vld [tilespmem:s18+$0x6430]  }
0x3e: {  	v33 =	vld [tilespmem:s21+$0x50]  }
0x3f: {  	v31 =	vld [tilespmem:s21+$0x40]  }
0x40: {  	v29 =	vld [tilespmem:s21+$0x30]  }
0x41: {  	s22 =	simm.s32 $0x1;
	s23 =	simm.s32 $0x2;
	v24 =	vld [tilespmem:s21+$0x10]  }
0x42: {  	s24 =	simm.s32 $0x3;
	s20 =	simm.s32 $0x0;
	v22 =	vmov s22;
	v28 =	vmov s23;
	v27 =	vld [tilespmem:s21+$0x20]  }
0x43: {  	v48 =	vmov s24;
	v20 =	vmov s20;
	v23 =	vand.u32 $0x7D, v22;
	v32 =	vld [tilespmem:s21+$0xFFFFFFA0]  }
0x44: {  	v36 =	vand.u32 $0x7E, v28;
	v48 =	vand.u32 $0x7F, v48;
	v20 =	vand.u32 $0x7C, v20;
	v34 =	vld [tilespmem:s21+$0xFFFFFF90]  }
0x45: {  	v22 =	vadd.s32 v1, v23;
	v26 =	vadd.s32 v0, v23;
	v39 =	vadd.s32 v0, v20;
	v35 =	vld [tilespmem:s21+$0xFFFFFF80]  }
0x46: {  	v40 =	vadd.s32 v1, v20;
	v21 =	vadd.s32 v3, v20;
	v25 =	vadd.s32 v2, v20;
	v37 =	vld [tilespmem:s21+$0x70]  }
0x47: {  	v20 =	vadd.s32 v3, v23;
	v23 =	vadd.s32 v2, v23;
	v44 =	vld [tilespmem:s21+$0xFFFFFFB0];
	v28 =	vmul.f32 $8.000000000e+00, v24  }
0x48: {  	v46 =	vld [tilespmem:s21+$0xFFFFFFC0];
	v24 =	vadd.s32 v0, v36;
	v30 =	vmul.f32 $8.000000000e+00, v27;
	v45 =	vmul.f32 $8.000000000e+00, v32  }
0x49: {  	v47 =	vld [tilespmem:s21+$0xFFFFFFD0];
	v27 =	vadd.s32 v1, v36;
	v32 =	vmul.f32 $8.000000000e+00, v29;
	v42 =	vmul.f32 $8.000000000e+00, v34  }
0x4a: {  	v29 =	vadd.s32 v2, v36;
	v34 =	vmul.f32 $8.000000000e+00, v31;
	v35 =	vmul.f32 $8.000000000e+00, v35  }
0x4b: {  	v38 =	vld [tilespmem:s21+$0x60];
	v31 =	vadd.s32 v3, v36;
	v36 =	vmul.f32 $8.000000000e+00, v33;
	v33 =	vmul.f32 $8.000000000e+00, v37  }
0x4c: {  	v43 =	vld [tilespmem:s21+$0xFFFFFFE0];
	v51 =	vmul.f32 $8.000000000e+00, v44;
	v37 =	vadd.s32 v2, v48;
	v49 =	vadd.f32 v35, v19  }
0x4d: {  	v41 =	vld [tilespmem:s21+$0xFFFFFFF0];
	v44 =	vmul.f32 $8.000000000e+00, v46;
	v50 =	vadd.f32 v42, v18;
	v35 =	vadd.s32 v3, v48  }
0x4e: {  	v46 =	vmul.f32 $8.000000000e+00, v47;
	v42 =	vld [tilespmem:s21+$0x0];
	v45 =	vadd.f32 v45, v17;
	v47 =	vadd.f32 v51, v16;
	[tilespmem:v39+s28+$0x0] =	vst.idx.msk $0xffff, v49  }
0x4f: {  	s22 =	simm.s32 $0x4;
	s20 =	sshll.u32 s19, $0x2;
	v39 =	vadd.s32 v0, v48;
	[tilespmem:v40+s28+$0x0] =	vst.idx.msk $0xffff, v50;
	v40 =	vadd.s32 v1, v48  }
.LBB2_3:
0x50: {  	p1 =	sne.s32 s22, $0x7C  }
0x51: {  	v43 =	vmul.f32 $8.000000000e+00, v43;
	v38 =	vmul.f32 $8.000000000e+00, v38;
	v44 =	vadd.f32 v44, v19;
	[tilespmem:v25+s28+$0x0] =	vst.idx.msk $0xffff, v45;
	s21 =	sadd.s32 $0x100, s21;
	s15 =	smov.u32 s22;
	s22 =	sadd.s32 $0x4, s22  }
0x52: {  	v25 =	vmul.f32 $8.000000000e+00, v41;
	v41 =	vadd.f32 v46, v18;
	[tilespmem:v21+s28+$0x0] =	vst.idx.msk $0xffff, v47  }
0x53: {  	v21 =	vmul.f32 $8.000000000e+00, v42;
	v42 =	vadd.f32 v43, v17;
	[tilespmem:v26+s28+$0x0] =	vst.idx.msk $0xffff, v44  }
0x54: {  	v25 =	vadd.f32 v25, v16;
	[tilespmem:v22+s28+$0x0] =	vst.idx.msk $0xffff, v41  }
0x55: {  	v21 =	vadd.f32 v21, v19;
	[tilespmem:v23+s28+$0x0] =	vst.idx.msk $0xffff, v42  }
0x56: {  	v22 =	vadd.f32 v28, v18;
	[tilespmem:v20+s28+$0x0] =	vst.idx.msk $0xffff, v25  }
0x57: {  	v20 =	vadd.f32 v30, v17;
	[tilespmem:v24+s28+$0x0] =	vst.idx.msk $0xffff, v21  }
0x58: {  	v21 =	vadd.f32 v32, v16;
	[tilespmem:v27+s28+$0x0] =	vst.idx.msk $0xffff, v22  }
0x59: {  	v22 =	vadd.f32 v34, v19;
	[tilespmem:v29+s28+$0x0] =	vst.idx.msk $0xffff, v20  }
0x5a: {  	v20 =	vadd.f32 v36, v18;
	[tilespmem:v31+s28+$0x0] =	vst.idx.msk $0xffff, v21  }
0x5b: {  	v23 =	vadd.f32 v38, v17;
	v21 =	vmov s15;
	[tilespmem:v39+s28+$0x0] =	vst.idx.msk $0xffff, v22  }
0x5c: {  	v24 =	vadd.f32 v33, v16;
	v22 =	vand.u32 $0x7C, v21;
	[tilespmem:v40+s28+$0x0] =	vst.idx.msk $0xffff, v20  }
0x5d: {  	v39 =	vadd.s32 v0, v22;
	[tilespmem:v37+s28+$0x0] =	vst.idx.msk $0xffff, v23  }
0x5e: {  	s23 =	sadd.s32 $0x1, s15;
	v40 =	vadd.s32 v1, v22;
	v21 =	vadd.s32 v3, v22;
	[tilespmem:v35+s28+$0x0] =	vst.idx.msk $0xffff, v24  }
0x5f: {  	v20 =	vmov s23;
	v25 =	vadd.s32 v2, v22;
	v33 =	vld [tilespmem:s21+$0x50]  }
0x60: {  	v23 =	vand.u32 $0x7D, v20;
	v31 =	vld [tilespmem:s21+$0x40]  }
0x61: {  	v20 =	vadd.s32 v3, v23;
	v29 =	vld [tilespmem:s21+$0x30]  }
0x62: {  	s23 =	sadd.s32 $0x2, s15;
	v22 =	vadd.s32 v1, v23;
	v24 =	vld [tilespmem:s21+$0x10]  }
0x63: {  	v26 =	vadd.s32 v0, v23;
	v27 =	vld [tilespmem:s21+$0x20]  }
0x64: {  	v23 =	vadd.s32 v2, v23;
	v32 =	vld [tilespmem:s21+$0xFFFFFFA0]  }
0x65: {  	v28 =	vmov s23;
	v34 =	vld [tilespmem:s21+$0xFFFFFF90]  }
0x66: {  	v36 =	vand.u32 $0x7E, v28;
	v35 =	vld [tilespmem:s21+$0xFFFFFF80]  }
0x67: {  	v37 =	vld [tilespmem:s21+$0x70];
	v28 =	vmul.f32 $8.000000000e+00, v24;
	v24 =	vadd.s32 v0, v36  }
0x68: {  	s15 =	sadd.s32 $0x3, s15;
	v38 =	vld [tilespmem:s21+$0x60];
	v30 =	vmul.f32 $8.000000000e+00, v27;
	v27 =	vadd.s32 v1, v36  }
0x69: {  	v44 =	vld [tilespmem:s21+$0xFFFFFFB0];
	v45 =	vmul.f32 $8.000000000e+00, v32;
	v32 =	vmul.f32 $8.000000000e+00, v29;
	v29 =	vadd.s32 v2, v36  }
0x6a: {  	v46 =	vld [tilespmem:s21+$0xFFFFFFC0];
	v42 =	vmul.f32 $8.000000000e+00, v34;
	v34 =	vmul.f32 $8.000000000e+00, v31;
	v31 =	vadd.s32 v3, v36  }
0x6b: {  	v36 =	vmul.f32 $8.000000000e+00, v33;
	v47 =	vld [tilespmem:s21+$0xFFFFFFD0];
	v35 =	vmul.f32 $8.000000000e+00, v35  }
.Ltmp2:
0x6c: {  	v48 =	vmov s15;
	v43 =	vld [tilespmem:s21+$0xFFFFFFE0];
	v33 =	vmul.f32 $8.000000000e+00, v37;
	(pc) =	sbr.rel @p1 .LBB2_3-.Ltmp2, $4  }
0x6d: {  	v48 =	vand.u32 $0x7F, v48;
	v50 =	vadd.f32 v42, v18;
	v41 =	vld [tilespmem:s21+$0xFFFFFFF0];
	v49 =	vadd.f32 v35, v19  }
0x6e: {  	v37 =	vadd.s32 v2, v48;
	v35 =	vadd.s32 v3, v48;
	v42 =	vld [tilespmem:s21+$0x0];
	v51 =	vmul.f32 $8.000000000e+00, v44  }
0x6f: {  	v45 =	vadd.f32 v45, v17;
	v44 =	vmul.f32 $8.000000000e+00, v46;
	[tilespmem:v39+s28+$0x0] =	vst.idx.msk $0xffff, v49;
	v39 =	vadd.s32 v0, v48  }
0x70: {  	v46 =	vmul.f32 $8.000000000e+00, v47;
	v47 =	vadd.f32 v51, v16;
	[tilespmem:v40+s28+$0x0] =	vst.idx.msk $0xffff, v50;
	v40 =	vadd.s32 v1, v48  }
0x71: {  	_ =	sdelay $0x3  }
0x72: {  	v43 =	vmul.f32 $8.000000000e+00, v43;
	v44 =	vadd.f32 v44, v19;
	[tilespmem:v25+s28+$0x0] =	vst.idx.msk $0xffff, v45  }
0x73: {  	v25 =	vmul.f32 $8.000000000e+00, v41;
	v50 =	vadd.f32 v46, v18;
	[tilespmem:v21+s28+$0x0] =	vst.idx.msk $0xffff, v47  }
0x74: {  	v21 =	vmul.f32 $8.000000000e+00, v42;
	v51 =	vadd.f32 v43, v17;
	[tilespmem:v26+s28+$0x0] =	vst.idx.msk $0xffff, v44  }
0x75: {  	v25 =	vadd.f32 v25, v16;
	[tilespmem:v22+s28+$0x0] =	vst.idx.msk $0xffff, v50  }
0x76: {  	v21 =	vadd.f32 v21, v19;
	[tilespmem:v23+s28+$0x0] =	vst.idx.msk $0xffff, v51  }
0x77: {  	v22 =	vadd.f32 v28, v18;
	[tilespmem:v20+s28+$0x0] =	vst.idx.msk $0xffff, v25  }
0x78: {  	v20 =	vadd.f32 v30, v17;
	[tilespmem:v24+s28+$0x0] =	vst.idx.msk $0xffff, v21  }
0x79: {  	v21 =	vadd.f32 v32, v16;
	[tilespmem:v27+s28+$0x0] =	vst.idx.msk $0xffff, v22  }
0x7a: {  	v19 =	vadd.f32 v34, v19;
	v22 =	vmul.f32 $8.000000000e+00, v38;
	[tilespmem:v29+s28+$0x0] =	vst.idx.msk $0xffff, v20  }
0x7b: {  	v18 =	vadd.f32 v36, v18;
	[tilespmem:v31+s28+$0x0] =	vst.idx.msk $0xffff, v21  }
0x7c: {  	s15 =	sshll.u32 s19, $0x14;
	v17 =	vadd.f32 v22, v17;
	[tilespmem:v39+s28+$0x0] =	vst.idx.msk $0xffff, v19  }
0x7d: {  	s15 =	sor.u32 s7, s15;
	v16 =	vadd.f32 v33, v16;
	[tilespmem:v40+s28+$0x0] =	vst.idx.msk $0xffff, v18  }
0x7e: {  	s21 =	sshrl.u32 s15, $0x3;
	[tilespmem:v37+s28+$0x0] =	vst.idx.msk $0xffff, v17  }
0x7f: {  	s15 =	sadd.s32 s2, s21;
	[tilespmem:v35+s28+$0x0] =	vst.idx.msk $0xffff, v16  }
0x80: {  	[hbm4b:s15+s3] =	stream.linear.scatter [tilespmem:s28], [sflag:$0x5], $0x80, $0x38;
	[tilespmem:$0x19E00] =	vst v63  }
0x81: {  	s18 =	simm.s32 $0x11688;
	s22 =	sadd.s32 $0x10, s15  }
0x82: {  	[hbm4b:s22+s3] =	stream.linear.scatter [tilespmem:s18], [sflag:$0x5], $0x80, $0x38;
	[tilespmem:$0x19E00] =	vst v63  }
0x83: {  	s24 =	simm.s32 $0x11710;
	s23 =	sadd.s32 $0x20, s15  }
0x84: {  	[hbm4b:s23+s3] =	stream.linear.scatter [tilespmem:s24], [sflag:$0x5], $0x80, $0x38;
	[tilespmem:$0x19E00] =	vst v63  }
0x85: {  	s23 =	sadd.s32 $0x30, s15;
	s24 =	simm.s32 $0x11798  }
0x86: {  	[hbm4b:s23+s3] =	stream.linear.scatter [tilespmem:s24], [sflag:$0x5], $0x80, $0x38;
	[tilespmem:$0x19E00] =	vst v63  }
0x87: {  	s23 =	sadd.s32 $0x40, s15;
	s24 =	simm.s32 $0x11820  }
0x88: {  	[hbm4b:s23+s3] =	stream.linear.scatter [tilespmem:s24], [sflag:$0x5], $0x80, $0x38;
	[tilespmem:$0x19E00] =	vst v63  }
0x89: {  	s23 =	sadd.s32 $0x50, s15;
	s24 =	simm.s32 $0x118A8  }
0x8a: {  	[hbm4b:s23+s3] =	stream.linear.scatter [tilespmem:s24], [sflag:$0x5], $0x80, $0x38;
	[tilespmem:$0x19E00] =	vst v63  }
0x8b: {  	s18 =	sadd.s32 $0x60, s15;
	s23 =	simm.s32 $0x11930  }
0x8c: {  	[hbm4b:s18+s3] =	stream.linear.scatter [tilespmem:s23], [sflag:$0x5], $0x80, $0x38;
	[tilespmem:$0x19E00] =	vst v63  }
0x8d: {  	s15 =	sadd.s32 $0x70, s15;
	s24 =	simm.s32 $0x119B8  }
0x8e: {  	[hbm4b:s15+s3] =	stream.linear.scatter [tilespmem:s24], [sflag:$0x5], $0x80, $0x38;
	[tilespmem:$0x19E00] =	vst v63  }
0x8f: {  	s22 =	simm.s32 $0x11A40;
	s15 =	sadd.s32 s21, s8  }
0x90: {  	[hbm4b:s15+s3] =	stream.linear.scatter [tilespmem:s22], [sflag:$0x5], $0x80, $0x38;
	[tilespmem:$0x19E00] =	vst v63  }
0x91: {  	s24 =	simm.s32 $0x11AC8;
	s23 =	sadd.s32 $0x10, s15  }
0x92: {  	[hbm4b:s23+s3] =	stream.linear.scatter [tilespmem:s24], [sflag:$0x5], $0x80, $0x38;
	[tilespmem:$0x19E00] =	vst v63  }
0x93: {  	s23 =	sadd.s32 $0x20, s15;
	s24 =	simm.s32 $0x11B50  }
0x94: {  	[hbm4b:s23+s3] =	stream.linear.scatter [tilespmem:s24], [sflag:$0x5], $0x80, $0x38;
	[tilespmem:$0x19E00] =	vst v63  }
0x95: {  	s23 =	sadd.s32 $0x30, s15;
	s24 =	simm.s32 $0x11BD8  }
0x96: {  	[hbm4b:s23+s3] =	stream.linear.scatter [tilespmem:s24], [sflag:$0x5], $0x80, $0x38;
	[tilespmem:$0x19E00] =	vst v63  }
0x97: {  	s23 =	sadd.s32 $0x40, s15;
	s24 =	simm.s32 $0x11C60  }
0x98: {  	[hbm4b:s23+s3] =	stream.linear.scatter [tilespmem:s24], [sflag:$0x5], $0x80, $0x38;
	[tilespmem:$0x19E00] =	vst v63  }
0x99: {  	s23 =	sadd.s32 $0x50, s15;
	s24 =	simm.s32 $0x11CE8  }
0x9a: {  	[hbm4b:s23+s3] =	stream.linear.scatter [tilespmem:s24], [sflag:$0x5], $0x80, $0x38;
	[tilespmem:$0x19E00] =	vst v63  }
0x9b: {  	s18 =	sadd.s32 $0x60, s15;
	s23 =	simm.s32 $0x11D70  }
0x9c: {  	[hbm4b:s18+s3] =	stream.linear.scatter [tilespmem:s23], [sflag:$0x5], $0x80, $0x38;
	[tilespmem:$0x19E00] =	vst v63  }
0x9d: {  	s15 =	sadd.s32 $0x70, s15;
	s24 =	simm.s32 $0x11DF8  }
0x9e: {  	[hbm4b:s15+s3] =	stream.linear.scatter [tilespmem:s24], [sflag:$0x5], $0x80, $0x38;
	[tilespmem:$0x19E00] =	vst v63  }
0x9f: {  	s22 =	simm.s32 $0x11E80;
	s15 =	sadd.s32 s21, s9  }
0xa0: {  	[hbm4b:s15+s3] =	stream.linear.scatter [tilespmem:s22], [sflag:$0x5], $0x80, $0x38;
	[tilespmem:$0x19E00] =	vst v63  }
0xa1: {  	s24 =	simm.s32 $0x11F08;
	s23 =	sadd.s32 $0x10, s15  }
0xa2: {  	[hbm4b:s23+s3] =	stream.linear.scatter [tilespmem:s24], [sflag:$0x5], $0x80, $0x38;
	[tilespmem:$0x19E00] =	vst v63  }
0xa3: {  	s23 =	sadd.s32 $0x20, s15;
	s24 =	simm.s32 $0x11F90  }
0xa4: {  	[hbm4b:s23+s3] =	stream.linear.scatter [tilespmem:s24], [sflag:$0x5], $0x80, $0x38;
	[tilespmem:$0x19E00] =	vst v63  }
0xa5: {  	s23 =	sadd.s32 $0x30, s15;
	s24 =	simm.s32 $0x12018  }
0xa6: {  	[hbm4b:s23+s3] =	stream.linear.scatter [tilespmem:s24], [sflag:$0x5], $0x80, $0x38;
	[tilespmem:$0x19E00] =	vst v63  }
0xa7: {  	s23 =	sadd.s32 $0x40, s15;
	s24 =	simm.s32 $0x120A0  }
0xa8: {  	[hbm4b:s23+s3] =	stream.linear.scatter [tilespmem:s24], [sflag:$0x5], $0x80, $0x38;
	[tilespmem:$0x19E00] =	vst v63  }
0xa9: {  	s23 =	sadd.s32 $0x50, s15;
	s24 =	simm.s32 $0x12128  }
0xaa: {  	[hbm4b:s23+s3] =	stream.linear.scatter [tilespmem:s24], [sflag:$0x5], $0x80, $0x38;
	[tilespmem:$0x19E00] =	vst v63  }
0xab: {  	s18 =	sadd.s32 $0x60, s15;
	s23 =	simm.s32 $0x121B0  }
0xac: {  	[hbm4b:s18+s3] =	stream.linear.scatter [tilespmem:s23], [sflag:$0x5], $0x80, $0x38;
	[tilespmem:$0x19E00] =	vst v63  }
0xad: {  	s15 =	sadd.s32 $0x70, s15;
	s24 =	simm.s32 $0x12238  }
0xae: {  	[hbm4b:s15+s3] =	stream.linear.scatter [tilespmem:s24], [sflag:$0x5], $0x80, $0x38;
	[tilespmem:$0x19E00] =	vst v63  }
0xaf: {  	s22 =	simm.s32 $0x122C0;
	s15 =	sadd.s32 s21, s10  }
0xb0: {  	[hbm4b:s15+s3] =	stream.linear.scatter [tilespmem:s22], [sflag:$0x5], $0x80, $0x38;
	[tilespmem:$0x19E00] =	vst v63  }
0xb1: {  	s24 =	simm.s32 $0x12348;
	s23 =	sadd.s32 $0x10, s15  }
0xb2: {  	[hbm4b:s23+s3] =	stream.linear.scatter [tilespmem:s24], [sflag:$0x5], $0x80, $0x38;
	[tilespmem:$0x19E00] =	vst v63  }
0xb3: {  	s23 =	sadd.s32 $0x20, s15;
	s24 =	simm.s32 $0x123D0  }
0xb4: {  	[hbm4b:s23+s3] =	stream.linear.scatter [tilespmem:s24], [sflag:$0x5], $0x80, $0x38;
	[tilespmem:$0x19E00] =	vst v63  }
0xb5: {  	s23 =	sadd.s32 $0x30, s15;
	s24 =	simm.s32 $0x12458  }
0xb6: {  	[hbm4b:s23+s3] =	stream.linear.scatter [tilespmem:s24], [sflag:$0x5], $0x80, $0x38;
	[tilespmem:$0x19E00] =	vst v63  }
0xb7: {  	s23 =	sadd.s32 $0x40, s15;
	s24 =	simm.s32 $0x124E0  }
0xb8: {  	[hbm4b:s23+s3] =	stream.linear.scatter [tilespmem:s24], [sflag:$0x5], $0x80, $0x38;
	[tilespmem:$0x19E00] =	vst v63  }
0xb9: {  	s23 =	sadd.s32 $0x50, s15;
	s24 =	simm.s32 $0x12568  }
0xba: {  	[hbm4b:s23+s3] =	stream.linear.scatter [tilespmem:s24], [sflag:$0x5], $0x80, $0x38;
	[tilespmem:$0x19E00] =	vst v63  }
0xbb: {  	s18 =	sadd.s32 $0x60, s15;
	s23 =	simm.s32 $0x125F0  }
0xbc: {  	[hbm4b:s18+s3] =	stream.linear.scatter [tilespmem:s23], [sflag:$0x5], $0x80, $0x38;
	[tilespmem:$0x19E00] =	vst v63  }
0xbd: {  	s15 =	sadd.s32 $0x70, s15;
	s24 =	simm.s32 $0x12678  }
0xbe: {  	[hbm4b:s15+s3] =	stream.linear.scatter [tilespmem:s24], [sflag:$0x5], $0x80, $0x38;
	[tilespmem:$0x19E00] =	vst v63  }
0xbf: {  	s22 =	simm.s32 $0x12700;
	s15 =	sadd.s32 s21, s11  }
0xc0: {  	[hbm4b:s15+s3] =	stream.linear.scatter [tilespmem:s22], [sflag:$0x5], $0x80, $0x38;
	[tilespmem:$0x19E00] =	vst v63  }
0xc1: {  	s24 =	simm.s32 $0x12788;
	s23 =	sadd.s32 $0x10, s15  }
0xc2: {  	[hbm4b:s23+s3] =	stream.linear.scatter [tilespmem:s24], [sflag:$0x5], $0x80, $0x38;
	[tilespmem:$0x19E00] =	vst v63  }
0xc3: {  	s23 =	sadd.s32 $0x20, s15;
	s24 =	simm.s32 $0x12810  }
0xc4: {  	[hbm4b:s23+s3] =	stream.linear.scatter [tilespmem:s24], [sflag:$0x5], $0x80, $0x38;
	[tilespmem:$0x19E00] =	vst v63  }
0xc5: {  	s23 =	sadd.s32 $0x30, s15;
	s24 =	simm.s32 $0x12898  }
0xc6: {  	[hbm4b:s23+s3] =	stream.linear.scatter [tilespmem:s24], [sflag:$0x5], $0x80, $0x38;
	[tilespmem:$0x19E00] =	vst v63  }
0xc7: {  	s23 =	sadd.s32 $0x40, s15;
	s24 =	simm.s32 $0x12920  }
0xc8: {  	[hbm4b:s23+s3] =	stream.linear.scatter [tilespmem:s24], [sflag:$0x5], $0x80, $0x38;
	[tilespmem:$0x19E00] =	vst v63  }
0xc9: {  	s23 =	sadd.s32 $0x50, s15;
	s24 =	simm.s32 $0x129A8  }
0xca: {  	[hbm4b:s23+s3] =	stream.linear.scatter [tilespmem:s24], [sflag:$0x5], $0x80, $0x38;
	[tilespmem:$0x19E00] =	vst v63  }
0xcb: {  	s18 =	sadd.s32 $0x60, s15;
	s23 =	simm.s32 $0x12A30  }
0xcc: {  	[hbm4b:s18+s3] =	stream.linear.scatter [tilespmem:s23], [sflag:$0x5], $0x80, $0x38;
	[tilespmem:$0x19E00] =	vst v63  }
0xcd: {  	s15 =	sadd.s32 $0x70, s15;
	s24 =	simm.s32 $0x12AB8  }
0xce: {  	[hbm4b:s15+s3] =	stream.linear.scatter [tilespmem:s24], [sflag:$0x5], $0x80, $0x38;
	[tilespmem:$0x19E00] =	vst v63  }
0xcf: {  	s22 =	simm.s32 $0x12B40;
	s15 =	sadd.s32 s21, s12  }
0xd0: {  	[hbm4b:s15+s3] =	stream.linear.scatter [tilespmem:s22], [sflag:$0x5], $0x80, $0x38;
	[tilespmem:$0x19E00] =	vst v63  }
0xd1: {  	s24 =	simm.s32 $0x12BC8;
	s23 =	sadd.s32 $0x10, s15  }
0xd2: {  	[hbm4b:s23+s3] =	stream.linear.scatter [tilespmem:s24], [sflag:$0x5], $0x80, $0x38;
	[tilespmem:$0x19E00] =	vst v63  }
0xd3: {  	s23 =	sadd.s32 $0x20, s15;
	s24 =	simm.s32 $0x12C50  }
0xd4: {  	[hbm4b:s23+s3] =	stream.linear.scatter [tilespmem:s24], [sflag:$0x5], $0x80, $0x38;
	[tilespmem:$0x19E00] =	vst v63  }
0xd5: {  	s23 =	sadd.s32 $0x30, s15;
	s24 =	simm.s32 $0x12CD8  }
0xd6: {  	[hbm4b:s23+s3] =	stream.linear.scatter [tilespmem:s24], [sflag:$0x5], $0x80, $0x38;
	[tilespmem:$0x19E00] =	vst v63  }
0xd7: {  	s23 =	sadd.s32 $0x40, s15;
	s24 =	simm.s32 $0x12D60  }
0xd8: {  	[hbm4b:s23+s3] =	stream.linear.scatter [tilespmem:s24], [sflag:$0x5], $0x80, $0x38;
	[tilespmem:$0x19E00] =	vst v63  }
0xd9: {  	s23 =	sadd.s32 $0x50, s15;
	s24 =	simm.s32 $0x12DE8  }
0xda: {  	[hbm4b:s23+s3] =	stream.linear.scatter [tilespmem:s24], [sflag:$0x5], $0x80, $0x38;
	[tilespmem:$0x19E00] =	vst v63  }
0xdb: {  	s18 =	sadd.s32 $0x60, s15;
	s23 =	simm.s32 $0x12E70  }
0xdc: {  	[hbm4b:s18+s3] =	stream.linear.scatter [tilespmem:s23], [sflag:$0x5], $0x80, $0x38;
	[tilespmem:$0x19E00] =	vst v63  }
0xdd: {  	s15 =	sadd.s32 $0x70, s15;
	s24 =	simm.s32 $0x12EF8  }
0xde: {  	[hbm4b:s15+s3] =	stream.linear.scatter [tilespmem:s24], [sflag:$0x5], $0x80, $0x38;
	[tilespmem:$0x19E00] =	vst v63  }
0xdf: {  	s22 =	simm.s32 $0x12F80;
	s15 =	sadd.s32 s21, s13  }
0xe0: {  	[hbm4b:s15+s3] =	stream.linear.scatter [tilespmem:s22], [sflag:$0x5], $0x80, $0x38;
	[tilespmem:$0x19E00] =	vst v63  }
0xe1: {  	s24 =	simm.s32 $0x13008;
	s23 =	sadd.s32 $0x10, s15  }
0xe2: {  	[hbm4b:s23+s3] =	stream.linear.scatter [tilespmem:s24], [sflag:$0x5], $0x80, $0x38;
	[tilespmem:$0x19E00] =	vst v63  }
0xe3: {  	s23 =	sadd.s32 $0x20, s15;
	s24 =	simm.s32 $0x13090  }
0xe4: {  	[hbm4b:s23+s3] =	stream.linear.scatter [tilespmem:s24], [sflag:$0x5], $0x80, $0x38;
	[tilespmem:$0x19E00] =	vst v63  }
0xe5: {  	s23 =	sadd.s32 $0x30, s15;
	s24 =	simm.s32 $0x13118  }
0xe6: {  	[hbm4b:s23+s3] =	stream.linear.scatter [tilespmem:s24], [sflag:$0x5], $0x80, $0x38;
	[tilespmem:$0x19E00] =	vst v63  }
0xe7: {  	s23 =	sadd.s32 $0x40, s15;
	s24 =	simm.s32 $0x131A0  }
0xe8: {  	[hbm4b:s23+s3] =	stream.linear.scatter [tilespmem:s24], [sflag:$0x5], $0x80, $0x38;
	[tilespmem:$0x19E00] =	vst v63  }
0xe9: {  	s23 =	sadd.s32 $0x50, s15;
	s24 =	simm.s32 $0x13228  }
0xea: {  	[hbm4b:s23+s3] =	stream.linear.scatter [tilespmem:s24], [sflag:$0x5], $0x80, $0x38;
	[tilespmem:$0x19E00] =	vst v63  }
0xeb: {  	s23 =	sadd.s32 $0x60, s15;
	s24 =	simm.s32 $0x132B0  }
0xec: {  	[hbm4b:s23+s3] =	stream.linear.scatter [tilespmem:s24], [sflag:$0x5], $0x80, $0x38;
	[tilespmem:$0x19E00] =	vst v63  }
0xed: {  	s22 =	simm.s32 $0x13338;
	s15 =	sadd.s32 $0x70, s15  }
0xee: {  	[hbm4b:s15+s3] =	stream.linear.scatter [tilespmem:s22], [sflag:$0x5], $0x80, $0x38;
	[tilespmem:$0x19E00] =	vst v63  }
0xef: {  	s23 =	simm.s32 $0x133C0;
	s15 =	sadd.s32 s21, s14  }
0xf0: {  	[hbm4b:s15+s3] =	stream.linear.scatter [tilespmem:s23], [sflag:$0x5], $0x80, $0x38;
	[tilespmem:$0x19E00] =	vst v63  }
0xf1: {  	s24 =	simm.s32 $0x13448;
	s21 =	sadd.s32 $0x10, s15  }
0xf2: {  	[hbm4b:s21+s3] =	stream.linear.scatter [tilespmem:s24], [sflag:$0x5], $0x80, $0x38;
	[tilespmem:$0x19E00] =	vst v63  }
0xf3: {  	s22 =	simm.s32 $0x134D0;
	s18 =	sadd.s32 $0x20, s15  }
0xf4: {  	[hbm4b:s18+s3] =	stream.linear.scatter [tilespmem:s22], [sflag:$0x5], $0x80, $0x38;
	[tilespmem:$0x19E00] =	vst v63  }
0xf5: {  	s23 =	sadd.s32 $0x30, s15;
	s24 =	simm.s32 $0x13558  }
0xf6: {  	[hbm4b:s23+s3] =	stream.linear.scatter [tilespmem:s24], [sflag:$0x5], $0x80, $0x38;
	[tilespmem:$0x19E00] =	vst v63  }
0xf7: {  	s18 =	sadd.s32 $0x40, s15;
	s22 =	simm.s32 $0x135E0  }
0xf8: {  	[hbm4b:s18+s3] =	stream.linear.scatter [tilespmem:s22], [sflag:$0x5], $0x80, $0x38;
	[tilespmem:$0x19E00] =	vst v63  }
0xf9: {  	s23 =	sadd.s32 $0x50, s15;
	s24 =	simm.s32 $0x13668  }
0xfa: {  	[hbm4b:s23+s3] =	stream.linear.scatter [tilespmem:s24], [sflag:$0x5], $0x80, $0x38;
	[tilespmem:$0x19E00] =	vst v63  }
0xfb: {  	s22 =	sadd.s32 $0x60, s15;
	s23 =	simm.s32 $0x136F0  }
0xfc: {  	[hbm4b:s22+s3] =	stream.linear.scatter [tilespmem:s23], [sflag:$0x5], $0x80, $0x38;
	[tilespmem:$0x19E00] =	vst v63  }
0xfd: {  	p1 =	seq.s32 s19, $0x31;
	s15 =	sadd.s32 $0x70, s15;
	s24 =	simm.s32 $0x13778  }
0xfe: {  	[hbm4b:s15+s3] =	stream.linear.scatter [tilespmem:s24], [sflag:$0x5], $0x80, $0x38;
	[tilespmem:$0x19E00] =	vst v63  }
0xff: {  	s15 =	sshll.u32 @!p1 s19, $0x9  }
0x100: {  	s21 =	sand.u32 @!p1 $0x3FFFFE00, s15  }
0x101: {  	s22 =	simm.s32 @!p1 $0x80;
	s23 =	simm.s32 @!p1 $0x9600;
	s15 =	sadd.s32 @!p1 $0x200, s21  }
0x102: {  	[tilespmem:s23], [sflag:$0x1] =	stream.indirect.gather @!p1 [hbm4b:s4+s22], $0x40, s15, s22, $0xb8;
	[tilespmem:$0x19E00] =	vst v63  }
0x103: {  	_ =	swait.ge [sflag:s5], $0x2000  }
0x104: {  	[sflag:s5] =	ssyncset.done $0x0  }
0x105: {  	s15 =	simm.s32 @!p0 $0x6;
	[sflag:s5] =	ssyncadd.s32 $0xFFFFE000  }
0x106: {  	s22 =	sor.u32 $0x1, s20;
	_ =	swait.ge @!p0 [sflag:s15], $0x2000  }
0x107: {  	s18 =	sshll.u32 s22, $0x6;
	[sflag:s15] =	ssyncset.done @!p0 $0x0  }
0x108: {  	s24 =	sand.u32 $0x3FFFFFC0, s18;
	[sflag:s15] =	ssyncadd.s32 @!p0 $0xFFFFE000  }
0x109: {  	v19 =	vld [tilespmem:s24+$0x6400]  }
0x10a: {  	v18 =	vld [tilespmem:s24+$0x6410]  }
0x10b: {  	v17 =	vld [tilespmem:s24+$0x6420]  }
0x10c: {  	s23 =	simm.s32 $0xB6F0;
	v16 =	vld [tilespmem:s24+$0x6430]  }
0x10d: {  	v52 =	vld [tilespmem:s23+$0xFFFFFFE0]  }
0x10e: {  	s18 =	simm.s32 $0x0;
	v31 =	vld [tilespmem:s23+$0xFFFFFFD0]  }
0x10f: {  	v20 =	vmov s18;
	v29 =	vld [tilespmem:s23+$0xFFFFFFC0]  }
0x110: {  	s18 =	simm.s32 $0x2;
	v20 =	vand.u32 $0x7C, v20;
	v24 =	vld [tilespmem:s23+$0xFFFFFFA0]  }
0x111: {  	v28 =	vmov s18;
	v39 =	vadd.s32 v4, v20;
	s24 =	simm.s32 $0x1;
	v27 =	vld [tilespmem:s23+$0xFFFFFFB0]  }
0x112: {  	v54 =	vadd.s32 v5, v20;
	v21 =	vadd.s32 v7, v20;
	v53 =	vld [tilespmem:s23+$0xFFFFFF30];
	v22 =	vmov s24  }
0x113: {  	v25 =	vadd.s32 v6, v20;
	v57 =	vand.u32 $0x7E, v28;
	v56 =	vld [tilespmem:s23+$0xFFFFFF10];
	s24 =	simm.s32 $0x3;
	v23 =	vand.u32 $0x7D, v22  }
0x114: {  	v55 =	vld [tilespmem:s23+$0xFFFFFF20];
	v48 =	vmov s24;
	v20 =	vadd.s32 v7, v23;
	v22 =	vadd.s32 v5, v23  }
0x115: {  	v58 =	vld [tilespmem:s23+$0x0];
	v26 =	vadd.s32 v4, v23;
	v23 =	vadd.s32 v6, v23;
	v48 =	vand.u32 $0x7F, v48  }
0x116: {  	v59 =	vld [tilespmem:s23+$0xFFFFFF40];
	v37 =	vadd.s32 v6, v48;
	v40 =	vadd.s32 v5, v48;
	v28 =	vmul.f32 $8.000000000e+00, v24  }
0x117: {  	v61 =	vld [tilespmem:s23+$0xFFFFFF50];
	v24 =	vadd.s32 v4, v57;
	v30 =	vmul.f32 $8.000000000e+00, v27;
	v60 =	vmul.f32 $8.000000000e+00, v53  }
0x118: {  	v63 =	vld [tilespmem:s23+$0xFFFFFF60];
	v27 =	vadd.s32 v5, v57;
	v32 =	vmul.f32 $8.000000000e+00, v29;
	v35 =	vmul.f32 $8.000000000e+00, v56  }
0x119: {  	v38 =	vld [tilespmem:s23+$0xFFFFFFF0];
	v29 =	vadd.s32 v6, v57;
	v62 =	vmul.f32 $8.000000000e+00, v55;
	v34 =	vmul.f32 $8.000000000e+00, v31  }
0x11a: {  	v43 =	vld [tilespmem:s23+$0xFFFFFF70];
	v31 =	vadd.s32 v7, v57;
	v36 =	vmul.f32 $8.000000000e+00, v52;
	v49 =	vadd.f32 v35, v19  }
0x11b: {  	v41 =	vld [tilespmem:s23+$0xFFFFFF80];
	v33 =	vmul.f32 $8.000000000e+00, v58;
	v51 =	vmul.f32 $8.000000000e+00, v59;
	v50 =	vadd.f32 v62, v18  }
0x11c: {  	v42 =	vld [tilespmem:s23+$0xFFFFFF90];
	v44 =	vmul.f32 $8.000000000e+00, v61;
	v35 =	vadd.s32 v7, v48;
	v45 =	vadd.f32 v60, v17;
	[tilespmem:v39+s28+$0x0] =	vst.idx.msk $0xffff, v49  }
0x11d: {  	s24 =	simm.s32 $0x4;
	v46 =	vmul.f32 $8.000000000e+00, v63;
	v47 =	vadd.f32 v51, v16;
	v39 =	vadd.s32 v4, v48;
	[tilespmem:v54+s28+$0x0] =	vst.idx.msk $0xffff, v50  }
.LBB2_5:
0x11e: {  	p2 =	sne.s32 s24, $0x7C  }
0x11f: {  	v43 =	vmul.f32 $8.000000000e+00, v43;
	v38 =	vmul.f32 $8.000000000e+00, v38;
	v44 =	vadd.f32 v44, v19;
	[tilespmem:v25+s28+$0x0] =	vst.idx.msk $0xffff, v45;
	s23 =	sadd.s32 $0x100, s23;
	s15 =	smov.u32 s24;
	s24 =	sadd.s32 $0x4, s24  }
0x120: {  	v25 =	vmul.f32 $8.000000000e+00, v41;
	v41 =	vadd.f32 v46, v18;
	[tilespmem:v21+s28+$0x0] =	vst.idx.msk $0xffff, v47  }
0x121: {  	v21 =	vmul.f32 $8.000000000e+00, v42;
	v42 =	vadd.f32 v43, v17;
	[tilespmem:v26+s28+$0x0] =	vst.idx.msk $0xffff, v44  }
0x122: {  	v25 =	vadd.f32 v25, v16;
	[tilespmem:v22+s28+$0x0] =	vst.idx.msk $0xffff, v41  }
0x123: {  	v21 =	vadd.f32 v21, v19;
	[tilespmem:v23+s28+$0x0] =	vst.idx.msk $0xffff, v42  }
0x124: {  	v22 =	vadd.f32 v28, v18;
	[tilespmem:v20+s28+$0x0] =	vst.idx.msk $0xffff, v25  }
0x125: {  	v20 =	vadd.f32 v30, v17;
	[tilespmem:v24+s28+$0x0] =	vst.idx.msk $0xffff, v21  }
0x126: {  	v21 =	vadd.f32 v32, v16;
	[tilespmem:v27+s28+$0x0] =	vst.idx.msk $0xffff, v22  }
0x127: {  	v22 =	vadd.f32 v34, v19;
	[tilespmem:v29+s28+$0x0] =	vst.idx.msk $0xffff, v20  }
0x128: {  	v20 =	vadd.f32 v36, v18;
	[tilespmem:v31+s28+$0x0] =	vst.idx.msk $0xffff, v21  }
0x129: {  	v23 =	vadd.f32 v38, v17;
	v21 =	vmov s15;
	[tilespmem:v39+s28+$0x0] =	vst.idx.msk $0xffff, v22  }
0x12a: {  	v24 =	vadd.f32 v33, v16;
	v22 =	vand.u32 $0x7C, v21;
	[tilespmem:v40+s28+$0x0] =	vst.idx.msk $0xffff, v20  }
0x12b: {  	v39 =	vadd.s32 v4, v22;
	[tilespmem:v37+s28+$0x0] =	vst.idx.msk $0xffff, v23  }
0x12c: {  	s18 =	sadd.s32 $0x1, s15;
	v40 =	vadd.s32 v5, v22;
	v21 =	vadd.s32 v7, v22;
	[tilespmem:v35+s28+$0x0] =	vst.idx.msk $0xffff, v24  }
0x12d: {  	v20 =	vmov s18;
	v25 =	vadd.s32 v6, v22;
	v33 =	vld [tilespmem:s23+$0xFFFFFFE0]  }
0x12e: {  	v23 =	vand.u32 $0x7D, v20;
	v31 =	vld [tilespmem:s23+$0xFFFFFFD0]  }
0x12f: {  	v20 =	vadd.s32 v7, v23;
	v29 =	vld [tilespmem:s23+$0xFFFFFFC0]  }
0x130: {  	s18 =	sadd.s32 $0x2, s15;
	v22 =	vadd.s32 v5, v23;
	v24 =	vld [tilespmem:s23+$0xFFFFFFA0]  }
0x131: {  	v26 =	vadd.s32 v4, v23;
	v27 =	vld [tilespmem:s23+$0xFFFFFFB0]  }
0x132: {  	v23 =	vadd.s32 v6, v23;
	v32 =	vld [tilespmem:s23+$0xFFFFFF30]  }
0x133: {  	v28 =	vmov s18;
	v34 =	vld [tilespmem:s23+$0xFFFFFF20]  }
0x134: {  	v36 =	vand.u32 $0x7E, v28;
	v35 =	vld [tilespmem:s23+$0xFFFFFF10]  }
0x135: {  	v37 =	vld [tilespmem:s23+$0x0];
	v28 =	vmul.f32 $8.000000000e+00, v24;
	v24 =	vadd.s32 v4, v36  }
0x136: {  	s15 =	sadd.s32 $0x3, s15;
	v38 =	vld [tilespmem:s23+$0xFFFFFFF0];
	v30 =	vmul.f32 $8.000000000e+00, v27;
	v27 =	vadd.s32 v5, v36  }
0x137: {  	v44 =	vld [tilespmem:s23+$0xFFFFFF40];
	v45 =	vmul.f32 $8.000000000e+00, v32;
	v32 =	vmul.f32 $8.000000000e+00, v29;
	v29 =	vadd.s32 v6, v36  }
0x138: {  	v46 =	vld [tilespmem:s23+$0xFFFFFF50];
	v42 =	vmul.f32 $8.000000000e+00, v34;
	v34 =	vmul.f32 $8.000000000e+00, v31;
	v31 =	vadd.s32 v7, v36  }
0x139: {  	v36 =	vmul.f32 $8.000000000e+00, v33;
	v47 =	vld [tilespmem:s23+$0xFFFFFF60];
	v35 =	vmul.f32 $8.000000000e+00, v35  }
.Ltmp3:
0x13a: {  	v48 =	vmov s15;
	v43 =	vld [tilespmem:s23+$0xFFFFFF70];
	v33 =	vmul.f32 $8.000000000e+00, v37;
	(pc) =	sbr.rel @p2 .LBB2_5-.Ltmp3, $4  }
0x13b: {  	v48 =	vand.u32 $0x7F, v48;
	v50 =	vadd.f32 v42, v18;
	v41 =	vld [tilespmem:s23+$0xFFFFFF80];
	v49 =	vadd.f32 v35, v19  }
0x13c: {  	v37 =	vadd.s32 v6, v48;
	v35 =	vadd.s32 v7, v48;
	v42 =	vld [tilespmem:s23+$0xFFFFFF90];
	v51 =	vmul.f32 $8.000000000e+00, v44  }
0x13d: {  	v45 =	vadd.f32 v45, v17;
	v44 =	vmul.f32 $8.000000000e+00, v46;
	[tilespmem:v39+s28+$0x0] =	vst.idx.msk $0xffff, v49;
	v39 =	vadd.s32 v4, v48  }
0x13e: {  	v46 =	vmul.f32 $8.000000000e+00, v47;
	v47 =	vadd.f32 v51, v16;
	[tilespmem:v40+s28+$0x0] =	vst.idx.msk $0xffff, v50;
	v40 =	vadd.s32 v5, v48  }
0x13f: {  	_ =	sdelay $0x3  }
0x140: {  	v43 =	vmul.f32 $8.000000000e+00, v43;
	v44 =	vadd.f32 v44, v19;
	[tilespmem:v25+s28+$0x0] =	vst.idx.msk $0xffff, v45  }
0x141: {  	v25 =	vmul.f32 $8.000000000e+00, v41;
	v55 =	vadd.f32 v46, v18;
	[tilespmem:v21+s28+$0x0] =	vst.idx.msk $0xffff, v47  }
0x142: {  	v21 =	vmul.f32 $8.000000000e+00, v42;
	v56 =	vadd.f32 v43, v17;
	[tilespmem:v26+s28+$0x0] =	vst.idx.msk $0xffff, v44  }
0x143: {  	v25 =	vadd.f32 v25, v16;
	[tilespmem:v22+s28+$0x0] =	vst.idx.msk $0xffff, v55  }
0x144: {  	v21 =	vadd.f32 v21, v19;
	[tilespmem:v23+s28+$0x0] =	vst.idx.msk $0xffff, v56  }
0x145: {  	v22 =	vadd.f32 v28, v18;
	[tilespmem:v20+s28+$0x0] =	vst.idx.msk $0xffff, v25  }
0x146: {  	v20 =	vadd.f32 v30, v17;
	[tilespmem:v24+s28+$0x0] =	vst.idx.msk $0xffff, v21  }
0x147: {  	v21 =	vadd.f32 v32, v16;
	[tilespmem:v27+s28+$0x0] =	vst.idx.msk $0xffff, v22  }
0x148: {  	v19 =	vadd.f32 v34, v19;
	v22 =	vmul.f32 $8.000000000e+00, v38;
	[tilespmem:v29+s28+$0x0] =	vst.idx.msk $0xffff, v20  }
0x149: {  	v18 =	vadd.f32 v36, v18;
	[tilespmem:v31+s28+$0x0] =	vst.idx.msk $0xffff, v21  }
0x14a: {  	s15 =	sshll.u32 s22, $0x12;
	v17 =	vadd.f32 v22, v17;
	[tilespmem:v39+s28+$0x0] =	vst.idx.msk $0xffff, v19  }
0x14b: {  	s15 =	sor.u32 s7, s15;
	v16 =	vadd.f32 v33, v16;
	[tilespmem:v40+s28+$0x0] =	vst.idx.msk $0xffff, v18  }
0x14c: {  	s22 =	sshrl.u32 s15, $0x3;
	[tilespmem:v37+s28+$0x0] =	vst.idx.msk $0xffff, v17  }
0x14d: {  	s18 =	simm.s32 $0x13800;
	s15 =	sadd.s32 s2, s22;
	[tilespmem:v35+s28+$0x0] =	vst.idx.msk $0xffff, v16  }
0x14e: {  	[hbm4b:s15+s3] =	stream.linear.scatter [tilespmem:s18], [sflag:$0x6], $0x80, $0x38;
	[tilespmem:$0x19E00] =	vst v63  }
0x14f: {  	s23 =	simm.s32 $0x13888;
	s24 =	sadd.s32 $0x10, s15  }
0x150: {  	[hbm4b:s24+s3] =	stream.linear.scatter [tilespmem:s23], [sflag:$0x6], $0x80, $0x38;
	[tilespmem:$0x19E00] =	vst v63  }
0x151: {  	s23 =	sadd.s32 $0x20, s15;
	s24 =	simm.s32 $0x13910  }
0x152: {  	[hbm4b:s23+s3] =	stream.linear.scatter [tilespmem:s24], [sflag:$0x6], $0x80, $0x38;
	[tilespmem:$0x19E00] =	vst v63  }
0x153: {  	s23 =	sadd.s32 $0x30, s15;
	s24 =	simm.s32 $0x13998  }
0x154: {  	[hbm4b:s23+s3] =	stream.linear.scatter [tilespmem:s24], [sflag:$0x6], $0x80, $0x38;
	[tilespmem:$0x19E00] =	vst v63  }
0x155: {  	s23 =	sadd.s32 $0x40, s15;
	s24 =	simm.s32 $0x13A20  }
0x156: {  	[hbm4b:s23+s3] =	stream.linear.scatter [tilespmem:s24], [sflag:$0x6], $0x80, $0x38;
	[tilespmem:$0x19E00] =	vst v63  }
0x157: {  	s23 =	sadd.s32 $0x50, s15;
	s24 =	simm.s32 $0x13AA8  }
0x158: {  	[hbm4b:s23+s3] =	stream.linear.scatter [tilespmem:s24], [sflag:$0x6], $0x80, $0x38;
	[tilespmem:$0x19E00] =	vst v63  }
0x159: {  	s23 =	sadd.s32 $0x60, s15;
	s24 =	simm.s32 $0x13B30  }
0x15a: {  	[hbm4b:s23+s3] =	stream.linear.scatter [tilespmem:s24], [sflag:$0x6], $0x80, $0x38;
	[tilespmem:$0x19E00] =	vst v63  }
0x15b: {  	s15 =	sadd.s32 $0x70, s15;
	s23 =	simm.s32 $0x13BB8  }
0x15c: {  	[hbm4b:s15+s3] =	stream.linear.scatter [tilespmem:s23], [sflag:$0x6], $0x80, $0x38;
	[tilespmem:$0x19E00] =	vst v63  }
0x15d: {  	s24 =	simm.s32 $0x13C40;
	s15 =	sadd.s32 s22, s8  }
0x15e: {  	[hbm4b:s15+s3] =	stream.linear.scatter [tilespmem:s24], [sflag:$0x6], $0x80, $0x38;
	[tilespmem:$0x19E00] =	vst v63  }
0x15f: {  	s23 =	sadd.s32 $0x10, s15;
	s24 =	simm.s32 $0x13CC8  }
0x160: {  	[hbm4b:s23+s3] =	stream.linear.scatter [tilespmem:s24], [sflag:$0x6], $0x80, $0x38;
	[tilespmem:$0x19E00] =	vst v63  }
0x161: {  	s23 =	sadd.s32 $0x20, s15;
	s24 =	simm.s32 $0x13D50  }
0x162: {  	[hbm4b:s23+s3] =	stream.linear.scatter [tilespmem:s24], [sflag:$0x6], $0x80, $0x38;
	[tilespmem:$0x19E00] =	vst v63  }
0x163: {  	s23 =	sadd.s32 $0x30, s15;
	s24 =	simm.s32 $0x13DD8  }
0x164: {  	[hbm4b:s23+s3] =	stream.linear.scatter [tilespmem:s24], [sflag:$0x6], $0x80, $0x38;
	[tilespmem:$0x19E00] =	vst v63  }
0x165: {  	s23 =	sadd.s32 $0x40, s15;
	s24 =	simm.s32 $0x13E60  }
0x166: {  	[hbm4b:s23+s3] =	stream.linear.scatter [tilespmem:s24], [sflag:$0x6], $0x80, $0x38;
	[tilespmem:$0x19E00] =	vst v63  }
0x167: {  	s23 =	sadd.s32 $0x50, s15;
	s24 =	simm.s32 $0x13EE8  }
0x168: {  	[hbm4b:s23+s3] =	stream.linear.scatter [tilespmem:s24], [sflag:$0x6], $0x80, $0x38;
	[tilespmem:$0x19E00] =	vst v63  }
0x169: {  	s23 =	sadd.s32 $0x60, s15;
	s24 =	simm.s32 $0x13F70  }
0x16a: {  	[hbm4b:s23+s3] =	stream.linear.scatter [tilespmem:s24], [sflag:$0x6], $0x80, $0x38;
	[tilespmem:$0x19E00] =	vst v63  }
0x16b: {  	s15 =	sadd.s32 $0x70, s15;
	s23 =	simm.s32 $0x13FF8  }
0x16c: {  	[hbm4b:s15+s3] =	stream.linear.scatter [tilespmem:s23], [sflag:$0x6], $0x80, $0x38;
	[tilespmem:$0x19E00] =	vst v63  }
0x16d: {  	s24 =	simm.s32 $0x14080;
	s15 =	sadd.s32 s22, s9  }
0x16e: {  	[hbm4b:s15+s3] =	stream.linear.scatter [tilespmem:s24], [sflag:$0x6], $0x80, $0x38;
	[tilespmem:$0x19E00] =	vst v63  }
0x16f: {  	s23 =	sadd.s32 $0x10, s15;
	s24 =	simm.s32 $0x14108  }
0x170: {  	[hbm4b:s23+s3] =	stream.linear.scatter [tilespmem:s24], [sflag:$0x6], $0x80, $0x38;
	[tilespmem:$0x19E00] =	vst v63  }
0x171: {  	s23 =	sadd.s32 $0x20, s15;
	s24 =	simm.s32 $0x14190  }
0x172: {  	[hbm4b:s23+s3] =	stream.linear.scatter [tilespmem:s24], [sflag:$0x6], $0x80, $0x38;
	[tilespmem:$0x19E00] =	vst v63  }
0x173: {  	s23 =	sadd.s32 $0x30, s15;
	s24 =	simm.s32 $0x14218  }
0x174: {  	[hbm4b:s23+s3] =	stream.linear.scatter [tilespmem:s24], [sflag:$0x6], $0x80, $0x38;
	[tilespmem:$0x19E00] =	vst v63  }
0x175: {  	s23 =	sadd.s32 $0x40, s15;
	s24 =	simm.s32 $0x142A0  }
0x176: {  	[hbm4b:s23+s3] =	stream.linear.scatter [tilespmem:s24], [sflag:$0x6], $0x80, $0x38;
	[tilespmem:$0x19E00] =	vst v63  }
0x177: {  	s23 =	sadd.s32 $0x50, s15;
	s24 =	simm.s32 $0x14328  }
0x178: {  	[hbm4b:s23+s3] =	stream.linear.scatter [tilespmem:s24], [sflag:$0x6], $0x80, $0x38;
	[tilespmem:$0x19E00] =	vst v63  }
0x179: {  	s23 =	sadd.s32 $0x60, s15;
	s24 =	simm.s32 $0x143B0  }
0x17a: {  	[hbm4b:s23+s3] =	stream.linear.scatter [tilespmem:s24], [sflag:$0x6], $0x80, $0x38;
	[tilespmem:$0x19E00] =	vst v63  }
0x17b: {  	s15 =	sadd.s32 $0x70, s15;
	s23 =	simm.s32 $0x14438  }
0x17c: {  	[hbm4b:s15+s3] =	stream.linear.scatter [tilespmem:s23], [sflag:$0x6], $0x80, $0x38;
	[tilespmem:$0x19E00] =	vst v63  }
0x17d: {  	s24 =	simm.s32 $0x144C0;
	s15 =	sadd.s32 s22, s10  }
0x17e: {  	[hbm4b:s15+s3] =	stream.linear.scatter [tilespmem:s24], [sflag:$0x6], $0x80, $0x38;
	[tilespmem:$0x19E00] =	vst v63  }
0x17f: {  	s23 =	sadd.s32 $0x10, s15;
	s24 =	simm.s32 $0x14548  }
0x180: {  	[hbm4b:s23+s3] =	stream.linear.scatter [tilespmem:s24], [sflag:$0x6], $0x80, $0x38;
	[tilespmem:$0x19E00] =	vst v63  }
0x181: {  	s23 =	sadd.s32 $0x20, s15;
	s24 =	simm.s32 $0x145D0  }
0x182: {  	[hbm4b:s23+s3] =	stream.linear.scatter [tilespmem:s24], [sflag:$0x6], $0x80, $0x38;
	[tilespmem:$0x19E00] =	vst v63  }
0x183: {  	s23 =	sadd.s32 $0x30, s15;
	s24 =	simm.s32 $0x14658  }
0x184: {  	[hbm4b:s23+s3] =	stream.linear.scatter [tilespmem:s24], [sflag:$0x6], $0x80, $0x38;
	[tilespmem:$0x19E00] =	vst v63  }
0x185: {  	s23 =	sadd.s32 $0x40, s15;
	s24 =	simm.s32 $0x146E0  }
0x186: {  	[hbm4b:s23+s3] =	stream.linear.scatter [tilespmem:s24], [sflag:$0x6], $0x80, $0x38;
	[tilespmem:$0x19E00] =	vst v63  }
0x187: {  	s23 =	sadd.s32 $0x50, s15;
	s24 =	simm.s32 $0x14768  }
0x188: {  	[hbm4b:s23+s3] =	stream.linear.scatter [tilespmem:s24], [sflag:$0x6], $0x80, $0x38;
	[tilespmem:$0x19E00] =	vst v63  }
0x189: {  	s23 =	sadd.s32 $0x60, s15;
	s24 =	simm.s32 $0x147F0  }
0x18a: {  	[hbm4b:s23+s3] =	stream.linear.scatter [tilespmem:s24], [sflag:$0x6], $0x80, $0x38;
	[tilespmem:$0x19E00] =	vst v63  }
0x18b: {  	s15 =	sadd.s32 $0x70, s15;
	s23 =	simm.s32 $0x14878  }
0x18c: {  	[hbm4b:s15+s3] =	stream.linear.scatter [tilespmem:s23], [sflag:$0x6], $0x80, $0x38;
	[tilespmem:$0x19E00] =	vst v63  }
0x18d: {  	s24 =	simm.s32 $0x14900;
	s15 =	sadd.s32 s22, s11  }
0x18e: {  	[hbm4b:s15+s3] =	stream.linear.scatter [tilespmem:s24], [sflag:$0x6], $0x80, $0x38;
	[tilespmem:$0x19E00] =	vst v63  }
0x18f: {  	s23 =	sadd.s32 $0x10, s15;
	s24 =	simm.s32 $0x14988  }
0x190: {  	[hbm4b:s23+s3] =	stream.linear.scatter [tilespmem:s24], [sflag:$0x6], $0x80, $0x38;
	[tilespmem:$0x19E00] =	vst v63  }
0x191: {  	s23 =	sadd.s32 $0x20, s15;
	s24 =	simm.s32 $0x14A10  }
0x192: {  	[hbm4b:s23+s3] =	stream.linear.scatter [tilespmem:s24], [sflag:$0x6], $0x80, $0x38;
	[tilespmem:$0x19E00] =	vst v63  }
0x193: {  	s23 =	sadd.s32 $0x30, s15;
	s24 =	simm.s32 $0x14A98  }
0x194: {  	[hbm4b:s23+s3] =	stream.linear.scatter [tilespmem:s24], [sflag:$0x6], $0x80, $0x38;
	[tilespmem:$0x19E00] =	vst v63  }
0x195: {  	s23 =	sadd.s32 $0x40, s15;
	s24 =	simm.s32 $0x14B20  }
0x196: {  	[hbm4b:s23+s3] =	stream.linear.scatter [tilespmem:s24], [sflag:$0x6], $0x80, $0x38;
	[tilespmem:$0x19E00] =	vst v63  }
0x197: {  	s23 =	sadd.s32 $0x50, s15;
	s24 =	simm.s32 $0x14BA8  }
0x198: {  	[hbm4b:s23+s3] =	stream.linear.scatter [tilespmem:s24], [sflag:$0x6], $0x80, $0x38;
	[tilespmem:$0x19E00] =	vst v63  }
0x199: {  	s23 =	sadd.s32 $0x60, s15;
	s24 =	simm.s32 $0x14C30  }
0x19a: {  	[hbm4b:s23+s3] =	stream.linear.scatter [tilespmem:s24], [sflag:$0x6], $0x80, $0x38;
	[tilespmem:$0x19E00] =	vst v63  }
0x19b: {  	s15 =	sadd.s32 $0x70, s15;
	s23 =	simm.s32 $0x14CB8  }
0x19c: {  	[hbm4b:s15+s3] =	stream.linear.scatter [tilespmem:s23], [sflag:$0x6], $0x80, $0x38;
	[tilespmem:$0x19E00] =	vst v63  }
0x19d: {  	s24 =	simm.s32 $0x14D40;
	s15 =	sadd.s32 s22, s12  }
0x19e: {  	[hbm4b:s15+s3] =	stream.linear.scatter [tilespmem:s24], [sflag:$0x6], $0x80, $0x38;
	[tilespmem:$0x19E00] =	vst v63  }
0x19f: {  	s23 =	sadd.s32 $0x10, s15;
	s24 =	simm.s32 $0x14DC8  }
0x1a0: {  	[hbm4b:s23+s3] =	stream.linear.scatter [tilespmem:s24], [sflag:$0x6], $0x80, $0x38;
	[tilespmem:$0x19E00] =	vst v63  }
0x1a1: {  	s23 =	sadd.s32 $0x20, s15;
	s24 =	simm.s32 $0x14E50  }
0x1a2: {  	[hbm4b:s23+s3] =	stream.linear.scatter [tilespmem:s24], [sflag:$0x6], $0x80, $0x38;
	[tilespmem:$0x19E00] =	vst v63  }
0x1a3: {  	s23 =	sadd.s32 $0x30, s15;
	s24 =	simm.s32 $0x14ED8  }
0x1a4: {  	[hbm4b:s23+s3] =	stream.linear.scatter [tilespmem:s24], [sflag:$0x6], $0x80, $0x38;
	[tilespmem:$0x19E00] =	vst v63  }
0x1a5: {  	s23 =	sadd.s32 $0x40, s15;
	s24 =	simm.s32 $0x14F60  }
0x1a6: {  	[hbm4b:s23+s3] =	stream.linear.scatter [tilespmem:s24], [sflag:$0x6], $0x80, $0x38;
	[tilespmem:$0x19E00] =	vst v63  }
0x1a7: {  	s23 =	sadd.s32 $0x50, s15;
	s24 =	simm.s32 $0x14FE8  }
0x1a8: {  	[hbm4b:s23+s3] =	stream.linear.scatter [tilespmem:s24], [sflag:$0x6], $0x80, $0x38;
	[tilespmem:$0x19E00] =	vst v63  }
0x1a9: {  	s23 =	sadd.s32 $0x60, s15;
	s24 =	simm.s32 $0x15070  }
0x1aa: {  	[hbm4b:s23+s3] =	stream.linear.scatter [tilespmem:s24], [sflag:$0x6], $0x80, $0x38;
	[tilespmem:$0x19E00] =	vst v63  }
0x1ab: {  	s15 =	sadd.s32 $0x70, s15;
	s23 =	simm.s32 $0x150F8  }
0x1ac: {  	[hbm4b:s15+s3] =	stream.linear.scatter [tilespmem:s23], [sflag:$0x6], $0x80, $0x38;
	[tilespmem:$0x19E00] =	vst v63  }
0x1ad: {  	s24 =	simm.s32 $0x15180;
	s15 =	sadd.s32 s22, s13  }
0x1ae: {  	[hbm4b:s15+s3] =	stream.linear.scatter [tilespmem:s24], [sflag:$0x6], $0x80, $0x38;
	[tilespmem:$0x19E00] =	vst v63  }
0x1af: {  	s23 =	sadd.s32 $0x10, s15;
	s24 =	simm.s32 $0x15208  }
0x1b0: {  	[hbm4b:s23+s3] =	stream.linear.scatter [tilespmem:s24], [sflag:$0x6], $0x80, $0x38;
	[tilespmem:$0x19E00] =	vst v63  }
0x1b1: {  	s23 =	sadd.s32 $0x20, s15;
	s24 =	simm.s32 $0x15290  }
0x1b2: {  	[hbm4b:s23+s3] =	stream.linear.scatter [tilespmem:s24], [sflag:$0x6], $0x80, $0x38;
	[tilespmem:$0x19E00] =	vst v63  }
0x1b3: {  	s23 =	sadd.s32 $0x30, s15;
	s24 =	simm.s32 $0x15318  }
0x1b4: {  	[hbm4b:s23+s3] =	stream.linear.scatter [tilespmem:s24], [sflag:$0x6], $0x80, $0x38;
	[tilespmem:$0x19E00] =	vst v63  }
0x1b5: {  	s23 =	sadd.s32 $0x40, s15;
	s24 =	simm.s32 $0x153A0  }
0x1b6: {  	[hbm4b:s23+s3] =	stream.linear.scatter [tilespmem:s24], [sflag:$0x6], $0x80, $0x38;
	[tilespmem:$0x19E00] =	vst v63  }
0x1b7: {  	s23 =	sadd.s32 $0x50, s15;
	s24 =	simm.s32 $0x15428  }
0x1b8: {  	[hbm4b:s23+s3] =	stream.linear.scatter [tilespmem:s24], [sflag:$0x6], $0x80, $0x38;
	[tilespmem:$0x19E00] =	vst v63  }
0x1b9: {  	s23 =	sadd.s32 $0x60, s15;
	s24 =	simm.s32 $0x154B0  }
0x1ba: {  	[hbm4b:s23+s3] =	stream.linear.scatter [tilespmem:s24], [sflag:$0x6], $0x80, $0x38;
	[tilespmem:$0x19E00] =	vst v63  }
0x1bb: {  	s15 =	sadd.s32 $0x70, s15;
	s24 =	simm.s32 $0x15538  }
0x1bc: {  	[hbm4b:s15+s3] =	stream.linear.scatter [tilespmem:s24], [sflag:$0x6], $0x80, $0x38;
	[tilespmem:$0x19E00] =	vst v63  }
0x1bd: {  	s15 =	sadd.s32 s22, s14;
	s22 =	simm.s32 $0x155C0  }
0x1be: {  	[hbm4b:s15+s3] =	stream.linear.scatter [tilespmem:s22], [sflag:$0x6], $0x80, $0x38;
	[tilespmem:$0x19E00] =	vst v63  }
0x1bf: {  	s24 =	simm.s32 $0x15648;
	s23 =	sadd.s32 $0x10, s15  }
0x1c0: {  	[hbm4b:s23+s3] =	stream.linear.scatter [tilespmem:s24], [sflag:$0x6], $0x80, $0x38;
	[tilespmem:$0x19E00] =	vst v63  }
0x1c1: {  	s23 =	sadd.s32 $0x20, s15;
	s24 =	simm.s32 $0x156D0  }
0x1c2: {  	[hbm4b:s23+s3] =	stream.linear.scatter [tilespmem:s24], [sflag:$0x6], $0x80, $0x38;
	[tilespmem:$0x19E00] =	vst v63  }
0x1c3: {  	s23 =	sadd.s32 $0x30, s15;
	s24 =	simm.s32 $0x15758  }
0x1c4: {  	[hbm4b:s23+s3] =	stream.linear.scatter [tilespmem:s24], [sflag:$0x6], $0x80, $0x38;
	[tilespmem:$0x19E00] =	vst v63  }
0x1c5: {  	s23 =	sadd.s32 $0x40, s15;
	s24 =	simm.s32 $0x157E0  }
0x1c6: {  	[hbm4b:s23+s3] =	stream.linear.scatter [tilespmem:s24], [sflag:$0x6], $0x80, $0x38;
	[tilespmem:$0x19E00] =	vst v63  }
0x1c7: {  	s23 =	sadd.s32 $0x50, s15;
	s24 =	simm.s32 $0x15868  }
0x1c8: {  	[hbm4b:s23+s3] =	stream.linear.scatter [tilespmem:s24], [sflag:$0x6], $0x80, $0x38;
	[tilespmem:$0x19E00] =	vst v63  }
0x1c9: {  	s23 =	sadd.s32 $0x60, s15;
	s24 =	simm.s32 $0x158F0  }
0x1ca: {  	[hbm4b:s23+s3] =	stream.linear.scatter [tilespmem:s24], [sflag:$0x6], $0x80, $0x38;
	[tilespmem:$0x19E00] =	vst v63  }
0x1cb: {  	s15 =	sadd.s32 $0x70, s15;
	s23 =	simm.s32 $0x15978  }
0x1cc: {  	[hbm4b:s15+s3] =	stream.linear.scatter [tilespmem:s23], [sflag:$0x6], $0x80, $0x38;
	[tilespmem:$0x19E00] =	vst v63  }
0x1cd: {  	s18 =	simm.s32 @!p1 $0x80;
	s22 =	simm.s32 @!p1 $0xB600;
	s15 =	sadd.s32 @!p1 $0x280, s21  }
0x1ce: {  	[tilespmem:s22], [sflag:$0x2] =	stream.indirect.gather @!p1 [hbm4b:s4+s18], $0x40, s15, s18, $0xb8;
	[tilespmem:$0x19E00] =	vst v63  }
0x1cf: {  	_ =	swait.ge [sflag:s6], $0x2000  }
0x1d0: {  	[sflag:s6] =	ssyncset.done $0x0  }
0x1d1: {  	s15 =	simm.s32 @!p0 $0x7;
	[sflag:s6] =	ssyncadd.s32 $0xFFFFE000  }
0x1d2: {  	s22 =	sor.u32 $0x2, s20;
	_ =	swait.ge @!p0 [sflag:s15], $0x2000  }
0x1d3: {  	s24 =	sshll.u32 s22, $0x6;
	[sflag:s15] =	ssyncset.done @!p0 $0x0  }
0x1d4: {  	s23 =	sand.u32 $0x3FFFFFC0, s24;
	[sflag:s15] =	ssyncadd.s32 @!p0 $0xFFFFE000  }
0x1d5: {  	v19 =	vld [tilespmem:s23+$0x6400]  }
0x1d6: {  	v18 =	vld [tilespmem:s23+$0x6410]  }
0x1d7: {  	v17 =	vld [tilespmem:s23+$0x6420]  }
0x1d8: {  	s15 =	simm.s32 $0x0;
	v16 =	vld [tilespmem:s23+$0x6430]  }
0x1d9: {  	v25 =	vld [tilespmem:s15+$0xD6F0]  }
0x1da: {  	v24 =	vld [tilespmem:s15+$0xD6E0]  }
0x1db: {  	v22 =	vld [tilespmem:s15+$0xD6D0]  }
0x1dc: {  	v21 =	vld [tilespmem:s15+$0xD6C0]  }
0x1dd: {  	v23 =	vld [tilespmem:s15+$0xD6B0]  }
0x1de: {  	s24 =	simm.s32 $0x0;
	v31 =	vld [tilespmem:s15+$0xD630]  }
0x1df: {  	v26 =	vmov s24;
	v57 =	vld [tilespmem:s15+$0xD610]  }
0x1e0: {  	s24 =	simm.s32 $0x1;
	v27 =	vand.u32 $0x7C, v26;
	v58 =	vld [tilespmem:s15+$0xD600]  }
0x1e1: {  	v59 =	vmov s24;
	v34 =	vadd.s32 v8, v27;
	v30 =	vadd.s32 v9, v27;
	v60 =	vld [tilespmem:s15+$0xD620]  }
0x1e2: {  	v28 =	vadd.s32 v10, v27;
	v27 =	vadd.s32 v11, v27;
	v35 =	vand.u32 $0x7D, v59;
	v26 =	vld [tilespmem:s15+$0xD6A0]  }
0x1e3: {  	v32 =	vadd.s32 v9, v35;
	v33 =	vadd.s32 v10, v35;
	s23 =	simm.s32 $0x3;
	v29 =	vld [tilespmem:s15+$0xD690];
	v23 =	vmul.f32 $8.000000000e+00, v23  }
0x1e4: {  	v39 =	vld [tilespmem:s15+$0xD640];
	v20 =	vmov s23;
	v21 =	vmul.f32 $8.000000000e+00, v21;
	v36 =	vmul.f32 $8.000000000e+00, v31  }
0x1e5: {  	v40 =	vld [tilespmem:s15+$0xD650];
	v20 =	vand.u32 $0x7F, v20;
	v22 =	vmul.f32 $8.000000000e+00, v22;
	v62 =	vmul.f32 $8.000000000e+00, v58  }
0x1e6: {  	v41 =	vld [tilespmem:s15+$0xD660];
	v31 =	vadd.s32 v8, v35;
	v61 =	vmul.f32 $8.000000000e+00, v57;
	v63 =	vmul.f32 $8.000000000e+00, v60  }
0x1e7: {  	v38 =	vld [tilespmem:s15+$0xD670];
	v24 =	vmul.f32 $8.000000000e+00, v24;
	v25 =	vmul.f32 $8.000000000e+00, v25;
	v44 =	vadd.f32 v62, v19  }
0x1e8: {  	s24 =	simm.s32 $0x400;
	v37 =	vld [tilespmem:s15+$0xD680];
	v35 =	vadd.s32 v11, v35;
	v43 =	vadd.f32 v61, v18;
	v42 =	vadd.f32 v63, v17  }
.LBB2_7:
0x1e9: {  	p2 =	sne.s32 s24, $0x7C00;
	s15 =	sadd.s32 $0xFFFFFFFF, s23;
	v39 =	vmul.f32 $8.000000000e+00, v39;
	[tilespmem:v34+s28+$0x0] =	vst.idx.msk $0xffff, v44;
	s23 =	sadd.s32 $0x4, s23  }
0x1ea: {  	v36 =	vadd.f32 v36, v16;
	v34 =	vmov s15;
	v40 =	vmul.f32 $8.000000000e+00, v40;
	[tilespmem:v30+s28+$0x0] =	vst.idx.msk $0xffff, v43;
	s15 =	smov.u32 s24;
	s24 =	sadd.s32 $0x400, s24  }
0x1eb: {  	v30 =	vmul.f32 $8.000000000e+00, v41;
	v39 =	vadd.f32 v39, v19;
	[tilespmem:v28+s28+$0x0] =	vst.idx.msk $0xffff, v42;
	v28 =	vand.u32 $0x7E, v34  }
0x1ec: {  	v34 =	vmul.f32 $8.000000000e+00, v38;
	v38 =	vadd.f32 v40, v18;
	[tilespmem:v27+s28+$0x0] =	vst.idx.msk $0xffff, v36;
	v27 =	vadd.s32 v8, v28  }
0x1ed: {  	v36 =	vmul.f32 $8.000000000e+00, v37;
	v30 =	vadd.f32 v30, v17;
	[tilespmem:v31+s28+$0x0] =	vst.idx.msk $0xffff, v39;
	v31 =	vadd.s32 v9, v28  }
0x1ee: {  	v29 =	vmul.f32 $8.000000000e+00, v29;
	v34 =	vadd.f32 v34, v16;
	[tilespmem:v32+s28+$0x0] =	vst.idx.msk $0xffff, v38;
	v32 =	vadd.s32 v10, v28  }
0x1ef: {  	v26 =	vmul.f32 $8.000000000e+00, v26;
	v28 =	vadd.s32 v11, v28;
	v36 =	vadd.f32 v36, v19;
	[tilespmem:v33+s28+$0x0] =	vst.idx.msk $0xffff, v30  }
0x1f0: {  	s15 =	sshra.s32 s15, $0x2;
	v29 =	vadd.f32 v29, v18;
	v30 =	vmov s23;
	v33 =	vadd.s32 v8, v20;
	[tilespmem:v35+s28+$0x0] =	vst.idx.msk $0xffff, v34  }
0x1f1: {  	v26 =	vadd.f32 v26, v17;
	v30 =	vand.u32 $0x7F, v30;
	[tilespmem:v27+s28+$0x0] =	vst.idx.msk $0xffff, v36;
	v27 =	vadd.s32 v9, v20  }
0x1f2: {  	v23 =	vadd.f32 v23, v16;
	[tilespmem:v31+s28+$0x0] =	vst.idx.msk $0xffff, v29;
	v29 =	vadd.s32 v10, v20  }
0x1f3: {  	v21 =	vadd.f32 v21, v19;
	[tilespmem:v32+s28+$0x0] =	vst.idx.msk $0xffff, v26;
	v26 =	vadd.s32 v11, v20;
	v20 =	vmov v30  }
0x1f4: {  	v22 =	vadd.f32 v22, v18;
	[tilespmem:v28+s28+$0x0] =	vst.idx.msk $0xffff, v23  }
0x1f5: {  	v23 =	vadd.f32 v24, v17;
	[tilespmem:v33+s28+$0x0] =	vst.idx.msk $0xffff, v21  }
0x1f6: {  	v21 =	vadd.f32 v25, v16;
	[tilespmem:v27+s28+$0x0] =	vst.idx.msk $0xffff, v22  }
0x1f7: {  	[tilespmem:v29+s28+$0x0] =	vst.idx.msk $0xffff, v23  }
0x1f8: {  	s18 =	sadd.s32 $0xFFFFFFFD, s23;
	[tilespmem:v26+s28+$0x0] =	vst.idx.msk $0xffff, v21  }
0x1f9: {  	v21 =	vmov s18;
	v25 =	vld [tilespmem:s15+$0xD6F0]  }
0x1fa: {  	v21 =	vand.u32 $0x7C, v21;
	v24 =	vld [tilespmem:s15+$0xD6E0]  }
0x1fb: {  	v34 =	vadd.s32 v8, v21;
	v30 =	vadd.s32 v9, v21;
	v22 =	vld [tilespmem:s15+$0xD6D0]  }
0x1fc: {  	s18 =	sadd.s32 $0xFFFFFFFE, s23;
	v28 =	vadd.s32 v10, v21;
	v29 =	vld [tilespmem:s15+$0xD6C0]  }
0x1fd: {  	v27 =	vadd.s32 v11, v21;
	v23 =	vld [tilespmem:s15+$0xD6B0]  }
0x1fe: {  	v21 =	vmov s18;
	v33 =	vld [tilespmem:s15+$0xD630]  }
0x1ff: {  	v35 =	vld [tilespmem:s15+$0xD610]  }
0x200: {  	v38 =	vand.u32 $0x7D, v21;
	v37 =	vld [tilespmem:s15+$0xD600]  }
0x201: {  	v31 =	vadd.s32 v8, v38;
	v42 =	vld [tilespmem:s15+$0xD620]  }
0x202: {  	v32 =	vadd.s32 v9, v38;
	v21 =	vmul.f32 $8.000000000e+00, v29;
	v26 =	vld [tilespmem:s15+$0xD6A0];
	v23 =	vmul.f32 $8.000000000e+00, v23  }
0x203: {  	v22 =	vmul.f32 $8.000000000e+00, v22;
	v29 =	vld [tilespmem:s15+$0xD690];
	v36 =	vmul.f32 $8.000000000e+00, v33  }
.Ltmp4:
0x204: {  	v24 =	vmul.f32 $8.000000000e+00, v24;
	v33 =	vadd.s32 v10, v38;
	v39 =	vld [tilespmem:s15+$0xD640];
	v43 =	vmul.f32 $8.000000000e+00, v35;
	(pc) =	sbr.rel @p2 .LBB2_7-.Ltmp4, $4  }
0x205: {  	v25 =	vmul.f32 $8.000000000e+00, v25;
	v35 =	vadd.s32 v11, v38;
	v40 =	vld [tilespmem:s15+$0xD650];
	v37 =	vmul.f32 $8.000000000e+00, v37  }
0x206: {  	v41 =	vld [tilespmem:s15+$0xD660];
	v42 =	vmul.f32 $8.000000000e+00, v42  }
0x207: {  	v43 =	vadd.f32 v43, v18;
	v38 =	vld [tilespmem:s15+$0xD670];
	v44 =	vadd.f32 v37, v19  }
0x208: {  	v37 =	vld [tilespmem:s15+$0xD680];
	v42 =	vadd.f32 v42, v17  }
0x209: {  	_ =	sdelay $0x3  }
0x20a: {  	s15 =	sadd.s32 $0xFFFFFFFF, s23;
	v39 =	vmul.f32 $8.000000000e+00, v39;
	[tilespmem:v34+s28+$0x0] =	vst.idx.msk $0xffff, v44  }
0x20b: {  	v36 =	vadd.f32 v36, v16;
	v53 =	vmov s15;
	v40 =	vmul.f32 $8.000000000e+00, v40;
	[tilespmem:v30+s28+$0x0] =	vst.idx.msk $0xffff, v43  }
0x20c: {  	v30 =	vmul.f32 $8.000000000e+00, v41;
	v39 =	vadd.f32 v39, v19;
	[tilespmem:v28+s28+$0x0] =	vst.idx.msk $0xffff, v42;
	v28 =	vand.u32 $0x7E, v53  }
0x20d: {  	v54 =	vmul.f32 $8.000000000e+00, v38;
	v55 =	vadd.f32 v40, v18;
	[tilespmem:v27+s28+$0x0] =	vst.idx.msk $0xffff, v36;
	v27 =	vadd.s32 v8, v28  }
0x20e: {  	v56 =	vmul.f32 $8.000000000e+00, v37;
	v30 =	vadd.f32 v30, v17;
	[tilespmem:v31+s28+$0x0] =	vst.idx.msk $0xffff, v39;
	v31 =	vadd.s32 v9, v28  }
0x20f: {  	v29 =	vmul.f32 $8.000000000e+00, v29;
	v57 =	vadd.s32 v10, v28;
	v34 =	vadd.f32 v54, v16;
	[tilespmem:v32+s28+$0x0] =	vst.idx.msk $0xffff, v55  }
0x210: {  	v26 =	vmul.f32 $8.000000000e+00, v26;
	v28 =	vadd.s32 v11, v28;
	v36 =	vadd.f32 v56, v19;
	[tilespmem:v33+s28+$0x0] =	vst.idx.msk $0xffff, v30  }
0x211: {  	v29 =	vadd.f32 v29, v18;
	v30 =	vadd.s32 v8, v20;
	[tilespmem:v35+s28+$0x0] =	vst.idx.msk $0xffff, v34  }
0x212: {  	v26 =	vadd.f32 v26, v17;
	[tilespmem:v27+s28+$0x0] =	vst.idx.msk $0xffff, v36;
	v27 =	vadd.s32 v9, v20  }
0x213: {  	v23 =	vadd.f32 v23, v16;
	[tilespmem:v31+s28+$0x0] =	vst.idx.msk $0xffff, v29;
	v29 =	vadd.s32 v10, v20  }
0x214: {  	v19 =	vadd.f32 v21, v19;
	v20 =	vadd.s32 v11, v20;
	[tilespmem:v57+s28+$0x0] =	vst.idx.msk $0xffff, v26  }
0x215: {  	v18 =	vadd.f32 v22, v18;
	[tilespmem:v28+s28+$0x0] =	vst.idx.msk $0xffff, v23  }
0x216: {  	s22 =	sshll.u32 s22, $0x12;
	v17 =	vadd.f32 v24, v17;
	[tilespmem:v30+s28+$0x0] =	vst.idx.msk $0xffff, v19  }
0x217: {  	s15 =	sor.u32 s7, s22;
	v16 =	vadd.f32 v25, v16;
	[tilespmem:v27+s28+$0x0] =	vst.idx.msk $0xffff, v18  }
0x218: {  	s22 =	sshrl.u32 s15, $0x3;
	[tilespmem:v29+s28+$0x0] =	vst.idx.msk $0xffff, v17  }
0x219: {  	s18 =	simm.s32 $0x15A00;
	s15 =	sadd.s32 s2, s22;
	[tilespmem:v20+s28+$0x0] =	vst.idx.msk $0xffff, v16  }
0x21a: {  	[hbm4b:s15+s3] =	stream.linear.scatter [tilespmem:s18], [sflag:$0x7], $0x80, $0x38;
	[tilespmem:$0x19E00] =	vst v63  }
0x21b: {  	s24 =	simm.s32 $0x15A88;
	s23 =	sadd.s32 $0x10, s15  }
0x21c: {  	[hbm4b:s23+s3] =	stream.linear.scatter [tilespmem:s24], [sflag:$0x7], $0x80, $0x38;
	[tilespmem:$0x19E00] =	vst v63  }
0x21d: {  	s23 =	sadd.s32 $0x20, s15;
	s24 =	simm.s32 $0x15B10  }
0x21e: {  	[hbm4b:s23+s3] =	stream.linear.scatter [tilespmem:s24], [sflag:$0x7], $0x80, $0x38;
	[tilespmem:$0x19E00] =	vst v63  }
0x21f: {  	s23 =	sadd.s32 $0x30, s15;
	s24 =	simm.s32 $0x15B98  }
0x220: {  	[hbm4b:s23+s3] =	stream.linear.scatter [tilespmem:s24], [sflag:$0x7], $0x80, $0x38;
	[tilespmem:$0x19E00] =	vst v63  }
0x221: {  	s23 =	sadd.s32 $0x40, s15;
	s24 =	simm.s32 $0x15C20  }
0x222: {  	[hbm4b:s23+s3] =	stream.linear.scatter [tilespmem:s24], [sflag:$0x7], $0x80, $0x38;
	[tilespmem:$0x19E00] =	vst v63  }
0x223: {  	s23 =	sadd.s32 $0x50, s15;
	s24 =	simm.s32 $0x15CA8  }
0x224: {  	[hbm4b:s23+s3] =	stream.linear.scatter [tilespmem:s24], [sflag:$0x7], $0x80, $0x38;
	[tilespmem:$0x19E00] =	vst v63  }
0x225: {  	s23 =	sadd.s32 $0x60, s15;
	s24 =	simm.s32 $0x15D30  }
0x226: {  	[hbm4b:s23+s3] =	stream.linear.scatter [tilespmem:s24], [sflag:$0x7], $0x80, $0x38;
	[tilespmem:$0x19E00] =	vst v63  }
0x227: {  	s15 =	sadd.s32 $0x70, s15;
	s23 =	simm.s32 $0x15DB8  }
0x228: {  	[hbm4b:s15+s3] =	stream.linear.scatter [tilespmem:s23], [sflag:$0x7], $0x80, $0x38;
	[tilespmem:$0x19E00] =	vst v63  }
0x229: {  	s24 =	simm.s32 $0x15E40;
	s15 =	sadd.s32 s22, s8  }
0x22a: {  	[hbm4b:s15+s3] =	stream.linear.scatter [tilespmem:s24], [sflag:$0x7], $0x80, $0x38;
	[tilespmem:$0x19E00] =	vst v63  }
0x22b: {  	s23 =	sadd.s32 $0x10, s15;
	s24 =	simm.s32 $0x15EC8  }
0x22c: {  	[hbm4b:s23+s3] =	stream.linear.scatter [tilespmem:s24], [sflag:$0x7], $0x80, $0x38;
	[tilespmem:$0x19E00] =	vst v63  }
0x22d: {  	s23 =	sadd.s32 $0x20, s15;
	s24 =	simm.s32 $0x15F50  }
0x22e: {  	[hbm4b:s23+s3] =	stream.linear.scatter [tilespmem:s24], [sflag:$0x7], $0x80, $0x38;
	[tilespmem:$0x19E00] =	vst v63  }
0x22f: {  	s23 =	sadd.s32 $0x30, s15;
	s24 =	simm.s32 $0x15FD8  }
0x230: {  	[hbm4b:s23+s3] =	stream.linear.scatter [tilespmem:s24], [sflag:$0x7], $0x80, $0x38;
	[tilespmem:$0x19E00] =	vst v63  }
0x231: {  	s23 =	sadd.s32 $0x40, s15;
	s24 =	simm.s32 $0x16060  }
0x232: {  	[hbm4b:s23+s3] =	stream.linear.scatter [tilespmem:s24], [sflag:$0x7], $0x80, $0x38;
	[tilespmem:$0x19E00] =	vst v63  }
0x233: {  	s23 =	sadd.s32 $0x50, s15;
	s24 =	simm.s32 $0x160E8  }
0x234: {  	[hbm4b:s23+s3] =	stream.linear.scatter [tilespmem:s24], [sflag:$0x7], $0x80, $0x38;
	[tilespmem:$0x19E00] =	vst v63  }
0x235: {  	s23 =	sadd.s32 $0x60, s15;
	s24 =	simm.s32 $0x16170  }
0x236: {  	[hbm4b:s23+s3] =	stream.linear.scatter [tilespmem:s24], [sflag:$0x7], $0x80, $0x38;
	[tilespmem:$0x19E00] =	vst v63  }
0x237: {  	s15 =	sadd.s32 $0x70, s15;
	s23 =	simm.s32 $0x161F8  }
0x238: {  	[hbm4b:s15+s3] =	stream.linear.scatter [tilespmem:s23], [sflag:$0x7], $0x80, $0x38;
	[tilespmem:$0x19E00] =	vst v63  }
0x239: {  	s24 =	simm.s32 $0x16280;
	s15 =	sadd.s32 s22, s9  }
0x23a: {  	[hbm4b:s15+s3] =	stream.linear.scatter [tilespmem:s24], [sflag:$0x7], $0x80, $0x38;
	[tilespmem:$0x19E00] =	vst v63  }
0x23b: {  	s23 =	sadd.s32 $0x10, s15;
	s24 =	simm.s32 $0x16308  }
0x23c: {  	[hbm4b:s23+s3] =	stream.linear.scatter [tilespmem:s24], [sflag:$0x7], $0x80, $0x38;
	[tilespmem:$0x19E00] =	vst v63  }
0x23d: {  	s23 =	sadd.s32 $0x20, s15;
	s24 =	simm.s32 $0x16390  }
0x23e: {  	[hbm4b:s23+s3] =	stream.linear.scatter [tilespmem:s24], [sflag:$0x7], $0x80, $0x38;
	[tilespmem:$0x19E00] =	vst v63  }
0x23f: {  	s23 =	sadd.s32 $0x30, s15;
	s24 =	simm.s32 $0x16418  }
0x240: {  	[hbm4b:s23+s3] =	stream.linear.scatter [tilespmem:s24], [sflag:$0x7], $0x80, $0x38;
	[tilespmem:$0x19E00] =	vst v63  }
0x241: {  	s23 =	sadd.s32 $0x40, s15;
	s24 =	simm.s32 $0x164A0  }
0x242: {  	[hbm4b:s23+s3] =	stream.linear.scatter [tilespmem:s24], [sflag:$0x7], $0x80, $0x38;
	[tilespmem:$0x19E00] =	vst v63  }
0x243: {  	s23 =	sadd.s32 $0x50, s15;
	s24 =	simm.s32 $0x16528  }
0x244: {  	[hbm4b:s23+s3] =	stream.linear.scatter [tilespmem:s24], [sflag:$0x7], $0x80, $0x38;
	[tilespmem:$0x19E00] =	vst v63  }
0x245: {  	s23 =	sadd.s32 $0x60, s15;
	s24 =	simm.s32 $0x165B0  }
0x246: {  	[hbm4b:s23+s3] =	stream.linear.scatter [tilespmem:s24], [sflag:$0x7], $0x80, $0x38;
	[tilespmem:$0x19E00] =	vst v63  }
0x247: {  	s15 =	sadd.s32 $0x70, s15;
	s23 =	simm.s32 $0x16638  }
0x248: {  	[hbm4b:s15+s3] =	stream.linear.scatter [tilespmem:s23], [sflag:$0x7], $0x80, $0x38;
	[tilespmem:$0x19E00] =	vst v63  }
0x249: {  	s24 =	simm.s32 $0x166C0;
	s15 =	sadd.s32 s22, s10  }
0x24a: {  	[hbm4b:s15+s3] =	stream.linear.scatter [tilespmem:s24], [sflag:$0x7], $0x80, $0x38;
	[tilespmem:$0x19E00] =	vst v63  }
0x24b: {  	s23 =	sadd.s32 $0x10, s15;
	s24 =	simm.s32 $0x16748  }
0x24c: {  	[hbm4b:s23+s3] =	stream.linear.scatter [tilespmem:s24], [sflag:$0x7], $0x80, $0x38;
	[tilespmem:$0x19E00] =	vst v63  }
0x24d: {  	s23 =	sadd.s32 $0x20, s15;
	s24 =	simm.s32 $0x167D0  }
0x24e: {  	[hbm4b:s23+s3] =	stream.linear.scatter [tilespmem:s24], [sflag:$0x7], $0x80, $0x38;
	[tilespmem:$0x19E00] =	vst v63  }
0x24f: {  	s23 =	sadd.s32 $0x30, s15;
	s24 =	simm.s32 $0x16858  }
0x250: {  	[hbm4b:s23+s3] =	stream.linear.scatter [tilespmem:s24], [sflag:$0x7], $0x80, $0x38;
	[tilespmem:$0x19E00] =	vst v63  }
0x251: {  	s23 =	sadd.s32 $0x40, s15;
	s24 =	simm.s32 $0x168E0  }
0x252: {  	[hbm4b:s23+s3] =	stream.linear.scatter [tilespmem:s24], [sflag:$0x7], $0x80, $0x38;
	[tilespmem:$0x19E00] =	vst v63  }
0x253: {  	s23 =	sadd.s32 $0x50, s15;
	s24 =	simm.s32 $0x16968  }
0x254: {  	[hbm4b:s23+s3] =	stream.linear.scatter [tilespmem:s24], [sflag:$0x7], $0x80, $0x38;
	[tilespmem:$0x19E00] =	vst v63  }
0x255: {  	s23 =	sadd.s32 $0x60, s15;
	s24 =	simm.s32 $0x169F0  }
0x256: {  	[hbm4b:s23+s3] =	stream.linear.scatter [tilespmem:s24], [sflag:$0x7], $0x80, $0x38;
	[tilespmem:$0x19E00] =	vst v63  }
0x257: {  	s15 =	sadd.s32 $0x70, s15;
	s23 =	simm.s32 $0x16A78  }
0x258: {  	[hbm4b:s15+s3] =	stream.linear.scatter [tilespmem:s23], [sflag:$0x7], $0x80, $0x38;
	[tilespmem:$0x19E00] =	vst v63  }
0x259: {  	s24 =	simm.s32 $0x16B00;
	s15 =	sadd.s32 s22, s11  }
0x25a: {  	[hbm4b:s15+s3] =	stream.linear.scatter [tilespmem:s24], [sflag:$0x7], $0x80, $0x38;
	[tilespmem:$0x19E00] =	vst v63  }
0x25b: {  	s23 =	sadd.s32 $0x10, s15;
	s24 =	simm.s32 $0x16B88  }
0x25c: {  	[hbm4b:s23+s3] =	stream.linear.scatter [tilespmem:s24], [sflag:$0x7], $0x80, $0x38;
	[tilespmem:$0x19E00] =	vst v63  }
0x25d: {  	s23 =	sadd.s32 $0x20, s15;
	s24 =	simm.s32 $0x16C10  }
0x25e: {  	[hbm4b:s23+s3] =	stream.linear.scatter [tilespmem:s24], [sflag:$0x7], $0x80, $0x38;
	[tilespmem:$0x19E00] =	vst v63  }
0x25f: {  	s23 =	sadd.s32 $0x30, s15;
	s24 =	simm.s32 $0x16C98  }
0x260: {  	[hbm4b:s23+s3] =	stream.linear.scatter [tilespmem:s24], [sflag:$0x7], $0x80, $0x38;
	[tilespmem:$0x19E00] =	vst v63  }
0x261: {  	s23 =	sadd.s32 $0x40, s15;
	s24 =	simm.s32 $0x16D20  }
0x262: {  	[hbm4b:s23+s3] =	stream.linear.scatter [tilespmem:s24], [sflag:$0x7], $0x80, $0x38;
	[tilespmem:$0x19E00] =	vst v63  }
0x263: {  	s23 =	sadd.s32 $0x50, s15;
	s24 =	simm.s32 $0x16DA8  }
0x264: {  	[hbm4b:s23+s3] =	stream.linear.scatter [tilespmem:s24], [sflag:$0x7], $0x80, $0x38;
	[tilespmem:$0x19E00] =	vst v63  }
0x265: {  	s23 =	sadd.s32 $0x60, s15;
	s24 =	simm.s32 $0x16E30  }
0x266: {  	[hbm4b:s23+s3] =	stream.linear.scatter [tilespmem:s24], [sflag:$0x7], $0x80, $0x38;
	[tilespmem:$0x19E00] =	vst v63  }
0x267: {  	s15 =	sadd.s32 $0x70, s15;
	s23 =	simm.s32 $0x16EB8  }
0x268: {  	[hbm4b:s15+s3] =	stream.linear.scatter [tilespmem:s23], [sflag:$0x7], $0x80, $0x38;
	[tilespmem:$0x19E00] =	vst v63  }
0x269: {  	s24 =	simm.s32 $0x16F40;
	s15 =	sadd.s32 s22, s12  }
0x26a: {  	[hbm4b:s15+s3] =	stream.linear.scatter [tilespmem:s24], [sflag:$0x7], $0x80, $0x38;
	[tilespmem:$0x19E00] =	vst v63  }
0x26b: {  	s23 =	sadd.s32 $0x10, s15;
	s24 =	simm.s32 $0x16FC8  }
0x26c: {  	[hbm4b:s23+s3] =	stream.linear.scatter [tilespmem:s24], [sflag:$0x7], $0x80, $0x38;
	[tilespmem:$0x19E00] =	vst v63  }
0x26d: {  	s23 =	sadd.s32 $0x20, s15;
	s24 =	simm.s32 $0x17050  }
0x26e: {  	[hbm4b:s23+s3] =	stream.linear.scatter [tilespmem:s24], [sflag:$0x7], $0x80, $0x38;
	[tilespmem:$0x19E00] =	vst v63  }
0x26f: {  	s23 =	sadd.s32 $0x30, s15;
	s24 =	simm.s32 $0x170D8  }
0x270: {  	[hbm4b:s23+s3] =	stream.linear.scatter [tilespmem:s24], [sflag:$0x7], $0x80, $0x38;
	[tilespmem:$0x19E00] =	vst v63  }
0x271: {  	s23 =	sadd.s32 $0x40, s15;
	s24 =	simm.s32 $0x17160  }
0x272: {  	[hbm4b:s23+s3] =	stream.linear.scatter [tilespmem:s24], [sflag:$0x7], $0x80, $0x38;
	[tilespmem:$0x19E00] =	vst v63  }
0x273: {  	s23 =	sadd.s32 $0x50, s15;
	s24 =	simm.s32 $0x171E8  }
0x274: {  	[hbm4b:s23+s3] =	stream.linear.scatter [tilespmem:s24], [sflag:$0x7], $0x80, $0x38;
	[tilespmem:$0x19E00] =	vst v63  }
0x275: {  	s23 =	sadd.s32 $0x60, s15;
	s24 =	simm.s32 $0x17270  }
0x276: {  	[hbm4b:s23+s3] =	stream.linear.scatter [tilespmem:s24], [sflag:$0x7], $0x80, $0x38;
	[tilespmem:$0x19E00] =	vst v63  }
0x277: {  	s15 =	sadd.s32 $0x70, s15;
	s23 =	simm.s32 $0x172F8  }
0x278: {  	[hbm4b:s15+s3] =	stream.linear.scatter [tilespmem:s23], [sflag:$0x7], $0x80, $0x38;
	[tilespmem:$0x19E00] =	vst v63  }
0x279: {  	s24 =	simm.s32 $0x17380;
	s15 =	sadd.s32 s22, s13  }
0x27a: {  	[hbm4b:s15+s3] =	stream.linear.scatter [tilespmem:s24], [sflag:$0x7], $0x80, $0x38;
	[tilespmem:$0x19E00] =	vst v63  }
0x27b: {  	s23 =	sadd.s32 $0x10, s15;
	s24 =	simm.s32 $0x17408  }
0x27c: {  	[hbm4b:s23+s3] =	stream.linear.scatter [tilespmem:s24], [sflag:$0x7], $0x80, $0x38;
	[tilespmem:$0x19E00] =	vst v63  }
0x27d: {  	s23 =	sadd.s32 $0x20, s15;
	s24 =	simm.s32 $0x17490  }
0x27e: {  	[hbm4b:s23+s3] =	stream.linear.scatter [tilespmem:s24], [sflag:$0x7], $0x80, $0x38;
	[tilespmem:$0x19E00] =	vst v63  }
0x27f: {  	s23 =	sadd.s32 $0x30, s15;
	s24 =	simm.s32 $0x17518  }
0x280: {  	[hbm4b:s23+s3] =	stream.linear.scatter [tilespmem:s24], [sflag:$0x7], $0x80, $0x38;
	[tilespmem:$0x19E00] =	vst v63  }
0x281: {  	s23 =	sadd.s32 $0x40, s15;
	s24 =	simm.s32 $0x175A0  }
0x282: {  	[hbm4b:s23+s3] =	stream.linear.scatter [tilespmem:s24], [sflag:$0x7], $0x80, $0x38;
	[tilespmem:$0x19E00] =	vst v63  }
0x283: {  	s23 =	sadd.s32 $0x50, s15;
	s24 =	simm.s32 $0x17628  }
0x284: {  	[hbm4b:s23+s3] =	stream.linear.scatter [tilespmem:s24], [sflag:$0x7], $0x80, $0x38;
	[tilespmem:$0x19E00] =	vst v63  }
0x285: {  	s23 =	sadd.s32 $0x60, s15;
	s24 =	simm.s32 $0x176B0  }
0x286: {  	[hbm4b:s23+s3] =	stream.linear.scatter [tilespmem:s24], [sflag:$0x7], $0x80, $0x38;
	[tilespmem:$0x19E00] =	vst v63  }
0x287: {  	s15 =	sadd.s32 $0x70, s15;
	s24 =	simm.s32 $0x17738  }
0x288: {  	[hbm4b:s15+s3] =	stream.linear.scatter [tilespmem:s24], [sflag:$0x7], $0x80, $0x38;
	[tilespmem:$0x19E00] =	vst v63  }
0x289: {  	s15 =	sadd.s32 s22, s14;
	s22 =	simm.s32 $0x177C0  }
0x28a: {  	[hbm4b:s15+s3] =	stream.linear.scatter [tilespmem:s22], [sflag:$0x7], $0x80, $0x38;
	[tilespmem:$0x19E00] =	vst v63  }
0x28b: {  	s24 =	simm.s32 $0x17848;
	s23 =	sadd.s32 $0x10, s15  }
0x28c: {  	[hbm4b:s23+s3] =	stream.linear.scatter [tilespmem:s24], [sflag:$0x7], $0x80, $0x38;
	[tilespmem:$0x19E00] =	vst v63  }
0x28d: {  	s23 =	sadd.s32 $0x20, s15;
	s24 =	simm.s32 $0x178D0  }
0x28e: {  	[hbm4b:s23+s3] =	stream.linear.scatter [tilespmem:s24], [sflag:$0x7], $0x80, $0x38;
	[tilespmem:$0x19E00] =	vst v63  }
0x28f: {  	s23 =	sadd.s32 $0x30, s15;
	s24 =	simm.s32 $0x17958  }
0x290: {  	[hbm4b:s23+s3] =	stream.linear.scatter [tilespmem:s24], [sflag:$0x7], $0x80, $0x38;
	[tilespmem:$0x19E00] =	vst v63  }
0x291: {  	s23 =	sadd.s32 $0x40, s15;
	s24 =	simm.s32 $0x179E0  }
0x292: {  	[hbm4b:s23+s3] =	stream.linear.scatter [tilespmem:s24], [sflag:$0x7], $0x80, $0x38;
	[tilespmem:$0x19E00] =	vst v63  }
0x293: {  	s23 =	sadd.s32 $0x50, s15;
	s24 =	simm.s32 $0x17A68  }
0x294: {  	[hbm4b:s23+s3] =	stream.linear.scatter [tilespmem:s24], [sflag:$0x7], $0x80, $0x38;
	[tilespmem:$0x19E00] =	vst v63  }
0x295: {  	s23 =	sadd.s32 $0x60, s15;
	s24 =	simm.s32 $0x17AF0  }
0x296: {  	[hbm4b:s23+s3] =	stream.linear.scatter [tilespmem:s24], [sflag:$0x7], $0x80, $0x38;
	[tilespmem:$0x19E00] =	vst v63  }
0x297: {  	s15 =	sadd.s32 $0x70, s15;
	s23 =	simm.s32 $0x17B78  }
0x298: {  	[hbm4b:s15+s3] =	stream.linear.scatter [tilespmem:s23], [sflag:$0x7], $0x80, $0x38;
	[tilespmem:$0x19E00] =	vst v63  }
0x299: {  	s18 =	simm.s32 @!p1 $0x80;
	s15 =	sadd.s32 @!p1 $0x300, s21;
	s21 =	simm.s32 @!p1 $0xD600  }
0x29a: {  	[tilespmem:s21], [sflag:$0x3] =	stream.indirect.gather @!p1 [hbm4b:s4+s18], $0x40, s15, s18, $0xb8;
	[tilespmem:$0x19E00] =	vst v63  }
0x29b: {  	_ =	swait.ge [sflag:s30], $0x2000  }
0x29c: {  	[sflag:s30] =	ssyncset.done $0x0  }
0x29d: {  	s15 =	simm.s32 @!p0 $0x8;
	[sflag:s30] =	ssyncadd.s32 $0xFFFFE000  }
0x29e: {  	s20 =	sor.u32 $0x3, s20;
	_ =	swait.ge @!p0 [sflag:s15], $0x2000  }
0x29f: {  	s24 =	sshll.u32 s20, $0x6;
	[sflag:s15] =	ssyncset.done @!p0 $0x0  }
0x2a0: {  	s21 =	sand.u32 $0x3FFFFFC0, s24;
	[sflag:s15] =	ssyncadd.s32 @!p0 $0xFFFFE000  }
0x2a1: {  	v19 =	vld [tilespmem:s21+$0x6400]  }
0x2a2: {  	v18 =	vld [tilespmem:s21+$0x6410]  }
0x2a3: {  	v17 =	vld [tilespmem:s21+$0x6420]  }
0x2a4: {  	s22 =	simm.s32 $0x0;
	v16 =	vld [tilespmem:s21+$0x6430]  }
0x2a5: {  	v25 =	vld [tilespmem:s22+$0xF6F0]  }
0x2a6: {  	v24 =	vld [tilespmem:s22+$0xF6E0]  }
0x2a7: {  	v22 =	vld [tilespmem:s22+$0xF6D0]  }
0x2a8: {  	v21 =	vld [tilespmem:s22+$0xF6C0]  }
0x2a9: {  	v23 =	vld [tilespmem:s22+$0xF6B0]  }
0x2aa: {  	s23 =	simm.s32 $0x0;
	v31 =	vld [tilespmem:s22+$0xF630]  }
0x2ab: {  	v26 =	vmov s23;
	v58 =	vld [tilespmem:s22+$0xF610]  }
0x2ac: {  	s24 =	simm.s32 $0x1;
	v27 =	vand.u32 $0x7C, v26;
	v59 =	vld [tilespmem:s22+$0xF600]  }
0x2ad: {  	v60 =	vmov s24;
	v34 =	vadd.s32 v12, v27;
	v30 =	vadd.s32 v13, v27;
	v61 =	vld [tilespmem:s22+$0xF620]  }
0x2ae: {  	v28 =	vadd.s32 v14, v27;
	v27 =	vadd.s32 v15, v27;
	v35 =	vand.u32 $0x7D, v60;
	v26 =	vld [tilespmem:s22+$0xF6A0]  }
0x2af: {  	v32 =	vadd.s32 v13, v35;
	v33 =	vadd.s32 v14, v35;
	s21 =	simm.s32 $0x3;
	v29 =	vld [tilespmem:s22+$0xF690];
	v23 =	vmul.f32 $8.000000000e+00, v23  }
0x2b0: {  	v39 =	vld [tilespmem:s22+$0xF640];
	v20 =	vmov s21;
	v21 =	vmul.f32 $8.000000000e+00, v21;
	v36 =	vmul.f32 $8.000000000e+00, v31  }
0x2b1: {  	v40 =	vld [tilespmem:s22+$0xF650];
	v20 =	vand.u32 $0x7F, v20;
	v22 =	vmul.f32 $8.000000000e+00, v22;
	v63 =	vmul.f32 $8.000000000e+00, v59  }
0x2b2: {  	v41 =	vld [tilespmem:s22+$0xF660];
	v31 =	vadd.s32 v12, v35;
	v62 =	vmul.f32 $8.000000000e+00, v58;
	v45 =	vmul.f32 $8.000000000e+00, v61  }
0x2b3: {  	v38 =	vld [tilespmem:s22+$0xF670];
	v24 =	vmul.f32 $8.000000000e+00, v24;
	v25 =	vmul.f32 $8.000000000e+00, v25;
	v44 =	vadd.f32 v63, v19  }
0x2b4: {  	v37 =	vld [tilespmem:s22+$0xF680];
	s22 =	simm.s32 $0x400;
	v35 =	vadd.s32 v15, v35;
	v43 =	vadd.f32 v62, v18;
	v42 =	vadd.f32 v45, v17  }
.LBB2_9:
0x2b5: {  	p0 =	sne.s32 s22, $0x7C00;
	s15 =	sadd.s32 $0xFFFFFFFF, s21;
	v39 =	vmul.f32 $8.000000000e+00, v39;
	[tilespmem:v34+s28+$0x0] =	vst.idx.msk $0xffff, v44;
	s21 =	sadd.s32 $0x4, s21  }
0x2b6: {  	v36 =	vadd.f32 v36, v16;
	v34 =	vmov s15;
	v40 =	vmul.f32 $8.000000000e+00, v40;
	[tilespmem:v30+s28+$0x0] =	vst.idx.msk $0xffff, v43;
	s15 =	smov.u32 s22;
	s22 =	sadd.s32 $0x400, s22  }
0x2b7: {  	v30 =	vmul.f32 $8.000000000e+00, v41;
	v39 =	vadd.f32 v39, v19;
	[tilespmem:v28+s28+$0x0] =	vst.idx.msk $0xffff, v42;
	v28 =	vand.u32 $0x7E, v34  }
0x2b8: {  	v34 =	vmul.f32 $8.000000000e+00, v38;
	v38 =	vadd.f32 v40, v18;
	[tilespmem:v27+s28+$0x0] =	vst.idx.msk $0xffff, v36;
	v27 =	vadd.s32 v12, v28  }
0x2b9: {  	v36 =	vmul.f32 $8.000000000e+00, v37;
	v30 =	vadd.f32 v30, v17;
	[tilespmem:v31+s28+$0x0] =	vst.idx.msk $0xffff, v39;
	v31 =	vadd.s32 v13, v28  }
0x2ba: {  	v29 =	vmul.f32 $8.000000000e+00, v29;
	v34 =	vadd.f32 v34, v16;
	[tilespmem:v32+s28+$0x0] =	vst.idx.msk $0xffff, v38;
	v32 =	vadd.s32 v14, v28  }
0x2bb: {  	v26 =	vmul.f32 $8.000000000e+00, v26;
	v28 =	vadd.s32 v15, v28;
	v36 =	vadd.f32 v36, v19;
	[tilespmem:v33+s28+$0x0] =	vst.idx.msk $0xffff, v30  }
0x2bc: {  	s15 =	sshra.s32 s15, $0x2;
	v29 =	vadd.f32 v29, v18;
	v30 =	vmov s21;
	v33 =	vadd.s32 v12, v20;
	[tilespmem:v35+s28+$0x0] =	vst.idx.msk $0xffff, v34  }
0x2bd: {  	v26 =	vadd.f32 v26, v17;
	v30 =	vand.u32 $0x7F, v30;
	[tilespmem:v27+s28+$0x0] =	vst.idx.msk $0xffff, v36;
	v27 =	vadd.s32 v13, v20  }
0x2be: {  	v23 =	vadd.f32 v23, v16;
	[tilespmem:v31+s28+$0x0] =	vst.idx.msk $0xffff, v29;
	v29 =	vadd.s32 v14, v20  }
0x2bf: {  	v21 =	vadd.f32 v21, v19;
	[tilespmem:v32+s28+$0x0] =	vst.idx.msk $0xffff, v26;
	v26 =	vadd.s32 v15, v20;
	v20 =	vmov v30  }
0x2c0: {  	v22 =	vadd.f32 v22, v18;
	[tilespmem:v28+s28+$0x0] =	vst.idx.msk $0xffff, v23  }
0x2c1: {  	v23 =	vadd.f32 v24, v17;
	[tilespmem:v33+s28+$0x0] =	vst.idx.msk $0xffff, v21  }
0x2c2: {  	v21 =	vadd.f32 v25, v16;
	[tilespmem:v27+s28+$0x0] =	vst.idx.msk $0xffff, v22  }
0x2c3: {  	[tilespmem:v29+s28+$0x0] =	vst.idx.msk $0xffff, v23  }
0x2c4: {  	s18 =	sadd.s32 $0xFFFFFFFD, s21;
	[tilespmem:v26+s28+$0x0] =	vst.idx.msk $0xffff, v21  }
0x2c5: {  	v21 =	vmov s18;
	v25 =	vld [tilespmem:s15+$0xF6F0]  }
0x2c6: {  	v21 =	vand.u32 $0x7C, v21;
	v24 =	vld [tilespmem:s15+$0xF6E0]  }
0x2c7: {  	v34 =	vadd.s32 v12, v21;
	v30 =	vadd.s32 v13, v21;
	v22 =	vld [tilespmem:s15+$0xF6D0]  }
0x2c8: {  	s18 =	sadd.s32 $0xFFFFFFFE, s21;
	v28 =	vadd.s32 v14, v21;
	v29 =	vld [tilespmem:s15+$0xF6C0]  }
0x2c9: {  	v27 =	vadd.s32 v15, v21;
	v23 =	vld [tilespmem:s15+$0xF6B0]  }
0x2ca: {  	v21 =	vmov s18;
	v33 =	vld [tilespmem:s15+$0xF630]  }
0x2cb: {  	v35 =	vld [tilespmem:s15+$0xF610]  }
0x2cc: {  	v38 =	vand.u32 $0x7D, v21;
	v37 =	vld [tilespmem:s15+$0xF600]  }
0x2cd: {  	v31 =	vadd.s32 v12, v38;
	v42 =	vld [tilespmem:s15+$0xF620]  }
0x2ce: {  	v32 =	vadd.s32 v13, v38;
	v21 =	vmul.f32 $8.000000000e+00, v29;
	v26 =	vld [tilespmem:s15+$0xF6A0];
	v23 =	vmul.f32 $8.000000000e+00, v23  }
0x2cf: {  	v22 =	vmul.f32 $8.000000000e+00, v22;
	v29 =	vld [tilespmem:s15+$0xF690];
	v36 =	vmul.f32 $8.000000000e+00, v33  }
.Ltmp5:
0x2d0: {  	v24 =	vmul.f32 $8.000000000e+00, v24;
	v33 =	vadd.s32 v14, v38;
	v39 =	vld [tilespmem:s15+$0xF640];
	v43 =	vmul.f32 $8.000000000e+00, v35;
	(pc) =	sbr.rel @p0 .LBB2_9-.Ltmp5, $4  }
0x2d1: {  	v25 =	vmul.f32 $8.000000000e+00, v25;
	v35 =	vadd.s32 v15, v38;
	v40 =	vld [tilespmem:s15+$0xF650];
	v37 =	vmul.f32 $8.000000000e+00, v37  }
0x2d2: {  	v41 =	vld [tilespmem:s15+$0xF660];
	v42 =	vmul.f32 $8.000000000e+00, v42  }
0x2d3: {  	v43 =	vadd.f32 v43, v18;
	v38 =	vld [tilespmem:s15+$0xF670];
	v44 =	vadd.f32 v37, v19  }
0x2d4: {  	v37 =	vld [tilespmem:s15+$0xF680];
	v42 =	vadd.f32 v42, v17  }
0x2d5: {  	_ =	sdelay $0x3  }
0x2d6: {  	s15 =	sadd.s32 $0xFFFFFFFF, s21;
	v39 =	vmul.f32 $8.000000000e+00, v39;
	[tilespmem:v34+s28+$0x0] =	vst.idx.msk $0xffff, v44  }
0x2d7: {  	v36 =	vadd.f32 v36, v16;
	v49 =	vmov s15;
	v40 =	vmul.f32 $8.000000000e+00, v40;
	[tilespmem:v30+s28+$0x0] =	vst.idx.msk $0xffff, v43  }
0x2d8: {  	v50 =	vmul.f32 $8.000000000e+00, v41;
	v39 =	vadd.f32 v39, v19;
	[tilespmem:v28+s28+$0x0] =	vst.idx.msk $0xffff, v42;
	v51 =	vand.u32 $0x7E, v49  }
0x2d9: {  	v52 =	vmul.f32 $8.000000000e+00, v38;
	v53 =	vadd.f32 v40, v18;
	[tilespmem:v27+s28+$0x0] =	vst.idx.msk $0xffff, v36;
	v54 =	vadd.s32 v12, v51  }
0x2da: {  	v56 =	vadd.s32 v13, v51;
	v55 =	vmul.f32 $8.000000000e+00, v37;
	v30 =	vadd.f32 v50, v17;
	[tilespmem:v31+s28+$0x0] =	vst.idx.msk $0xffff, v39  }
0x2db: {  	v29 =	vmul.f32 $8.000000000e+00, v29;
	v57 =	vadd.s32 v14, v51;
	v34 =	vadd.f32 v52, v16;
	[tilespmem:v32+s28+$0x0] =	vst.idx.msk $0xffff, v53  }
0x2dc: {  	v26 =	vmul.f32 $8.000000000e+00, v26;
	v28 =	vadd.s32 v15, v51;
	v36 =	vadd.f32 v55, v19;
	[tilespmem:v33+s28+$0x0] =	vst.idx.msk $0xffff, v30  }
0x2dd: {  	v58 =	vadd.s32 v12, v20;
	v29 =	vadd.f32 v29, v18;
	[tilespmem:v35+s28+$0x0] =	vst.idx.msk $0xffff, v34  }
0x2de: {  	v59 =	vadd.s32 v13, v20;
	v26 =	vadd.f32 v26, v17;
	[tilespmem:v54+s28+$0x0] =	vst.idx.msk $0xffff, v36  }
0x2df: {  	v23 =	vadd.f32 v23, v16;
	v60 =	vadd.s32 v14, v20;
	[tilespmem:v56+s28+$0x0] =	vst.idx.msk $0xffff, v29  }
0x2e0: {  	v61 =	vadd.f32 v21, v19;
	v62 =	vadd.s32 v15, v20;
	[tilespmem:v57+s28+$0x0] =	vst.idx.msk $0xffff, v26  }
0x2e1: {  	v63 =	vadd.f32 v22, v18;
	[tilespmem:v28+s28+$0x0] =	vst.idx.msk $0xffff, v23  }
0x2e2: {  	s20 =	sshll.u32 s20, $0x12;
	v17 =	vadd.f32 v24, v17;
	[tilespmem:v58+s28+$0x0] =	vst.idx.msk $0xffff, v61  }
0x2e3: {  	s15 =	sor.u32 s7, s20;
	v16 =	vadd.f32 v25, v16;
	[tilespmem:v59+s28+$0x0] =	vst.idx.msk $0xffff, v63  }
0x2e4: {  	s20 =	sshrl.u32 s15, $0x3;
	[tilespmem:v60+s28+$0x0] =	vst.idx.msk $0xffff, v17  }
0x2e5: {  	s18 =	simm.s32 $0x17C00;
	s15 =	sadd.s32 s2, s20;
	[tilespmem:v62+s28+$0x0] =	vst.idx.msk $0xffff, v16  }
0x2e6: {  	[hbm4b:s15+s3] =	stream.linear.scatter [tilespmem:s18], [sflag:$0x8], $0x80, $0x38;
	[tilespmem:$0x19E00] =	vst v63  }
0x2e7: {  	s22 =	simm.s32 $0x17C88;
	s21 =	sadd.s32 $0x10, s15  }
0x2e8: {  	[hbm4b:s21+s3] =	stream.linear.scatter [tilespmem:s22], [sflag:$0x8], $0x80, $0x38;
	[tilespmem:$0x19E00] =	vst v63  }
0x2e9: {  	s24 =	simm.s32 $0x17D10;
	s23 =	sadd.s32 $0x20, s15  }
0x2ea: {  	[hbm4b:s23+s3] =	stream.linear.scatter [tilespmem:s24], [sflag:$0x8], $0x80, $0x38;
	[tilespmem:$0x19E00] =	vst v63  }
0x2eb: {  	s21 =	sadd.s32 $0x30, s15;
	s22 =	simm.s32 $0x17D98  }
0x2ec: {  	[hbm4b:s21+s3] =	stream.linear.scatter [tilespmem:s22], [sflag:$0x8], $0x80, $0x38;
	[tilespmem:$0x19E00] =	vst v63  }
0x2ed: {  	s23 =	sadd.s32 $0x40, s15;
	s24 =	simm.s32 $0x17E20  }
0x2ee: {  	[hbm4b:s23+s3] =	stream.linear.scatter [tilespmem:s24], [sflag:$0x8], $0x80, $0x38;
	[tilespmem:$0x19E00] =	vst v63  }
0x2ef: {  	s21 =	sadd.s32 $0x50, s15;
	s22 =	simm.s32 $0x17EA8  }
0x2f0: {  	[hbm4b:s21+s3] =	stream.linear.scatter [tilespmem:s22], [sflag:$0x8], $0x80, $0x38;
	[tilespmem:$0x19E00] =	vst v63  }
0x2f1: {  	s23 =	sadd.s32 $0x60, s15;
	s24 =	simm.s32 $0x17F30  }
0x2f2: {  	[hbm4b:s23+s3] =	stream.linear.scatter [tilespmem:s24], [sflag:$0x8], $0x80, $0x38;
	[tilespmem:$0x19E00] =	vst v63  }
0x2f3: {  	s15 =	sadd.s32 $0x70, s15;
	s21 =	simm.s32 $0x17FB8  }
0x2f4: {  	[hbm4b:s15+s3] =	stream.linear.scatter [tilespmem:s21], [sflag:$0x8], $0x80, $0x38;
	[tilespmem:$0x19E00] =	vst v63  }
0x2f5: {  	s22 =	simm.s32 $0x18040;
	s15 =	sadd.s32 s20, s8  }
0x2f6: {  	[hbm4b:s15+s3] =	stream.linear.scatter [tilespmem:s22], [sflag:$0x8], $0x80, $0x38;
	[tilespmem:$0x19E00] =	vst v63  }
0x2f7: {  	s24 =	simm.s32 $0x180C8;
	s23 =	sadd.s32 $0x10, s15  }
0x2f8: {  	[hbm4b:s23+s3] =	stream.linear.scatter [tilespmem:s24], [sflag:$0x8], $0x80, $0x38;
	[tilespmem:$0x19E00] =	vst v63  }
0x2f9: {  	s21 =	sadd.s32 $0x20, s15;
	s22 =	simm.s32 $0x18150  }
0x2fa: {  	[hbm4b:s21+s3] =	stream.linear.scatter [tilespmem:s22], [sflag:$0x8], $0x80, $0x38;
	[tilespmem:$0x19E00] =	vst v63  }
0x2fb: {  	s23 =	sadd.s32 $0x30, s15;
	s24 =	simm.s32 $0x181D8  }
0x2fc: {  	[hbm4b:s23+s3] =	stream.linear.scatter [tilespmem:s24], [sflag:$0x8], $0x80, $0x38;
	[tilespmem:$0x19E00] =	vst v63  }
0x2fd: {  	s21 =	sadd.s32 $0x40, s15;
	s22 =	simm.s32 $0x18260  }
0x2fe: {  	[hbm4b:s21+s3] =	stream.linear.scatter [tilespmem:s22], [sflag:$0x8], $0x80, $0x38;
	[tilespmem:$0x19E00] =	vst v63  }
0x2ff: {  	s23 =	sadd.s32 $0x50, s15;
	s24 =	simm.s32 $0x182E8  }
0x300: {  	[hbm4b:s23+s3] =	stream.linear.scatter [tilespmem:s24], [sflag:$0x8], $0x80, $0x38;
	[tilespmem:$0x19E00] =	vst v63  }
0x301: {  	s21 =	sadd.s32 $0x60, s15;
	s22 =	simm.s32 $0x18370  }
0x302: {  	[hbm4b:s21+s3] =	stream.linear.scatter [tilespmem:s22], [sflag:$0x8], $0x80, $0x38;
	[tilespmem:$0x19E00] =	vst v63  }
0x303: {  	s15 =	sadd.s32 $0x70, s15;
	s23 =	simm.s32 $0x183F8  }
0x304: {  	[hbm4b:s15+s3] =	stream.linear.scatter [tilespmem:s23], [sflag:$0x8], $0x80, $0x38;
	[tilespmem:$0x19E00] =	vst v63  }
0x305: {  	s24 =	simm.s32 $0x18480;
	s15 =	sadd.s32 s20, s9  }
0x306: {  	[hbm4b:s15+s3] =	stream.linear.scatter [tilespmem:s24], [sflag:$0x8], $0x80, $0x38;
	[tilespmem:$0x19E00] =	vst v63  }
0x307: {  	s22 =	simm.s32 $0x18508;
	s21 =	sadd.s32 $0x10, s15  }
0x308: {  	[hbm4b:s21+s3] =	stream.linear.scatter [tilespmem:s22], [sflag:$0x8], $0x80, $0x38;
	[tilespmem:$0x19E00] =	vst v63  }
0x309: {  	s23 =	sadd.s32 $0x20, s15;
	s24 =	simm.s32 $0x18590  }
0x30a: {  	[hbm4b:s23+s3] =	stream.linear.scatter [tilespmem:s24], [sflag:$0x8], $0x80, $0x38;
	[tilespmem:$0x19E00] =	vst v63  }
0x30b: {  	s21 =	sadd.s32 $0x30, s15;
	s22 =	simm.s32 $0x18618  }
0x30c: {  	[hbm4b:s21+s3] =	stream.linear.scatter [tilespmem:s22], [sflag:$0x8], $0x80, $0x38;
	[tilespmem:$0x19E00] =	vst v63  }
0x30d: {  	s23 =	sadd.s32 $0x40, s15;
	s24 =	simm.s32 $0x186A0  }
0x30e: {  	[hbm4b:s23+s3] =	stream.linear.scatter [tilespmem:s24], [sflag:$0x8], $0x80, $0x38;
	[tilespmem:$0x19E00] =	vst v63  }
0x30f: {  	s21 =	sadd.s32 $0x50, s15;
	s22 =	simm.s32 $0x18728  }
0x310: {  	[hbm4b:s21+s3] =	stream.linear.scatter [tilespmem:s22], [sflag:$0x8], $0x80, $0x38;
	[tilespmem:$0x19E00] =	vst v63  }
0x311: {  	s23 =	sadd.s32 $0x60, s15;
	s24 =	simm.s32 $0x187B0  }
0x312: {  	[hbm4b:s23+s3] =	stream.linear.scatter [tilespmem:s24], [sflag:$0x8], $0x80, $0x38;
	[tilespmem:$0x19E00] =	vst v63  }
0x313: {  	s15 =	sadd.s32 $0x70, s15;
	s21 =	simm.s32 $0x18838  }
0x314: {  	[hbm4b:s15+s3] =	stream.linear.scatter [tilespmem:s21], [sflag:$0x8], $0x80, $0x38;
	[tilespmem:$0x19E00] =	vst v63  }
0x315: {  	s22 =	simm.s32 $0x188C0;
	s15 =	sadd.s32 s20, s10  }
0x316: {  	[hbm4b:s15+s3] =	stream.linear.scatter [tilespmem:s22], [sflag:$0x8], $0x80, $0x38;
	[tilespmem:$0x19E00] =	vst v63  }
0x317: {  	s24 =	simm.s32 $0x18948;
	s23 =	sadd.s32 $0x10, s15  }
0x318: {  	[hbm4b:s23+s3] =	stream.linear.scatter [tilespmem:s24], [sflag:$0x8], $0x80, $0x38;
	[tilespmem:$0x19E00] =	vst v63  }
0x319: {  	s21 =	sadd.s32 $0x20, s15;
	s22 =	simm.s32 $0x189D0  }
0x31a: {  	[hbm4b:s21+s3] =	stream.linear.scatter [tilespmem:s22], [sflag:$0x8], $0x80, $0x38;
	[tilespmem:$0x19E00] =	vst v63  }
0x31b: {  	s23 =	sadd.s32 $0x30, s15;
	s24 =	simm.s32 $0x18A58  }
0x31c: {  	[hbm4b:s23+s3] =	stream.linear.scatter [tilespmem:s24], [sflag:$0x8], $0x80, $0x38;
	[tilespmem:$0x19E00] =	vst v63  }
0x31d: {  	s21 =	sadd.s32 $0x40, s15;
	s22 =	simm.s32 $0x18AE0  }
0x31e: {  	[hbm4b:s21+s3] =	stream.linear.scatter [tilespmem:s22], [sflag:$0x8], $0x80, $0x38;
	[tilespmem:$0x19E00] =	vst v63  }
0x31f: {  	s23 =	sadd.s32 $0x50, s15;
	s24 =	simm.s32 $0x18B68  }
0x320: {  	[hbm4b:s23+s3] =	stream.linear.scatter [tilespmem:s24], [sflag:$0x8], $0x80, $0x38;
	[tilespmem:$0x19E00] =	vst v63  }
0x321: {  	s21 =	sadd.s32 $0x60, s15;
	s22 =	simm.s32 $0x18BF0  }
0x322: {  	[hbm4b:s21+s3] =	stream.linear.scatter [tilespmem:s22], [sflag:$0x8], $0x80, $0x38;
	[tilespmem:$0x19E00] =	vst v63  }
0x323: {  	s15 =	sadd.s32 $0x70, s15;
	s23 =	simm.s32 $0x18C78  }
0x324: {  	[hbm4b:s15+s3] =	stream.linear.scatter [tilespmem:s23], [sflag:$0x8], $0x80, $0x38;
	[tilespmem:$0x19E00] =	vst v63  }
0x325: {  	s24 =	simm.s32 $0x18D00;
	s15 =	sadd.s32 s20, s11  }
0x326: {  	[hbm4b:s15+s3] =	stream.linear.scatter [tilespmem:s24], [sflag:$0x8], $0x80, $0x38;
	[tilespmem:$0x19E00] =	vst v63  }
0x327: {  	s22 =	simm.s32 $0x18D88;
	s21 =	sadd.s32 $0x10, s15  }
0x328: {  	[hbm4b:s21+s3] =	stream.linear.scatter [tilespmem:s22], [sflag:$0x8], $0x80, $0x38;
	[tilespmem:$0x19E00] =	vst v63  }
0x329: {  	s23 =	sadd.s32 $0x20, s15;
	s24 =	simm.s32 $0x18E10  }
0x32a: {  	[hbm4b:s23+s3] =	stream.linear.scatter [tilespmem:s24], [sflag:$0x8], $0x80, $0x38;
	[tilespmem:$0x19E00] =	vst v63  }
0x32b: {  	s21 =	sadd.s32 $0x30, s15;
	s22 =	simm.s32 $0x18E98  }
0x32c: {  	[hbm4b:s21+s3] =	stream.linear.scatter [tilespmem:s22], [sflag:$0x8], $0x80, $0x38;
	[tilespmem:$0x19E00] =	vst v63  }
0x32d: {  	s23 =	sadd.s32 $0x40, s15;
	s24 =	simm.s32 $0x18F20  }
0x32e: {  	[hbm4b:s23+s3] =	stream.linear.scatter [tilespmem:s24], [sflag:$0x8], $0x80, $0x38;
	[tilespmem:$0x19E00] =	vst v63  }
0x32f: {  	s21 =	sadd.s32 $0x50, s15;
	s22 =	simm.s32 $0x18FA8  }
0x330: {  	[hbm4b:s21+s3] =	stream.linear.scatter [tilespmem:s22], [sflag:$0x8], $0x80, $0x38;
	[tilespmem:$0x19E00] =	vst v63  }
0x331: {  	s23 =	sadd.s32 $0x60, s15;
	s24 =	simm.s32 $0x19030  }
0x332: {  	[hbm4b:s23+s3] =	stream.linear.scatter [tilespmem:s24], [sflag:$0x8], $0x80, $0x38;
	[tilespmem:$0x19E00] =	vst v63  }
0x333: {  	s15 =	sadd.s32 $0x70, s15;
	s21 =	simm.s32 $0x190B8  }
0x334: {  	[hbm4b:s15+s3] =	stream.linear.scatter [tilespmem:s21], [sflag:$0x8], $0x80, $0x38;
	[tilespmem:$0x19E00] =	vst v63  }
0x335: {  	s22 =	simm.s32 $0x19140;
	s15 =	sadd.s32 s20, s12  }
0x336: {  	[hbm4b:s15+s3] =	stream.linear.scatter [tilespmem:s22], [sflag:$0x8], $0x80, $0x38;
	[tilespmem:$0x19E00] =	vst v63  }
0x337: {  	s24 =	simm.s32 $0x191C8;
	s23 =	sadd.s32 $0x10, s15  }
0x338: {  	[hbm4b:s23+s3] =	stream.linear.scatter [tilespmem:s24], [sflag:$0x8], $0x80, $0x38;
	[tilespmem:$0x19E00] =	vst v63  }
0x339: {  	s21 =	sadd.s32 $0x20, s15;
	s22 =	simm.s32 $0x19250  }
0x33a: {  	[hbm4b:s21+s3] =	stream.linear.scatter [tilespmem:s22], [sflag:$0x8], $0x80, $0x38;
	[tilespmem:$0x19E00] =	vst v63  }
0x33b: {  	s23 =	sadd.s32 $0x30, s15;
	s24 =	simm.s32 $0x192D8  }
0x33c: {  	[hbm4b:s23+s3] =	stream.linear.scatter [tilespmem:s24], [sflag:$0x8], $0x80, $0x38;
	[tilespmem:$0x19E00] =	vst v63  }
0x33d: {  	s21 =	sadd.s32 $0x40, s15;
	s22 =	simm.s32 $0x19360  }
0x33e: {  	[hbm4b:s21+s3] =	stream.linear.scatter [tilespmem:s22], [sflag:$0x8], $0x80, $0x38;
	[tilespmem:$0x19E00] =	vst v63  }
0x33f: {  	s23 =	sadd.s32 $0x50, s15;
	s24 =	simm.s32 $0x193E8  }
0x340: {  	[hbm4b:s23+s3] =	stream.linear.scatter [tilespmem:s24], [sflag:$0x8], $0x80, $0x38;
	[tilespmem:$0x19E00] =	vst v63  }
0x341: {  	s21 =	sadd.s32 $0x60, s15;
	s22 =	simm.s32 $0x19470  }
0x342: {  	[hbm4b:s21+s3] =	stream.linear.scatter [tilespmem:s22], [sflag:$0x8], $0x80, $0x38;
	[tilespmem:$0x19E00] =	vst v63  }
0x343: {  	s15 =	sadd.s32 $0x70, s15;
	s23 =	simm.s32 $0x194F8  }
0x344: {  	[hbm4b:s15+s3] =	stream.linear.scatter [tilespmem:s23], [sflag:$0x8], $0x80, $0x38;
	[tilespmem:$0x19E00] =	vst v63  }
0x345: {  	s24 =	simm.s32 $0x19580;
	s15 =	sadd.s32 s20, s13  }
0x346: {  	[hbm4b:s15+s3] =	stream.linear.scatter [tilespmem:s24], [sflag:$0x8], $0x80, $0x38;
	[tilespmem:$0x19E00] =	vst v63  }
0x347: {  	s22 =	simm.s32 $0x19608;
	s21 =	sadd.s32 $0x10, s15  }
0x348: {  	[hbm4b:s21+s3] =	stream.linear.scatter [tilespmem:s22], [sflag:$0x8], $0x80, $0x38;
	[tilespmem:$0x19E00] =	vst v63  }
0x349: {  	s23 =	sadd.s32 $0x20, s15;
	s24 =	simm.s32 $0x19690  }
0x34a: {  	[hbm4b:s23+s3] =	stream.linear.scatter [tilespmem:s24], [sflag:$0x8], $0x80, $0x38;
	[tilespmem:$0x19E00] =	vst v63  }
0x34b: {  	s21 =	sadd.s32 $0x30, s15;
	s22 =	simm.s32 $0x19718  }
0x34c: {  	[hbm4b:s21+s3] =	stream.linear.scatter [tilespmem:s22], [sflag:$0x8], $0x80, $0x38;
	[tilespmem:$0x19E00] =	vst v63  }
0x34d: {  	s23 =	sadd.s32 $0x40, s15;
	s24 =	simm.s32 $0x197A0  }
0x34e: {  	[hbm4b:s23+s3] =	stream.linear.scatter [tilespmem:s24], [sflag:$0x8], $0x80, $0x38;
	[tilespmem:$0x19E00] =	vst v63  }
0x34f: {  	s21 =	sadd.s32 $0x50, s15;
	s22 =	simm.s32 $0x19828  }
0x350: {  	[hbm4b:s21+s3] =	stream.linear.scatter [tilespmem:s22], [sflag:$0x8], $0x80, $0x38;
	[tilespmem:$0x19E00] =	vst v63  }
0x351: {  	s23 =	sadd.s32 $0x60, s15;
	s24 =	simm.s32 $0x198B0  }
0x352: {  	[hbm4b:s23+s3] =	stream.linear.scatter [tilespmem:s24], [sflag:$0x8], $0x80, $0x38;
	[tilespmem:$0x19E00] =	vst v63  }
0x353: {  	s15 =	sadd.s32 $0x70, s15;
	s21 =	simm.s32 $0x19938  }
0x354: {  	[hbm4b:s15+s3] =	stream.linear.scatter [tilespmem:s21], [sflag:$0x8], $0x80, $0x38;
	[tilespmem:$0x19E00] =	vst v63  }
0x355: {  	s22 =	simm.s32 $0x199C0;
	s15 =	sadd.s32 s20, s14  }
0x356: {  	[hbm4b:s15+s3] =	stream.linear.scatter [tilespmem:s22], [sflag:$0x8], $0x80, $0x38;
	[tilespmem:$0x19E00] =	vst v63  }
0x357: {  	s24 =	simm.s32 $0x19A48;
	s23 =	sadd.s32 $0x10, s15  }
0x358: {  	[hbm4b:s23+s3] =	stream.linear.scatter [tilespmem:s24], [sflag:$0x8], $0x80, $0x38;
	[tilespmem:$0x19E00] =	vst v63  }
0x359: {  	s20 =	sadd.s32 $0x20, s15  }
0x35a: {  	[hbm4b:s20+s3] =	stream.linear.scatter [tilespmem:s29], [sflag:$0x8], $0x80, $0x38;
	[tilespmem:$0x19E00] =	vst v63  }
0x35b: {  	s21 =	sadd.s32 $0x30, s15  }
0x35c: {  	[hbm4b:s21+s3] =	stream.linear.scatter [tilespmem:s31], [sflag:$0x8], $0x80, $0x38;
	[tilespmem:$0x19E00] =	vst v63  }
0x35d: {  	s22 =	sadd.s32 $0x40, s15  }
0x35e: {  	[hbm4b:s22+s3] =	stream.linear.scatter [tilespmem:s16], [sflag:$0x8], $0x80, $0x38;
	[tilespmem:$0x19E00] =	vst v63  }
0x35f: {  	s23 =	sadd.s32 $0x50, s15  }
0x360: {  	[hbm4b:s23+s3] =	stream.linear.scatter [tilespmem:s0], [sflag:$0x8], $0x80, $0x38;
	[tilespmem:$0x19E00] =	vst v63  }
.Ltmp6:
0x361: {  	_ = 	snop;
	(pc) =	sbr.rel @p1 .LBB2_12-.Ltmp6, $4  }
0x362: {  	s24 =	sadd.s32 $0x60, s15  }
0x363: {  	[hbm4b:s24+s3] =	stream.linear.scatter [tilespmem:s1], [sflag:$0x8], $0x80, $0x38;
	[tilespmem:$0x19E00] =	vst v63  }
0x364: {  	s15 =	sadd.s32 $0x70, s15  }
0x365: {  	[hbm4b:s15+s3] =	stream.linear.scatter [tilespmem:s17], [sflag:$0x8], $0x80, $0x38;
	[tilespmem:$0x19E00] =	vst v63  }
.Ltmp7:
0x366: {  	(pc) =	sbr.rel .LBB2_2-.Ltmp7, $4  }
0x367: {  	s15 =	sshll.u32 s19, $0x9  }
0x368: {  	s15 =	sand.u32 $0x3FFFFE00, s15  }
0x369: {  	s18 =	simm.s32 $0xF600;
	s19 =	sadd.s32 $0x1, s19;
	s15 =	sadd.s32 $0x380, s15  }
0x36a: {  	[tilespmem:s18], [sflag:$0x4] =	stream.indirect.gather [hbm4b:s4+s25], $0x40, s15, s25, $0xb8;
	[tilespmem:$0x19E00] =	vst v63  }
.LBB2_13:
0x36b: {  	_ =	sfence.sel $0x180000  }
0x36c: {  	[bflag:$0x0] =	sbarrier.arrive $0xFFFF  }
0x36d: {  	_ =	strace $0x90000047  }
0x36e: {  	s0 =	stileid.u32;
	[bflag:$0x2] =	sbarrier.arrive $0xFFFF  }
0x36f: {  	p0 =	sne.s32 s0, $0x0;
	s0 =	rddreg [dreg:$0x2]  }
0x370: {  	s0 =	sadd.s32 @!p0 $0x100000, s0  }
0x371: {  	[sflag:s0] =	ssyncadd.tile.s32 @!p0 $0x1;
	_ =	shalt  }
.Lfunc_end2:
_tile_overlayer_lowered:
.L_overlay_start_2:
0x372: {  	(tag) =	ssettag $0x2  }
0x373: {  	s0 =	rddreg [dreg:$0x0];
	s2 =	stileid.u32  }
0x374: {  	s1 =	rddreg [dreg:$0x1];
	p0 =	sne.s32 s2, $0x0  }
0x375: {  	s3 =	rddreg [dreg:$0x2];
	[bflag:$0x3] =	sbarrier.arrive $0xFFFF;
	s2 =	simm.s32 @!p0 $0x1C09  }
0x376: {  	[timem:s3], [sflag:s2] =	dma.local @!p0 [hbm:s0], s1  }
0x377: {  	s0 =	simm.s32 @!p0 $0x9  }
0x378: {  	_ =	swait.ge @!p0 [sflag:s0], s1  }
0x379: {  	s1 =	ssub.s32 @!p0 $0x0, s1;
	[sflag:s0] =	ssyncset.done @!p0 $0x0  }
0x37a: {  	[sflag:s0] =	ssyncadd.s32 @!p0 s1  }
0x37b: {  	[bflag:$0x3] =	sbarrier.arrive $0xFFFF  }
0x37c: {  	_ =	shalt  }

</sc_bundles>
